<compile_context>
chip_gen: v7x
topology: tpu7x:2x2x1
jax: 0.10.2.dev20260603
libtpu: 0.0.44.dev20260713+nightly
codegen_flags: <defaults>
</compile_context>

<pallas_src>
import functools

import jax
import jax.numpy as jnp
from jax import lax
from jax.experimental import pallas as pl
from jax.experimental.pallas import tpu as pltpu
from jax.experimental.pallas import tpu_sc as plsc

_B = 1024
_DIN = 512
_D = 256
_CAP = 65536
_K = 32
_CHUNK = 2048
_NCH = _CAP // _CHUNK
_GRP = 128
_NGRP = _CHUNK // _GRP
_DECAY = 0.01


def _scores_body(x_ref, we_ref, be_ref, c_ref, r0_ref, tau_ref, t_ref,
                 s_out, m_out, z_out, zn_scr):
    j = pl.program_id(0)

    @pl.when(j == 0)
    def _():
        z = jnp.dot(x_ref[...], we_ref[...],
                    preferred_element_type=jnp.float32)
        z = jnp.maximum(z + be_ref[...], 0.0)
        z_out[...] = z
        n = jnp.sqrt(jnp.sum(z * z, axis=1, keepdims=True))
        zn_scr[...] = z / jnp.maximum(n, 1e-8)

    c = c_ref[...]
    n2 = jnp.sum(c * c, axis=1, keepdims=True)
    cn = c / jnp.maximum(jnp.sqrt(n2), 1e-8)
    s = lax.dot_general(zn_scr[...], cn, (((1,), (1,)), ((), ())),
                        preferred_element_type=jnp.float32)
    sal = r0_ref[...] * jnp.exp(-_DECAY * tau_ref[...])
    sal = sal * (t_ref[...] != 0).astype(jnp.float32)
    s = s * sal
    s_out[...] = s
    m_out[0] = jnp.max(s.reshape(_B, _NGRP, _GRP), axis=2)


def _scores_call(x, W_enc, b_enc, c_buffer, r0, tau, t):
    return pl.pallas_call(
        _scores_body,
        grid=(_NCH,),
        in_specs=[
            pl.BlockSpec((_B, _DIN), lambda j: (0, 0)),
            pl.BlockSpec((_DIN, _D), lambda j: (0, 0)),
            pl.BlockSpec((1, _D), lambda j: (0, 0)),
            pl.BlockSpec((_CHUNK, _D), lambda j: (j, 0)),
            pl.BlockSpec((1, _CHUNK), lambda j: (0, j)),
            pl.BlockSpec((1, _CHUNK), lambda j: (0, j)),
            pl.BlockSpec((1, _CHUNK), lambda j: (0, j)),
        ],
        out_specs=[
            pl.BlockSpec((_B, _CHUNK), lambda j: (0, j)),
            pl.BlockSpec((1, _B, _NGRP), lambda j: (j, 0, 0)),
            pl.BlockSpec((_B, _D), lambda j: (0, 0)),
        ],
        out_shape=[
            jax.ShapeDtypeStruct((_B, _CAP), jnp.float32),
            jax.ShapeDtypeStruct((_NCH, _B, _NGRP), jnp.float32),
            jax.ShapeDtypeStruct((_B, _D), jnp.float32),
        ],
        scratch_shapes=[pltpu.VMEM((_B, _D), jnp.float32)],
    )(x, W_enc, b_enc.reshape(1, _D), c_buffer,
      r0.reshape(1, _CAP), tau.reshape(1, _CAP), t.reshape(1, _CAP))



_NEG = float(-3.0e38)
_NCHK = _CAP // _GRP


def _thresh_body(m_ref, t_ref):
    v = m_ref[...]
    for _ in range(_K - 1):
        mx = jnp.max(v, axis=1, keepdims=True)
        v = jnp.where(v == mx, _NEG, v)
    t_ref[...] = jnp.max(v, axis=1, keepdims=True)


def _thresh_call(m2d):
    return pl.pallas_call(
        _thresh_body,
        out_shape=jax.ShapeDtypeStruct((_B, 1), jnp.float32),
    )(m2d)



_NC = 2
_NS = 16
_NW = _NC * _NS
_RPW = _B // _NW
_SELCAP = 48
_CCAP = 256


def _sc_body(s2_hbm, m_hbm, t_hbm, zb_hbm, r2_hbm,
             m_v, t_v, pad_v, sel_a, sel_b, gbuf_a, gbuf_b, cval_v, cloc_v,
             wval_v, wloc_v, zidx_v, zrows_v, racc_v, sem_a, sem_b, sem_z):
    wid = lax.axis_index("s") * _NC + lax.axis_index("c")
    wbase = wid * _RPW
    iota16 = lax.iota(jnp.int32, 16)
    pltpu.sync_copy(m_hbm.at[pl.ds(wbase * _NCHK, _RPW * _NCHK)], m_v)
    pltpu.sync_copy(t_hbm.at[pl.ds(wbase, _RPW)], t_v)

    def phase1(i, sel_ref):
        grow = (wbase + i) * _NCHK
        tb = jnp.max(plsc.load_gather(t_v, [jnp.full((16,), i, jnp.int32)]))
        for q in range(_SELCAP // 16 + 1):
            pad_v[pl.ds(q * 16, 16)] = jnp.full((16,), grow, jnp.int32)

        def selchunk(j, cnt):
            m = m_v[pl.ds(i * _NCHK + j * 16, 16)]
            msk = m >= tb
            cidx = iota16 + (grow + j * 16)
            plsc.store_compressed(pad_v.at[pl.ds(cnt, 16)], cidx, mask=msk)
            return jnp.minimum(cnt + jnp.sum(msk.astype(jnp.int32)), _SELCAP)

        nsel = lax.fori_loop(0, _NCHK // 16, selchunk, 0)
        for q in range(_SELCAP // 16):
            sel_ref[pl.ds(q * 16, 16)] = pad_v[pl.ds(q * 16, 16)]
        return nsel, tb

    def issue_g(sel_ref, gbuf_ref, sem):
        return pltpu.async_copy(s2_hbm.at[sel_ref], gbuf_ref, sem)

    def part1(i, nsel, sel_ref, gbuf_ref):
        grow = (wbase + i) * _NCHK
        tb = jnp.max(plsc.load_gather(t_v, [jnp.full((16,), i, jnp.int32)]))

        def rescan(k, cnt):
            for v in range(_GRP // 16):
                s = gbuf_ref[k, pl.ds(v * 16, 16)]
                msk = s >= tb
                loc = iota16 + (k * _GRP + v * 16)
                plsc.store_compressed(cval_v.at[pl.ds(cnt, 16)], s, mask=msk)
                plsc.store_compressed(cloc_v.at[pl.ds(cnt, 16)], loc, mask=msk)
                cnt = jnp.minimum(cnt + jnp.sum(msk.astype(jnp.int32)), _CCAP)
            return cnt

        ncand = lax.fori_loop(0, nsel, rescan, 0)
        cval_v[pl.ds(ncand, 16)] = jnp.full((16,), _NEG, jnp.float32)
        cloc_v[pl.ds(ncand, 16)] = jnp.zeros((16,), jnp.int32)

        nv = (ncand + 15) >> 4

        def select_k(kk, _):
            def scanv(vi, carry):
                bv, bloc, bpos = carry
                mv_ = cval_v[pl.ds(vi * 16, 16)]
                lv_ = cloc_v[pl.ds(vi * 16, 16)]
                pv_ = iota16 + vi * 16
                upd = mv_ > bv
                return (jnp.where(upd, mv_, bv), jnp.where(upd, lv_, bloc),
                        jnp.where(upd, pv_, bpos))

            z16i = jnp.zeros((16,), jnp.int32)
            bv, bloc, bpos = lax.fori_loop(
                0, nv, scanv,
                (jnp.full((16,), _NEG, jnp.float32), z16i, z16i))
            mx = jnp.max(bv)
            lm = bv == mx
            big = jnp.int32(2 ** 30)
            wloc = jnp.min(jnp.where(lm, bloc, big))
            wpos = jnp.min(jnp.where(lm, bpos, big))
            m0 = iota16 == 0
            kkv = jnp.full((16,), kk, jnp.int32)
            plsc.store_scatter(wval_v, [kkv],
                               jnp.full((16,), mx, jnp.float32), mask=m0)
            plsc.store_scatter(wloc_v, [kkv],
                               jnp.full((16,), wloc, jnp.int32), mask=m0)
            plsc.store_scatter(cval_v, [jnp.full((16,), wpos, jnp.int32)],
                               jnp.full((16,), _NEG, jnp.float32), mask=m0)
            return 0

        lax.fori_loop(0, _K, select_k, 0)

        wv0 = wval_v[pl.ds(0, 16)]
        wv1 = wval_v[pl.ds(16, 16)]
        den = jnp.sum(wv0) + jnp.sum(wv1) + jnp.float32(1e-8)
        wval_v[pl.ds(0, 16)] = wv0 / den
        wval_v[pl.ds(16, 16)] = wv1 / den
        l0 = wloc_v[pl.ds(0, 16)]
        l1 = wloc_v[pl.ds(16, 16)]
        c0 = (plsc.load_gather(sel_ref, [l0 >> 7]) - grow) * _GRP + (l0 & 127)
        c1 = (plsc.load_gather(sel_ref, [l1 >> 7]) - grow) * _GRP + (l1 & 127)
        zidx_v[pl.ds(0, 16)] = c0
        zidx_v[pl.ds(16, 16)] = c1
        return pltpu.async_copy(zb_hbm.at[zidx_v], zrows_v, sem_a)

    def recall_row(i):

        def recall(k, acc):
            wk16 = plsc.load_gather(wval_v, [jnp.full((16,), k, jnp.int32)])
            wk = jnp.max(wk16)
            return tuple(acc[t] + wk * zrows_v[k, pl.ds(t * 16, 16)]
                         for t in range(_D // 16))

        zero16 = jnp.zeros((16,), jnp.float32)
        acc = lax.fori_loop(0, _K, recall, (zero16,) * (_D // 16))
        rbase = i * _D
        for t in range(_D // 16):
            racc_v[pl.ds(rbase + t * 16, 16)] = acc[t]

    def pair_body(t, _unused):
        i = 2 * t
        na, _ = phase1(i, sel_a)
        issue_g(sel_a, gbuf_a, sem_a).wait()
        zcp = part1(i, na, sel_a, gbuf_a)
        zcp.wait()
        recall_row(i)
        nb, _ = phase1(i + 1, sel_b)
        issue_g(sel_b, gbuf_b, sem_a).wait()
        zcp = part1(i + 1, nb, sel_b, gbuf_b)
        zcp.wait()
        recall_row(i + 1)
        return 0

    lax.fori_loop(0, _RPW // 2, pair_body, 0)
    pltpu.sync_copy(racc_v, r2_hbm.at[pl.ds(wbase * _D, _RPW * _D)])


@functools.partial(
    pl.kernel,
    out_type=jax.ShapeDtypeStruct((_B * _D,), jnp.float32),
    mesh=plsc.VectorSubcoreMesh(core_axis_name="c", subcore_axis_name="s"),
    compiler_params=pltpu.CompilerParams(needs_layout_passes=False),
    scratch_types=[
        pltpu.VMEM((_RPW * _NCHK,), jnp.float32),
        pltpu.VMEM((_RPW,), jnp.float32),
        pltpu.VMEM((_SELCAP + 16,), jnp.int32),
        pltpu.VMEM((_SELCAP,), jnp.int32),
        pltpu.VMEM((_SELCAP,), jnp.int32),
        pltpu.VMEM((_SELCAP, _GRP), jnp.float32),
        pltpu.VMEM((_SELCAP, _GRP), jnp.float32),
        pltpu.VMEM((_CCAP + 16,), jnp.float32),
        pltpu.VMEM((_CCAP + 16,), jnp.int32),
        pltpu.VMEM((_K,), jnp.float32),
        pltpu.VMEM((_K,), jnp.int32),
        pltpu.VMEM((_K,), jnp.int32),
        pltpu.VMEM((_K, _D), jnp.float32),
        pltpu.VMEM((_RPW * _D,), jnp.float32),
        pltpu.SemaphoreType.DMA,
        pltpu.SemaphoreType.DMA,
        pltpu.SemaphoreType.DMA,
    ],
)
def _sc_recall(s2_hbm, m_hbm, t_hbm, zb_hbm, r_hbm, *rest):
    _sc_body(s2_hbm, m_hbm, t_hbm, zb_hbm, r_hbm, *rest)




def _dec_body(z_ref, r_ref, w1a_ref, w1b_ref, b1_ref, w2_ref, b2_ref, o_ref):
    h = jnp.dot(z_ref[...], w1a_ref[...], preferred_element_type=jnp.float32)
    h = h + jnp.dot(r_ref[...], w1b_ref[...], preferred_element_type=jnp.float32)
    h = jnp.maximum(h + b1_ref[...], 0.0)
    o_ref[...] = jnp.dot(h, w2_ref[...],
                         preferred_element_type=jnp.float32) + b2_ref[...]


def _dec_call(z, r, W1, b1, W2, b2):
    return pl.pallas_call(
        _dec_body,
        out_shape=jax.ShapeDtypeStruct((_B, _CLS), jnp.float32),
    )(z, r, W1[:_D], W1[_D:], b1.reshape(1, -1), W2, b2.reshape(1, -1))


_CLS = 1000


def kernel(x, W_enc, b_enc, c_buffer, z_buffer, r0_buffer, tau_buffer,
           W1, b1, W2, b2, t_buffer):
    scores, m3, z = _scores_call(x, W_enc, b_enc, c_buffer,
                                 r0_buffer, tau_buffer, t_buffer)
    m2d = m3.transpose(1, 0, 2).reshape(_B, _NCH * _NGRP)
    t = _thresh_call(m2d)
    r = _sc_recall(scores.reshape(_B * _NCHK, _GRP), m2d.reshape(-1),
                   t.reshape(-1), z_buffer).reshape(_B, _D)
    h = _dec_call(z, r, W1, b1, W2, b2)
    return h

# --- scband reference (transcript-rebuilt; emitter-appended) ---
"""Pipeline reference for scband-epi-net-model-13142599925761 (READ-ONLY COPY).

The authoritative reference and input builder live on the scoring server;
editing this copy changes nothing except your own understanding.
"""

import jax, jax.numpy as jnp
import numpy as np

B = 1024
D_IN = 512
LATENT = 256
HIDDEN = 1024
CLASSES = 1000
CAP = 65536
TOPK = 32
DECAY = 0.01
CUR_TASK = 0


def setup_inputs(seed: int = 0) -> dict:
    key = jax.random.key(seed)
    ks = jax.random.split(key, 12)
    x = jax.random.normal(ks[0], (B, D_IN), dtype=jnp.float32)
    # Encoder: Linear(D_IN -> LATENT) + ReLU (assumed internals of Encoder(latent_dim))
    W_enc = jax.random.normal(ks[1], (D_IN, LATENT), dtype=jnp.float32) * (1.0 / np.sqrt(D_IN))
    b_enc = jnp.zeros((LATENT,), dtype=jnp.float32)
    # Episodic memory buffers (capacity CAP, fully populated)
    c_buffer = jax.random.normal(ks[2], (CAP, LATENT), dtype=jnp.float32)
    z_buffer = jax.random.normal(ks[3], (CAP, LATENT), dtype=jnp.float32)
    r0_buffer = jax.random.uniform(ks[4], (CAP,), dtype=jnp.float32, minval=0.05, maxval=1.0)
    tau_buffer = jax.random.uniform(ks[5], (CAP,), dtype=jnp.float32, minval=0.5, maxval=5.0)
    t_buffer = jax.random.randint(ks[6], (CAP,), 0, 8)
    # Decoder: concat(z, r) -> Linear(2*LATENT, HIDDEN) -> ReLU -> Linear(HIDDEN, CLASSES)
    W1 = jax.random.normal(ks[7], (2 * LATENT, HIDDEN), dtype=jnp.float32) * (1.0 / np.sqrt(2 * LATENT))
    b1 = jnp.zeros((HIDDEN,), dtype=jnp.float32)
    W2 = jax.random.normal(ks[8], (HIDDEN, CLASSES), dtype=jnp.float32) * (1.0 / np.sqrt(HIDDEN))
    b2 = jnp.zeros((CLASSES,), dtype=jnp.float32)
    return {
        "x": x, "W_enc": W_enc, "b_enc": b_enc,
        "c_buffer": c_buffer, "z_buffer": z_buffer,
        "r0_buffer": r0_buffer, "tau_buffer": tau_buffer,
        "W1": W1, "b1": b1, "W2": W2, "b2": b2,
        "t_buffer": t_buffer,
    }


def reference(x, W_enc, b_enc, c_buffer, z_buffer, r0_buffer, tau_buffer, W1, b1, W2, b2, t_buffer):
    # Encoder -> latent z
    z = jax.nn.relu(x @ W_enc + b_enc)
    # Salience with exponential decay, masking samples from current task
    salience = r0_buffer * jnp.exp(-DECAY * tau_buffer)
    salience = salience * (t_buffer != CUR_TASK).astype(jnp.float32)
    # Cosine similarity of queries z vs memory keys c_buffer
    zn = z / jnp.maximum(jnp.linalg.norm(z, axis=-1, keepdims=True), 1e-8)
    cn = c_buffer / jnp.maximum(jnp.linalg.norm(c_buffer, axis=-1, keepdims=True), 1e-8)
    scores = (zn @ cn.T) * salience[None, :]  # [B, CAP]
    # Top-k recall
    top_vals, top_idx = jax.lax.top_k(scores, TOPK)
    z_topk = jnp.take(z_buffer, top_idx, axis=0)  # [B, K, d]
    w = top_vals / (jnp.sum(top_vals, axis=-1, keepdims=True) + 1e-8)
    r = jnp.sum(w[..., None] * z_topk, axis=1)  # [B, d]
    # Decoder on concat(z, r)
    h = jax.nn.relu(jnp.concatenate([z, r], axis=-1) @ W1 + b1)
    logits = h @ W2 + b2
    return logits

if __name__ == "__main__":
    import jax
    _d = setup_inputs()
    print(jax.jit(kernel)(*tuple(_d.values())))

</pallas_src>

<mosaic_0001>
#map = affine_map<(d0, d1) -> (0, 0)>
#map1 = affine_map<(d0, d1) -> (0)>
module attributes {stable_mosaic.version = 14 : i64} {
  func.func @_sc_recall(%arg0: i32, %arg1: i32, %arg2: memref<524288x128xf32, #tpu.memory_space<hbm>>, %arg3: memref<524288xf32, #tpu.memory_space<hbm>>, %arg4: memref<1024xf32, #tpu.memory_space<hbm>>, %arg5: memref<65536x256xf32, #tpu.memory_space<hbm>>, %arg6: memref<262144xf32, #tpu.memory_space<hbm>>, %arg7: memref<16384xf32, #tpu.memory_space<vmem>>, %arg8: memref<32xf32, #tpu.memory_space<vmem>>, %arg9: memref<64xi32, #tpu.memory_space<vmem>>, %arg10: memref<48xi32, #tpu.memory_space<vmem>>, %arg11: memref<48xi32, #tpu.memory_space<vmem>>, %arg12: memref<48x128xf32, #tpu.memory_space<vmem>>, %arg13: memref<48x128xf32, #tpu.memory_space<vmem>>, %arg14: memref<272xf32, #tpu.memory_space<vmem>>, %arg15: memref<272xi32, #tpu.memory_space<vmem>>, %arg16: memref<32xf32, #tpu.memory_space<vmem>>, %arg17: memref<32xi32, #tpu.memory_space<vmem>>, %arg18: memref<32xi32, #tpu.memory_space<vmem>>, %arg19: memref<32x256xf32, #tpu.memory_space<vmem>>, %arg20: memref<8192xf32, #tpu.memory_space<vmem>>, %arg21: memref<!tpu.dma_semaphore, #tpu.memory_space<semaphore_mem>>, %arg22: memref<!tpu.dma_semaphore, #tpu.memory_space<semaphore_mem>>, %arg23: memref<!tpu.dma_semaphore, #tpu.memory_space<semaphore_mem>>) attributes {dimension_semantics = [#tpu.dimension_semantics<core_parallel>, #tpu.dimension_semantics<subcore_parallel>], iteration_bounds = array<i64: 2, 16>, scalar_prefetch = 0 : i64, scratch_operands = 17 : i64, tpu.core_type = #tpu.core_type<sc_vector_subcore>, window_params = [{transform_indices = #map}, {transform_indices = #map1}, {transform_indices = #map1}, {transform_indices = #map}, {transform_indices = #map1}]} {
    %mul3A = arith.constant 2 : i32
    %mul3A_0 = arith.muli %arg1, %mul3A : i32
    %add3A = arith.addi %mul3A_0, %arg0 : i32
    %mul3A_1 = arith.constant 32 : i32
    %mul3A_2 = arith.muli %add3A, %mul3A_1 : i32
    %iota3A = tpu.iota {dimensions = array<i32: 0>} : vector<16xi32>
    %mul3A_3 = arith.constant 512 : i32
    %mul3A_4 = arith.muli %mul3A_2, %mul3A_3 : i32
    "tpu.region"() ({
      %run_scoped3A = tpu.sem_alloc : memref<!tpu.dma_semaphore, #tpu.memory_space<semaphore_mem>>
      %dma_start3A = tpu.memref_slice %arg3[%mul3A_4] : memref<524288xf32, #tpu.memory_space<hbm>> -> memref<16384xf32, #tpu.memory_space<hbm>>
      %dma_start3A_13 = tpu.memref_slice %arg3[%mul3A_4] : memref<524288xf32, #tpu.memory_space<hbm>> -> memref<16384xf32, #tpu.memory_space<hbm>>
      tpu.enqueue_dma source(%dma_start3A_13 : memref<16384xf32, #tpu.memory_space<hbm>>) target(%arg7 : memref<16384xf32, #tpu.memory_space<vmem>>) target_semaphore(%run_scoped3A : memref<!tpu.dma_semaphore, #tpu.memory_space<semaphore_mem>>)
      %dma_wait3A = tpu.memref_slice %arg3[%mul3A_4] : memref<524288xf32, #tpu.memory_space<hbm>> -> memref<16384xf32, #tpu.memory_space<hbm>>
      %dma_wait3A_14 = tpu.memref_slice %arg3[%mul3A_4] : memref<524288xf32, #tpu.memory_space<hbm>> -> memref<16384xf32, #tpu.memory_space<hbm>>
      tpu.wait_dma2 semaphore(%run_scoped3A : memref<!tpu.dma_semaphore, #tpu.memory_space<semaphore_mem>>) src(%dma_wait3A_14 : memref<16384xf32, #tpu.memory_space<hbm>>) dst(%arg7 : memref<16384xf32, #tpu.memory_space<vmem>>)
      tpu.yield
    }) : () -> ()
    "tpu.region"() ({
      %run_scoped3A = tpu.sem_alloc : memref<!tpu.dma_semaphore, #tpu.memory_space<semaphore_mem>>
      %dma_start3A = tpu.memref_slice %arg4[%mul3A_2] : memref<1024xf32, #tpu.memory_space<hbm>> -> memref<32xf32, #tpu.memory_space<hbm>>
      %dma_start3A_13 = tpu.memref_slice %arg4[%mul3A_2] : memref<1024xf32, #tpu.memory_space<hbm>> -> memref<32xf32, #tpu.memory_space<hbm>>
      tpu.enqueue_dma source(%dma_start3A_13 : memref<32xf32, #tpu.memory_space<hbm>>) target(%arg8 : memref<32xf32, #tpu.memory_space<vmem>>) target_semaphore(%run_scoped3A : memref<!tpu.dma_semaphore, #tpu.memory_space<semaphore_mem>>)
      %dma_wait3A = tpu.memref_slice %arg4[%mul3A_2] : memref<1024xf32, #tpu.memory_space<hbm>> -> memref<32xf32, #tpu.memory_space<hbm>>
      %dma_wait3A_14 = tpu.memref_slice %arg4[%mul3A_2] : memref<1024xf32, #tpu.memory_space<hbm>> -> memref<32xf32, #tpu.memory_space<hbm>>
      tpu.wait_dma2 semaphore(%run_scoped3A : memref<!tpu.dma_semaphore, #tpu.memory_space<semaphore_mem>>) src(%dma_wait3A_14 : memref<32xf32, #tpu.memory_space<hbm>>) dst(%arg8 : memref<32xf32, #tpu.memory_space<vmem>>)
      tpu.yield
    }) : () -> ()
    %scan3A = arith.constant 0 : i32
    %scan3A_5 = arith.constant 0 : i32
    %scan3A_6 = arith.constant 16 : i32
    %scan3A_7 = arith.addi %scan3A_5, %scan3A_6 : i32
    %scan3A_8 = arith.constant 1 : i32
    %scan3A_9 = scf.for %scan3A_13 = %scan3A_5 to %scan3A_7 step %scan3A_8 iter_args(%scan3A_14 = %scan3A) -> (i32)  : i32 {
      %mul3A_15 = arith.constant 2 : i32
      %mul3A_16 = arith.muli %mul3A_15, %scan3A_13 : i32
      %add3A_17 = arith.addi %mul3A_2, %mul3A_16 : i32
      %mul3A_18 = arith.constant 512 : i32
      %mul3A_19 = arith.muli %add3A_17, %mul3A_18 : i32
      %broadcast_in_dim3A = vector.broadcast %mul3A_16 : i32 to vector<16xi32>
      %gather3A = tpu.vector_load_idx %arg8[%broadcast_in_dim3A] : memref<32xf32, #tpu.memory_space<vmem>>[vector<16xi32>], vector<16xf32>,
      %reduce_max3A = arith.constant true
      %reduce_max3A_20 = vector.broadcast %reduce_max3A : i1 to vector<16xi1>
      %reduce_max3A_21 = tpu.scan <max>, %gather3A masked %reduce_max3A_20 : vector<16xf32>, vector<16xi1> -> vector<16xf32>
      %reduce_max3A_22 = vector.extract %reduce_max3A_21[15] : f32 from vector<16xf32>
      %broadcast_in_dim3A_23 = vector.broadcast %mul3A_19 : i32 to vector<16xi32>
      %swap3A = arith.constant 0 : index
      %swap3A_24 = tpu.vector_load %arg9[%swap3A] {strides = array<i32>} : memref<64xi32, #tpu.memory_space<vmem>>, vector<16xi32>,
      tpu.vector_store %arg9[%swap3A], %broadcast_in_dim3A_23 {strides = array<i32>} : memref<64xi32, #tpu.memory_space<vmem>>, vector<16xi32>,
      %broadcast_in_dim3A_25 = vector.broadcast %mul3A_19 : i32 to vector<16xi32>
      %swap3A_26 = arith.constant 16 : index
      %swap3A_27 = tpu.vector_load %arg9[%swap3A_26] {strides = array<i32>} : memref<64xi32, #tpu.memory_space<vmem>>, vector<16xi32>,
      tpu.vector_store %arg9[%swap3A_26], %broadcast_in_dim3A_25 {strides = array<i32>} : memref<64xi32, #tpu.memory_space<vmem>>, vector<16xi32>,
      %broadcast_in_dim3A_28 = vector.broadcast %mul3A_19 : i32 to vector<16xi32>
      %swap3A_29 = arith.constant 32 : index
      %swap3A_30 = tpu.vector_load %arg9[%swap3A_29] {strides = array<i32>} : memref<64xi32, #tpu.memory_space<vmem>>, vector<16xi32>,
      tpu.vector_store %arg9[%swap3A_29], %broadcast_in_dim3A_28 {strides = array<i32>} : memref<64xi32, #tpu.memory_space<vmem>>, vector<16xi32>,
      %broadcast_in_dim3A_31 = vector.broadcast %mul3A_19 : i32 to vector<16xi32>
      %swap3A_32 = arith.constant 48 : index
      %swap3A_33 = tpu.vector_load %arg9[%swap3A_32] {strides = array<i32>} : memref<64xi32, #tpu.memory_space<vmem>>, vector<16xi32>,
      tpu.vector_store %arg9[%swap3A_32], %broadcast_in_dim3A_31 {strides = array<i32>} : memref<64xi32, #tpu.memory_space<vmem>>, vector<16xi32>,
      %scan3A_34 = arith.constant 0 : i32
      %scan3A_35 = arith.constant 0 : i32
      %scan3A_36 = arith.constant 32 : i32
      %scan3A_37 = arith.addi %scan3A_35, %scan3A_36 : i32
      %scan3A_38 = arith.constant 1 : i32
      %scan3A_39 = scf.for %scan3A_457 = %scan3A_35 to %scan3A_37 step %scan3A_38 iter_args(%scan3A_458 = %scan3A_34) -> (i32)  : i32 {
        %mul3A_459 = arith.constant 512 : i32
        %mul3A_460 = arith.muli %mul3A_16, %mul3A_459 : i32
        %mul3A_461 = arith.constant 16 : i32
        %mul3A_462 = arith.muli %scan3A_457, %mul3A_461 : i32
        %add3A_463 = arith.addi %mul3A_460, %mul3A_462 : i32
        %get3A_464 = arith.index_cast %add3A_463 : i32 to index
        %get3A_465 = tpu.vector_load %arg7[%get3A_464] {strides = array<i32>} : memref<16384xf32, #tpu.memory_space<vmem>>, vector<16xf32>,
        %ge3A = vector.broadcast %reduce_max3A_22 : f32 to vector<16xf32>
        %ge3A_466 = arith.cmpf oge, %get3A_465, %ge3A : vector<16xf32>
        %mul3A_467 = arith.constant 16 : i32
        %mul3A_468 = arith.muli %scan3A_457, %mul3A_467 : i32
        %add3A_469 = arith.addi %mul3A_19, %mul3A_468 : i32
        %add3A_470 = vector.broadcast %add3A_469 : i32 to vector<16xi32>
        %add3A_471 = arith.addi %iota3A, %add3A_470 : vector<16xi32>
        %swap3A_472 = arith.index_cast %scan3A_458 : i32 to index
        %swap3A_473 = tpu.vector_load %arg9[%swap3A_472] masked %ge3A_466 {strides = array<i32>} : memref<64xi32, #tpu.memory_space<vmem>>, vector<16xi32>, vector<16xi1>
        tpu.vector_store %arg9[%swap3A_472], %add3A_471 masked %ge3A_466 {strides = array<i32>} : memref<64xi32, #tpu.memory_space<vmem>>, vector<16xi32>, vector<16xi1>
        %convert_element_type3A = arith.extui %ge3A_466 : vector<16xi1> to vector<16xi32>
        %reduce_sum3A_474 = arith.constant true
        %reduce_sum3A_475 = vector.broadcast %reduce_sum3A_474 : i1 to vector<16xi1>
        %reduce_sum3A_476 = tpu.scan <sum>, %convert_element_type3A masked %reduce_sum3A_475 : vector<16xi32>, vector<16xi1> -> vector<16xi32>
        %reduce_sum3A_477 = vector.extract %reduce_sum3A_476[15] : i32 from vector<16xi32>
        %add3A_478 = arith.addi %scan3A_458, %reduce_sum3A_477 : i32
        %min3A = arith.constant 48 : i32
        %min3A_479 = arith.minsi %add3A_478, %min3A : i32
        scf.yield %min3A_479 : i32
      }
      %scan3A_40 = arith.constant 32 : i32
      %get3A = arith.constant 0 : index
      %get3A_41 = tpu.vector_load %arg9[%get3A] {strides = array<i32>} : memref<64xi32, #tpu.memory_space<vmem>>, vector<16xi32>,
      %swap3A_42 = arith.constant 0 : index
      %swap3A_43 = tpu.vector_load %arg10[%swap3A_42] {strides = array<i32>} : memref<48xi32, #tpu.memory_space<vmem>>, vector<16xi32>,
      tpu.vector_store %arg10[%swap3A_42], %get3A_41 {strides = array<i32>} : memref<48xi32, #tpu.memory_space<vmem>>, vector<16xi32>,
      %get3A_44 = arith.constant 16 : index
      %get3A_45 = tpu.vector_load %arg9[%get3A_44] {strides = array<i32>} : memref<64xi32, #tpu.memory_space<vmem>>, vector<16xi32>,
      %swap3A_46 = arith.constant 16 : index
      %swap3A_47 = tpu.vector_load %arg10[%swap3A_46] {strides = array<i32>} : memref<48xi32, #tpu.memory_space<vmem>>, vector<16xi32>,
      tpu.vector_store %arg10[%swap3A_46], %get3A_45 {strides = array<i32>} : memref<48xi32, #tpu.memory_space<vmem>>, vector<16xi32>,
      %get3A_48 = arith.constant 32 : index
      %get3A_49 = tpu.vector_load %arg9[%get3A_48] {strides = array<i32>} : memref<64xi32, #tpu.memory_space<vmem>>, vector<16xi32>,
      %swap3A_50 = arith.constant 32 : index
      %swap3A_51 = tpu.vector_load %arg10[%swap3A_50] {strides = array<i32>} : memref<48xi32, #tpu.memory_space<vmem>>, vector<16xi32>,
      tpu.vector_store %arg10[%swap3A_50], %get3A_49 {strides = array<i32>} : memref<48xi32, #tpu.memory_space<vmem>>, vector<16xi32>,
      %dma_start3A = arith.constant 0 : i32
      %dma_start3A_52 = arith.constant 0 : i32
      %dma_start3A_53 = tpu.memref_slice %arg2[%dma_start3A, %dma_start3A_52] : memref<524288x128xf32, #tpu.memory_space<hbm>> -> memref<524288x128xf32, #tpu.memory_space<hbm>>
      tpu.enqueue_indirect_dma source(%dma_start3A_53 : memref<524288x128xf32, #tpu.memory_space<hbm>>) target(%arg12 : memref<48x128xf32, #tpu.memory_space<vmem>>) offsets(%arg10 : memref<48xi32, #tpu.memory_space<vmem>>) semaphore(%arg21 : memref<!tpu.dma_semaphore, #tpu.memory_space<semaphore_mem>>)
      %dma_wait3A = arith.constant 0 : i32
      %dma_wait3A_54 = arith.constant 0 : i32
      %dma_wait3A_55 = tpu.memref_slice %arg2[%dma_wait3A, %dma_wait3A_54] : memref<524288x128xf32, #tpu.memory_space<hbm>> -> memref<524288x128xf32, #tpu.memory_space<hbm>>
      tpu.wait_indirect_dma semaphore(%arg21 : memref<!tpu.dma_semaphore, #tpu.memory_space<semaphore_mem>>) src(%dma_wait3A_55 : memref<524288x128xf32, #tpu.memory_space<hbm>>) dst(%arg12 : memref<48x128xf32, #tpu.memory_space<vmem>>)
      %add3A_56 = arith.addi %mul3A_2, %mul3A_16 : i32
      %mul3A_57 = arith.constant 512 : i32
      %mul3A_58 = arith.muli %add3A_56, %mul3A_57 : i32
      %broadcast_in_dim3A_59 = vector.broadcast %mul3A_16 : i32 to vector<16xi32>
      %gather3A_60 = tpu.vector_load_idx %arg8[%broadcast_in_dim3A_59] : memref<32xf32, #tpu.memory_space<vmem>>[vector<16xi32>], vector<16xf32>,
      %reduce_max3A_61 = arith.constant true
      %reduce_max3A_62 = vector.broadcast %reduce_max3A_61 : i1 to vector<16xi1>
      %reduce_max3A_63 = tpu.scan <max>, %gather3A_60 masked %reduce_max3A_62 : vector<16xf32>, vector<16xi1> -> vector<16xf32>
      %reduce_max3A_64 = vector.extract %reduce_max3A_63[15] : f32 from vector<16xf32>
      %while3A = arith.constant 0 : i32
      %while3A_65 = arith.constant 0 : i32
      %while3A_66 = arith.subi %scan3A_39, %while3A : i32
      %while3A_67 = arith.addi %while3A, %while3A_66 : i32
      %while3A_68 = arith.constant 1 : i32
      %while3A_69 = arith.divsi %while3A_66, %while3A_68 : i32
      %while3A_70 = arith.muli %while3A_69, %while3A_68 : i32
      %while3A_71 = arith.addi %while3A, %while3A_70 : i32
      %while3A_72 = arith.constant 1 : i32
      %while3A_73 = scf.for %while3A_457 = %while3A to %while3A_71 step %while3A_72 iter_args(%while3A_458 = %while3A_65) -> (i32)  : i32 {
        %get3A_459 = arith.index_cast %while3A_457 : i32 to index
        %get3A_460 = arith.constant 0 : index
        %get3A_461 = tpu.vector_load %arg12[%get3A_459, %get3A_460] {strides = array<i32>} : memref<48x128xf32, #tpu.memory_space<vmem>>, vector<16xf32>,
        %ge3A = vector.broadcast %reduce_max3A_64 : f32 to vector<16xf32>
        %ge3A_462 = arith.cmpf oge, %get3A_461, %ge3A : vector<16xf32>
        %mul3A_463 = arith.constant 128 : i32
        %mul3A_464 = arith.muli %while3A_457, %mul3A_463 : i32
        %add3A_465 = arith.constant 0 : i32
        %add3A_466 = arith.addi %mul3A_464, %add3A_465 : i32
        %add3A_467 = vector.broadcast %add3A_466 : i32 to vector<16xi32>
        %add3A_468 = arith.addi %iota3A, %add3A_467 : vector<16xi32>
        %swap3A_469 = arith.index_cast %while3A_458 : i32 to index
        %swap3A_470 = tpu.vector_load %arg14[%swap3A_469] masked %ge3A_462 {strides = array<i32>} : memref<272xf32, #tpu.memory_space<vmem>>, vector<16xf32>, vector<16xi1>
        tpu.vector_store %arg14[%swap3A_469], %get3A_461 masked %ge3A_462 {strides = array<i32>} : memref<272xf32, #tpu.memory_space<vmem>>, vector<16xf32>, vector<16xi1>
        %swap3A_471 = arith.index_cast %while3A_458 : i32 to index
        %swap3A_472 = tpu.vector_load %arg15[%swap3A_471] masked %ge3A_462 {strides = array<i32>} : memref<272xi32, #tpu.memory_space<vmem>>, vector<16xi32>, vector<16xi1>
        tpu.vector_store %arg15[%swap3A_471], %add3A_468 masked %ge3A_462 {strides = array<i32>} : memref<272xi32, #tpu.memory_space<vmem>>, vector<16xi32>, vector<16xi1>
        %convert_element_type3A = arith.extui %ge3A_462 : vector<16xi1> to vector<16xi32>
        %reduce_sum3A_473 = arith.constant true
        %reduce_sum3A_474 = vector.broadcast %reduce_sum3A_473 : i1 to vector<16xi1>
        %reduce_sum3A_475 = tpu.scan <sum>, %convert_element_type3A masked %reduce_sum3A_474 : vector<16xi32>, vector<16xi1> -> vector<16xi32>
        %reduce_sum3A_476 = vector.extract %reduce_sum3A_475[15] : i32 from vector<16xi32>
        %add3A_477 = arith.addi %while3A_458, %reduce_sum3A_476 : i32
        %min3A = arith.constant 256 : i32
        %min3A_478 = arith.minsi %add3A_477, %min3A : i32
        %get3A_479 = arith.index_cast %while3A_457 : i32 to index
        %get3A_480 = arith.constant 16 : index
        %get3A_481 = tpu.vector_load %arg12[%get3A_479, %get3A_480] {strides = array<i32>} : memref<48x128xf32, #tpu.memory_space<vmem>>, vector<16xf32>,
        %ge3A_482 = vector.broadcast %reduce_max3A_64 : f32 to vector<16xf32>
        %ge3A_483 = arith.cmpf oge, %get3A_481, %ge3A_482 : vector<16xf32>
        %mul3A_484 = arith.constant 128 : i32
        %mul3A_485 = arith.muli %while3A_457, %mul3A_484 : i32
        %add3A_486 = arith.constant 16 : i32
        %add3A_487 = arith.addi %mul3A_485, %add3A_486 : i32
        %add3A_488 = vector.broadcast %add3A_487 : i32 to vector<16xi32>
        %add3A_489 = arith.addi %iota3A, %add3A_488 : vector<16xi32>
        %swap3A_490 = arith.index_cast %min3A_478 : i32 to index
        %swap3A_491 = tpu.vector_load %arg14[%swap3A_490] masked %ge3A_483 {strides = array<i32>} : memref<272xf32, #tpu.memory_space<vmem>>, vector<16xf32>, vector<16xi1>
        tpu.vector_store %arg14[%swap3A_490], %get3A_481 masked %ge3A_483 {strides = array<i32>} : memref<272xf32, #tpu.memory_space<vmem>>, vector<16xf32>, vector<16xi1>
        %swap3A_492 = arith.index_cast %min3A_478 : i32 to index
        %swap3A_493 = tpu.vector_load %arg15[%swap3A_492] masked %ge3A_483 {strides = array<i32>} : memref<272xi32, #tpu.memory_space<vmem>>, vector<16xi32>, vector<16xi1>
        tpu.vector_store %arg15[%swap3A_492], %add3A_489 masked %ge3A_483 {strides = array<i32>} : memref<272xi32, #tpu.memory_space<vmem>>, vector<16xi32>, vector<16xi1>
        %convert_element_type3A_494 = arith.extui %ge3A_483 : vector<16xi1> to vector<16xi32>
        %reduce_sum3A_495 = arith.constant true
        %reduce_sum3A_496 = vector.broadcast %reduce_sum3A_495 : i1 to vector<16xi1>
        %reduce_sum3A_497 = tpu.scan <sum>, %convert_element_type3A_494 masked %reduce_sum3A_496 : vector<16xi32>, vector<16xi1> -> vector<16xi32>
        %reduce_sum3A_498 = vector.extract %reduce_sum3A_497[15] : i32 from vector<16xi32>
        %add3A_499 = arith.addi %min3A_478, %reduce_sum3A_498 : i32
        %min3A_500 = arith.constant 256 : i32
        %min3A_501 = arith.minsi %add3A_499, %min3A_500 : i32
        %get3A_502 = arith.index_cast %while3A_457 : i32 to index
        %get3A_503 = arith.constant 32 : index
        %get3A_504 = tpu.vector_load %arg12[%get3A_502, %get3A_503] {strides = array<i32>} : memref<48x128xf32, #tpu.memory_space<vmem>>, vector<16xf32>,
        %ge3A_505 = vector.broadcast %reduce_max3A_64 : f32 to vector<16xf32>
        %ge3A_506 = arith.cmpf oge, %get3A_504, %ge3A_505 : vector<16xf32>
        %mul3A_507 = arith.constant 128 : i32
        %mul3A_508 = arith.muli %while3A_457, %mul3A_507 : i32
        %add3A_509 = arith.constant 32 : i32
        %add3A_510 = arith.addi %mul3A_508, %add3A_509 : i32
        %add3A_511 = vector.broadcast %add3A_510 : i32 to vector<16xi32>
        %add3A_512 = arith.addi %iota3A, %add3A_511 : vector<16xi32>
        %swap3A_513 = arith.index_cast %min3A_501 : i32 to index
        %swap3A_514 = tpu.vector_load %arg14[%swap3A_513] masked %ge3A_506 {strides = array<i32>} : memref<272xf32, #tpu.memory_space<vmem>>, vector<16xf32>, vector<16xi1>
        tpu.vector_store %arg14[%swap3A_513], %get3A_504 masked %ge3A_506 {strides = array<i32>} : memref<272xf32, #tpu.memory_space<vmem>>, vector<16xf32>, vector<16xi1>
        %swap3A_515 = arith.index_cast %min3A_501 : i32 to index
        %swap3A_516 = tpu.vector_load %arg15[%swap3A_515] masked %ge3A_506 {strides = array<i32>} : memref<272xi32, #tpu.memory_space<vmem>>, vector<16xi32>, vector<16xi1>
        tpu.vector_store %arg15[%swap3A_515], %add3A_512 masked %ge3A_506 {strides = array<i32>} : memref<272xi32, #tpu.memory_space<vmem>>, vector<16xi32>, vector<16xi1>
        %convert_element_type3A_517 = arith.extui %ge3A_506 : vector<16xi1> to vector<16xi32>
        %reduce_sum3A_518 = arith.constant true
        %reduce_sum3A_519 = vector.broadcast %reduce_sum3A_518 : i1 to vector<16xi1>
        %reduce_sum3A_520 = tpu.scan <sum>, %convert_element_type3A_517 masked %reduce_sum3A_519 : vector<16xi32>, vector<16xi1> -> vector<16xi32>
        %reduce_sum3A_521 = vector.extract %reduce_sum3A_520[15] : i32 from vector<16xi32>
        %add3A_522 = arith.addi %min3A_501, %reduce_sum3A_521 : i32
        %min3A_523 = arith.constant 256 : i32
        %min3A_524 = arith.minsi %add3A_522, %min3A_523 : i32
        %get3A_525 = arith.index_cast %while3A_457 : i32 to index
        %get3A_526 = arith.constant 48 : index
        %get3A_527 = tpu.vector_load %arg12[%get3A_525, %get3A_526] {strides = array<i32>} : memref<48x128xf32, #tpu.memory_space<vmem>>, vector<16xf32>,
        %ge3A_528 = vector.broadcast %reduce_max3A_64 : f32 to vector<16xf32>
        %ge3A_529 = arith.cmpf oge, %get3A_527, %ge3A_528 : vector<16xf32>
        %mul3A_530 = arith.constant 128 : i32
        %mul3A_531 = arith.muli %while3A_457, %mul3A_530 : i32
        %add3A_532 = arith.constant 48 : i32
        %add3A_533 = arith.addi %mul3A_531, %add3A_532 : i32
        %add3A_534 = vector.broadcast %add3A_533 : i32 to vector<16xi32>
        %add3A_535 = arith.addi %iota3A, %add3A_534 : vector<16xi32>
        %swap3A_536 = arith.index_cast %min3A_524 : i32 to index
        %swap3A_537 = tpu.vector_load %arg14[%swap3A_536] masked %ge3A_529 {strides = array<i32>} : memref<272xf32, #tpu.memory_space<vmem>>, vector<16xf32>, vector<16xi1>
        tpu.vector_store %arg14[%swap3A_536], %get3A_527 masked %ge3A_529 {strides = array<i32>} : memref<272xf32, #tpu.memory_space<vmem>>, vector<16xf32>, vector<16xi1>
        %swap3A_538 = arith.index_cast %min3A_524 : i32 to index
        %swap3A_539 = tpu.vector_load %arg15[%swap3A_538] masked %ge3A_529 {strides = array<i32>} : memref<272xi32, #tpu.memory_space<vmem>>, vector<16xi32>, vector<16xi1>
        tpu.vector_store %arg15[%swap3A_538], %add3A_535 masked %ge3A_529 {strides = array<i32>} : memref<272xi32, #tpu.memory_space<vmem>>, vector<16xi32>, vector<16xi1>
        %convert_element_type3A_540 = arith.extui %ge3A_529 : vector<16xi1> to vector<16xi32>
        %reduce_sum3A_541 = arith.constant true
        %reduce_sum3A_542 = vector.broadcast %reduce_sum3A_541 : i1 to vector<16xi1>
        %reduce_sum3A_543 = tpu.scan <sum>, %convert_element_type3A_540 masked %reduce_sum3A_542 : vector<16xi32>, vector<16xi1> -> vector<16xi32>
        %reduce_sum3A_544 = vector.extract %reduce_sum3A_543[15] : i32 from vector<16xi32>
        %add3A_545 = arith.addi %min3A_524, %reduce_sum3A_544 : i32
        %min3A_546 = arith.constant 256 : i32
        %min3A_547 = arith.minsi %add3A_545, %min3A_546 : i32
        %get3A_548 = arith.index_cast %while3A_457 : i32 to index
        %get3A_549 = arith.constant 64 : index
        %get3A_550 = tpu.vector_load %arg12[%get3A_548, %get3A_549] {strides = array<i32>} : memref<48x128xf32, #tpu.memory_space<vmem>>, vector<16xf32>,
        %ge3A_551 = vector.broadcast %reduce_max3A_64 : f32 to vector<16xf32>
        %ge3A_552 = arith.cmpf oge, %get3A_550, %ge3A_551 : vector<16xf32>
        %mul3A_553 = arith.constant 128 : i32
        %mul3A_554 = arith.muli %while3A_457, %mul3A_553 : i32
        %add3A_555 = arith.constant 64 : i32
        %add3A_556 = arith.addi %mul3A_554, %add3A_555 : i32
        %add3A_557 = vector.broadcast %add3A_556 : i32 to vector<16xi32>
        %add3A_558 = arith.addi %iota3A, %add3A_557 : vector<16xi32>
        %swap3A_559 = arith.index_cast %min3A_547 : i32 to index
        %swap3A_560 = tpu.vector_load %arg14[%swap3A_559] masked %ge3A_552 {strides = array<i32>} : memref<272xf32, #tpu.memory_space<vmem>>, vector<16xf32>, vector<16xi1>
        tpu.vector_store %arg14[%swap3A_559], %get3A_550 masked %ge3A_552 {strides = array<i32>} : memref<272xf32, #tpu.memory_space<vmem>>, vector<16xf32>, vector<16xi1>
        %swap3A_561 = arith.index_cast %min3A_547 : i32 to index
        %swap3A_562 = tpu.vector_load %arg15[%swap3A_561] masked %ge3A_552 {strides = array<i32>} : memref<272xi32, #tpu.memory_space<vmem>>, vector<16xi32>, vector<16xi1>
        tpu.vector_store %arg15[%swap3A_561], %add3A_558 masked %ge3A_552 {strides = array<i32>} : memref<272xi32, #tpu.memory_space<vmem>>, vector<16xi32>, vector<16xi1>
        %convert_element_type3A_563 = arith.extui %ge3A_552 : vector<16xi1> to vector<16xi32>
        %reduce_sum3A_564 = arith.constant true
        %reduce_sum3A_565 = vector.broadcast %reduce_sum3A_564 : i1 to vector<16xi1>
        %reduce_sum3A_566 = tpu.scan <sum>, %convert_element_type3A_563 masked %reduce_sum3A_565 : vector<16xi32>, vector<16xi1> -> vector<16xi32>
        %reduce_sum3A_567 = vector.extract %reduce_sum3A_566[15] : i32 from vector<16xi32>
        %add3A_568 = arith.addi %min3A_547, %reduce_sum3A_567 : i32
        %min3A_569 = arith.constant 256 : i32
        %min3A_570 = arith.minsi %add3A_568, %min3A_569 : i32
        %get3A_571 = arith.index_cast %while3A_457 : i32 to index
        %get3A_572 = arith.constant 80 : index
        %get3A_573 = tpu.vector_load %arg12[%get3A_571, %get3A_572] {strides = array<i32>} : memref<48x128xf32, #tpu.memory_space<vmem>>, vector<16xf32>,
        %ge3A_574 = vector.broadcast %reduce_max3A_64 : f32 to vector<16xf32>
        %ge3A_575 = arith.cmpf oge, %get3A_573, %ge3A_574 : vector<16xf32>
        %mul3A_576 = arith.constant 128 : i32
        %mul3A_577 = arith.muli %while3A_457, %mul3A_576 : i32
        %add3A_578 = arith.constant 80 : i32
        %add3A_579 = arith.addi %mul3A_577, %add3A_578 : i32
        %add3A_580 = vector.broadcast %add3A_579 : i32 to vector<16xi32>
        %add3A_581 = arith.addi %iota3A, %add3A_580 : vector<16xi32>
        %swap3A_582 = arith.index_cast %min3A_570 : i32 to index
        %swap3A_583 = tpu.vector_load %arg14[%swap3A_582] masked %ge3A_575 {strides = array<i32>} : memref<272xf32, #tpu.memory_space<vmem>>, vector<16xf32>, vector<16xi1>
        tpu.vector_store %arg14[%swap3A_582], %get3A_573 masked %ge3A_575 {strides = array<i32>} : memref<272xf32, #tpu.memory_space<vmem>>, vector<16xf32>, vector<16xi1>
        %swap3A_584 = arith.index_cast %min3A_570 : i32 to index
        %swap3A_585 = tpu.vector_load %arg15[%swap3A_584] masked %ge3A_575 {strides = array<i32>} : memref<272xi32, #tpu.memory_space<vmem>>, vector<16xi32>, vector<16xi1>
        tpu.vector_store %arg15[%swap3A_584], %add3A_581 masked %ge3A_575 {strides = array<i32>} : memref<272xi32, #tpu.memory_space<vmem>>, vector<16xi32>, vector<16xi1>
        %convert_element_type3A_586 = arith.extui %ge3A_575 : vector<16xi1> to vector<16xi32>
        %reduce_sum3A_587 = arith.constant true
        %reduce_sum3A_588 = vector.broadcast %reduce_sum3A_587 : i1 to vector<16xi1>
        %reduce_sum3A_589 = tpu.scan <sum>, %convert_element_type3A_586 masked %reduce_sum3A_588 : vector<16xi32>, vector<16xi1> -> vector<16xi32>
        %reduce_sum3A_590 = vector.extract %reduce_sum3A_589[15] : i32 from vector<16xi32>
        %add3A_591 = arith.addi %min3A_570, %reduce_sum3A_590 : i32
        %min3A_592 = arith.constant 256 : i32
        %min3A_593 = arith.minsi %add3A_591, %min3A_592 : i32
        %get3A_594 = arith.index_cast %while3A_457 : i32 to index
        %get3A_595 = arith.constant 96 : index
        %get3A_596 = tpu.vector_load %arg12[%get3A_594, %get3A_595] {strides = array<i32>} : memref<48x128xf32, #tpu.memory_space<vmem>>, vector<16xf32>,
        %ge3A_597 = vector.broadcast %reduce_max3A_64 : f32 to vector<16xf32>
        %ge3A_598 = arith.cmpf oge, %get3A_596, %ge3A_597 : vector<16xf32>
        %mul3A_599 = arith.constant 128 : i32
        %mul3A_600 = arith.muli %while3A_457, %mul3A_599 : i32
        %add3A_601 = arith.constant 96 : i32
        %add3A_602 = arith.addi %mul3A_600, %add3A_601 : i32
        %add3A_603 = vector.broadcast %add3A_602 : i32 to vector<16xi32>
        %add3A_604 = arith.addi %iota3A, %add3A_603 : vector<16xi32>
        %swap3A_605 = arith.index_cast %min3A_593 : i32 to index
        %swap3A_606 = tpu.vector_load %arg14[%swap3A_605] masked %ge3A_598 {strides = array<i32>} : memref<272xf32, #tpu.memory_space<vmem>>, vector<16xf32>, vector<16xi1>
        tpu.vector_store %arg14[%swap3A_605], %get3A_596 masked %ge3A_598 {strides = array<i32>} : memref<272xf32, #tpu.memory_space<vmem>>, vector<16xf32>, vector<16xi1>
        %swap3A_607 = arith.index_cast %min3A_593 : i32 to index
        %swap3A_608 = tpu.vector_load %arg15[%swap3A_607] masked %ge3A_598 {strides = array<i32>} : memref<272xi32, #tpu.memory_space<vmem>>, vector<16xi32>, vector<16xi1>
        tpu.vector_store %arg15[%swap3A_607], %add3A_604 masked %ge3A_598 {strides = array<i32>} : memref<272xi32, #tpu.memory_space<vmem>>, vector<16xi32>, vector<16xi1>
        %convert_element_type3A_609 = arith.extui %ge3A_598 : vector<16xi1> to vector<16xi32>
        %reduce_sum3A_610 = arith.constant true
        %reduce_sum3A_611 = vector.broadcast %reduce_sum3A_610 : i1 to vector<16xi1>
        %reduce_sum3A_612 = tpu.scan <sum>, %convert_element_type3A_609 masked %reduce_sum3A_611 : vector<16xi32>, vector<16xi1> -> vector<16xi32>
        %reduce_sum3A_613 = vector.extract %reduce_sum3A_612[15] : i32 from vector<16xi32>
        %add3A_614 = arith.addi %min3A_593, %reduce_sum3A_613 : i32
        %min3A_615 = arith.constant 256 : i32
        %min3A_616 = arith.minsi %add3A_614, %min3A_615 : i32
        %get3A_617 = arith.index_cast %while3A_457 : i32 to index
        %get3A_618 = arith.constant 112 : index
        %get3A_619 = tpu.vector_load %arg12[%get3A_617, %get3A_618] {strides = array<i32>} : memref<48x128xf32, #tpu.memory_space<vmem>>, vector<16xf32>,
        %ge3A_620 = vector.broadcast %reduce_max3A_64 : f32 to vector<16xf32>
        %ge3A_621 = arith.cmpf oge, %get3A_619, %ge3A_620 : vector<16xf32>
        %mul3A_622 = arith.constant 128 : i32
        %mul3A_623 = arith.muli %while3A_457, %mul3A_622 : i32
        %add3A_624 = arith.constant 112 : i32
        %add3A_625 = arith.addi %mul3A_623, %add3A_624 : i32
        %add3A_626 = vector.broadcast %add3A_625 : i32 to vector<16xi32>
        %add3A_627 = arith.addi %iota3A, %add3A_626 : vector<16xi32>
        %swap3A_628 = arith.index_cast %min3A_616 : i32 to index
        %swap3A_629 = tpu.vector_load %arg14[%swap3A_628] masked %ge3A_621 {strides = array<i32>} : memref<272xf32, #tpu.memory_space<vmem>>, vector<16xf32>, vector<16xi1>
        tpu.vector_store %arg14[%swap3A_628], %get3A_619 masked %ge3A_621 {strides = array<i32>} : memref<272xf32, #tpu.memory_space<vmem>>, vector<16xf32>, vector<16xi1>
        %swap3A_630 = arith.index_cast %min3A_616 : i32 to index
        %swap3A_631 = tpu.vector_load %arg15[%swap3A_630] masked %ge3A_621 {strides = array<i32>} : memref<272xi32, #tpu.memory_space<vmem>>, vector<16xi32>, vector<16xi1>
        tpu.vector_store %arg15[%swap3A_630], %add3A_627 masked %ge3A_621 {strides = array<i32>} : memref<272xi32, #tpu.memory_space<vmem>>, vector<16xi32>, vector<16xi1>
        %convert_element_type3A_632 = arith.extui %ge3A_621 : vector<16xi1> to vector<16xi32>
        %reduce_sum3A_633 = arith.constant true
        %reduce_sum3A_634 = vector.broadcast %reduce_sum3A_633 : i1 to vector<16xi1>
        %reduce_sum3A_635 = tpu.scan <sum>, %convert_element_type3A_632 masked %reduce_sum3A_634 : vector<16xi32>, vector<16xi1> -> vector<16xi32>
        %reduce_sum3A_636 = vector.extract %reduce_sum3A_635[15] : i32 from vector<16xi32>
        %add3A_637 = arith.addi %min3A_616, %reduce_sum3A_636 : i32
        %min3A_638 = arith.constant 256 : i32
        %min3A_639 = arith.minsi %add3A_637, %min3A_638 : i32
        scf.yield %min3A_639 : i32
      }
      %while3A_74 = arith.constant 1 : i32
      %while3A_75 = scf.for %while3A_457 = %while3A_71 to %while3A_67 step %while3A_74 iter_args(%while3A_458 = %while3A_73) -> (i32)  : i32 {
        %get3A_459 = arith.index_cast %while3A_457 : i32 to index
        %get3A_460 = arith.constant 0 : index
        %get3A_461 = tpu.vector_load %arg12[%get3A_459, %get3A_460] {strides = array<i32>} : memref<48x128xf32, #tpu.memory_space<vmem>>, vector<16xf32>,
        %ge3A = vector.broadcast %reduce_max3A_64 : f32 to vector<16xf32>
        %ge3A_462 = arith.cmpf oge, %get3A_461, %ge3A : vector<16xf32>
        %mul3A_463 = arith.constant 128 : i32
        %mul3A_464 = arith.muli %while3A_457, %mul3A_463 : i32
        %add3A_465 = arith.constant 0 : i32
        %add3A_466 = arith.addi %mul3A_464, %add3A_465 : i32
        %add3A_467 = vector.broadcast %add3A_466 : i32 to vector<16xi32>
        %add3A_468 = arith.addi %iota3A, %add3A_467 : vector<16xi32>
        %swap3A_469 = arith.index_cast %while3A_458 : i32 to index
        %swap3A_470 = tpu.vector_load %arg14[%swap3A_469] masked %ge3A_462 {strides = array<i32>} : memref<272xf32, #tpu.memory_space<vmem>>, vector<16xf32>, vector<16xi1>
        tpu.vector_store %arg14[%swap3A_469], %get3A_461 masked %ge3A_462 {strides = array<i32>} : memref<272xf32, #tpu.memory_space<vmem>>, vector<16xf32>, vector<16xi1>
        %swap3A_471 = arith.index_cast %while3A_458 : i32 to index
        %swap3A_472 = tpu.vector_load %arg15[%swap3A_471] masked %ge3A_462 {strides = array<i32>} : memref<272xi32, #tpu.memory_space<vmem>>, vector<16xi32>, vector<16xi1>
        tpu.vector_store %arg15[%swap3A_471], %add3A_468 masked %ge3A_462 {strides = array<i32>} : memref<272xi32, #tpu.memory_space<vmem>>, vector<16xi32>, vector<16xi1>
        %convert_element_type3A = arith.extui %ge3A_462 : vector<16xi1> to vector<16xi32>
        %reduce_sum3A_473 = arith.constant true
        %reduce_sum3A_474 = vector.broadcast %reduce_sum3A_473 : i1 to vector<16xi1>
        %reduce_sum3A_475 = tpu.scan <sum>, %convert_element_type3A masked %reduce_sum3A_474 : vector<16xi32>, vector<16xi1> -> vector<16xi32>
        %reduce_sum3A_476 = vector.extract %reduce_sum3A_475[15] : i32 from vector<16xi32>
        %add3A_477 = arith.addi %while3A_458, %reduce_sum3A_476 : i32
        %min3A = arith.constant 256 : i32
        %min3A_478 = arith.minsi %add3A_477, %min3A : i32
        %get3A_479 = arith.index_cast %while3A_457 : i32 to index
        %get3A_480 = arith.constant 16 : index
        %get3A_481 = tpu.vector_load %arg12[%get3A_479, %get3A_480] {strides = array<i32>} : memref<48x128xf32, #tpu.memory_space<vmem>>, vector<16xf32>,
        %ge3A_482 = vector.broadcast %reduce_max3A_64 : f32 to vector<16xf32>
        %ge3A_483 = arith.cmpf oge, %get3A_481, %ge3A_482 : vector<16xf32>
        %mul3A_484 = arith.constant 128 : i32
        %mul3A_485 = arith.muli %while3A_457, %mul3A_484 : i32
        %add3A_486 = arith.constant 16 : i32
        %add3A_487 = arith.addi %mul3A_485, %add3A_486 : i32
        %add3A_488 = vector.broadcast %add3A_487 : i32 to vector<16xi32>
        %add3A_489 = arith.addi %iota3A, %add3A_488 : vector<16xi32>
        %swap3A_490 = arith.index_cast %min3A_478 : i32 to index
        %swap3A_491 = tpu.vector_load %arg14[%swap3A_490] masked %ge3A_483 {strides = array<i32>} : memref<272xf32, #tpu.memory_space<vmem>>, vector<16xf32>, vector<16xi1>
        tpu.vector_store %arg14[%swap3A_490], %get3A_481 masked %ge3A_483 {strides = array<i32>} : memref<272xf32, #tpu.memory_space<vmem>>, vector<16xf32>, vector<16xi1>
        %swap3A_492 = arith.index_cast %min3A_478 : i32 to index
        %swap3A_493 = tpu.vector_load %arg15[%swap3A_492] masked %ge3A_483 {strides = array<i32>} : memref<272xi32, #tpu.memory_space<vmem>>, vector<16xi32>, vector<16xi1>
        tpu.vector_store %arg15[%swap3A_492], %add3A_489 masked %ge3A_483 {strides = array<i32>} : memref<272xi32, #tpu.memory_space<vmem>>, vector<16xi32>, vector<16xi1>
        %convert_element_type3A_494 = arith.extui %ge3A_483 : vector<16xi1> to vector<16xi32>
        %reduce_sum3A_495 = arith.constant true
        %reduce_sum3A_496 = vector.broadcast %reduce_sum3A_495 : i1 to vector<16xi1>
        %reduce_sum3A_497 = tpu.scan <sum>, %convert_element_type3A_494 masked %reduce_sum3A_496 : vector<16xi32>, vector<16xi1> -> vector<16xi32>
        %reduce_sum3A_498 = vector.extract %reduce_sum3A_497[15] : i32 from vector<16xi32>
        %add3A_499 = arith.addi %min3A_478, %reduce_sum3A_498 : i32
        %min3A_500 = arith.constant 256 : i32
        %min3A_501 = arith.minsi %add3A_499, %min3A_500 : i32
        %get3A_502 = arith.index_cast %while3A_457 : i32 to index
        %get3A_503 = arith.constant 32 : index
        %get3A_504 = tpu.vector_load %arg12[%get3A_502, %get3A_503] {strides = array<i32>} : memref<48x128xf32, #tpu.memory_space<vmem>>, vector<16xf32>,
        %ge3A_505 = vector.broadcast %reduce_max3A_64 : f32 to vector<16xf32>
        %ge3A_506 = arith.cmpf oge, %get3A_504, %ge3A_505 : vector<16xf32>
        %mul3A_507 = arith.constant 128 : i32
        %mul3A_508 = arith.muli %while3A_457, %mul3A_507 : i32
        %add3A_509 = arith.constant 32 : i32
        %add3A_510 = arith.addi %mul3A_508, %add3A_509 : i32
        %add3A_511 = vector.broadcast %add3A_510 : i32 to vector<16xi32>
        %add3A_512 = arith.addi %iota3A, %add3A_511 : vector<16xi32>
        %swap3A_513 = arith.index_cast %min3A_501 : i32 to index
        %swap3A_514 = tpu.vector_load %arg14[%swap3A_513] masked %ge3A_506 {strides = array<i32>} : memref<272xf32, #tpu.memory_space<vmem>>, vector<16xf32>, vector<16xi1>
        tpu.vector_store %arg14[%swap3A_513], %get3A_504 masked %ge3A_506 {strides = array<i32>} : memref<272xf32, #tpu.memory_space<vmem>>, vector<16xf32>, vector<16xi1>
        %swap3A_515 = arith.index_cast %min3A_501 : i32 to index
        %swap3A_516 = tpu.vector_load %arg15[%swap3A_515] masked %ge3A_506 {strides = array<i32>} : memref<272xi32, #tpu.memory_space<vmem>>, vector<16xi32>, vector<16xi1>
        tpu.vector_store %arg15[%swap3A_515], %add3A_512 masked %ge3A_506 {strides = array<i32>} : memref<272xi32, #tpu.memory_space<vmem>>, vector<16xi32>, vector<16xi1>
        %convert_element_type3A_517 = arith.extui %ge3A_506 : vector<16xi1> to vector<16xi32>
        %reduce_sum3A_518 = arith.constant true
        %reduce_sum3A_519 = vector.broadcast %reduce_sum3A_518 : i1 to vector<16xi1>
        %reduce_sum3A_520 = tpu.scan <sum>, %convert_element_type3A_517 masked %reduce_sum3A_519 : vector<16xi32>, vector<16xi1> -> vector<16xi32>
        %reduce_sum3A_521 = vector.extract %reduce_sum3A_520[15] : i32 from vector<16xi32>
        %add3A_522 = arith.addi %min3A_501, %reduce_sum3A_521 : i32
        %min3A_523 = arith.constant 256 : i32
        %min3A_524 = arith.minsi %add3A_522, %min3A_523 : i32
        %get3A_525 = arith.index_cast %while3A_457 : i32 to index
        %get3A_526 = arith.constant 48 : index
        %get3A_527 = tpu.vector_load %arg12[%get3A_525, %get3A_526] {strides = array<i32>} : memref<48x128xf32, #tpu.memory_space<vmem>>, vector<16xf32>,
        %ge3A_528 = vector.broadcast %reduce_max3A_64 : f32 to vector<16xf32>
        %ge3A_529 = arith.cmpf oge, %get3A_527, %ge3A_528 : vector<16xf32>
        %mul3A_530 = arith.constant 128 : i32
        %mul3A_531 = arith.muli %while3A_457, %mul3A_530 : i32
        %add3A_532 = arith.constant 48 : i32
        %add3A_533 = arith.addi %mul3A_531, %add3A_532 : i32
        %add3A_534 = vector.broadcast %add3A_533 : i32 to vector<16xi32>
        %add3A_535 = arith.addi %iota3A, %add3A_534 : vector<16xi32>
        %swap3A_536 = arith.index_cast %min3A_524 : i32 to index
        %swap3A_537 = tpu.vector_load %arg14[%swap3A_536] masked %ge3A_529 {strides = array<i32>} : memref<272xf32, #tpu.memory_space<vmem>>, vector<16xf32>, vector<16xi1>
        tpu.vector_store %arg14[%swap3A_536], %get3A_527 masked %ge3A_529 {strides = array<i32>} : memref<272xf32, #tpu.memory_space<vmem>>, vector<16xf32>, vector<16xi1>
        %swap3A_538 = arith.index_cast %min3A_524 : i32 to index
        %swap3A_539 = tpu.vector_load %arg15[%swap3A_538] masked %ge3A_529 {strides = array<i32>} : memref<272xi32, #tpu.memory_space<vmem>>, vector<16xi32>, vector<16xi1>
        tpu.vector_store %arg15[%swap3A_538], %add3A_535 masked %ge3A_529 {strides = array<i32>} : memref<272xi32, #tpu.memory_space<vmem>>, vector<16xi32>, vector<16xi1>
        %convert_element_type3A_540 = arith.extui %ge3A_529 : vector<16xi1> to vector<16xi32>
        %reduce_sum3A_541 = arith.constant true
        %reduce_sum3A_542 = vector.broadcast %reduce_sum3A_541 : i1 to vector<16xi1>
        %reduce_sum3A_543 = tpu.scan <sum>, %convert_element_type3A_540 masked %reduce_sum3A_542 : vector<16xi32>, vector<16xi1> -> vector<16xi32>
        %reduce_sum3A_544 = vector.extract %reduce_sum3A_543[15] : i32 from vector<16xi32>
        %add3A_545 = arith.addi %min3A_524, %reduce_sum3A_544 : i32
        %min3A_546 = arith.constant 256 : i32
        %min3A_547 = arith.minsi %add3A_545, %min3A_546 : i32
        %get3A_548 = arith.index_cast %while3A_457 : i32 to index
        %get3A_549 = arith.constant 64 : index
        %get3A_550 = tpu.vector_load %arg12[%get3A_548, %get3A_549] {strides = array<i32>} : memref<48x128xf32, #tpu.memory_space<vmem>>, vector<16xf32>,
        %ge3A_551 = vector.broadcast %reduce_max3A_64 : f32 to vector<16xf32>
        %ge3A_552 = arith.cmpf oge, %get3A_550, %ge3A_551 : vector<16xf32>
        %mul3A_553 = arith.constant 128 : i32
        %mul3A_554 = arith.muli %while3A_457, %mul3A_553 : i32
        %add3A_555 = arith.constant 64 : i32
        %add3A_556 = arith.addi %mul3A_554, %add3A_555 : i32
        %add3A_557 = vector.broadcast %add3A_556 : i32 to vector<16xi32>
        %add3A_558 = arith.addi %iota3A, %add3A_557 : vector<16xi32>
        %swap3A_559 = arith.index_cast %min3A_547 : i32 to index
        %swap3A_560 = tpu.vector_load %arg14[%swap3A_559] masked %ge3A_552 {strides = array<i32>} : memref<272xf32, #tpu.memory_space<vmem>>, vector<16xf32>, vector<16xi1>
        tpu.vector_store %arg14[%swap3A_559], %get3A_550 masked %ge3A_552 {strides = array<i32>} : memref<272xf32, #tpu.memory_space<vmem>>, vector<16xf32>, vector<16xi1>
        %swap3A_561 = arith.index_cast %min3A_547 : i32 to index
        %swap3A_562 = tpu.vector_load %arg15[%swap3A_561] masked %ge3A_552 {strides = array<i32>} : memref<272xi32, #tpu.memory_space<vmem>>, vector<16xi32>, vector<16xi1>
        tpu.vector_store %arg15[%swap3A_561], %add3A_558 masked %ge3A_552 {strides = array<i32>} : memref<272xi32, #tpu.memory_space<vmem>>, vector<16xi32>, vector<16xi1>
        %convert_element_type3A_563 = arith.extui %ge3A_552 : vector<16xi1> to vector<16xi32>
        %reduce_sum3A_564 = arith.constant true
        %reduce_sum3A_565 = vector.broadcast %reduce_sum3A_564 : i1 to vector<16xi1>
        %reduce_sum3A_566 = tpu.scan <sum>, %convert_element_type3A_563 masked %reduce_sum3A_565 : vector<16xi32>, vector<16xi1> -> vector<16xi32>
        %reduce_sum3A_567 = vector.extract %reduce_sum3A_566[15] : i32 from vector<16xi32>
        %add3A_568 = arith.addi %min3A_547, %reduce_sum3A_567 : i32
        %min3A_569 = arith.constant 256 : i32
        %min3A_570 = arith.minsi %add3A_568, %min3A_569 : i32
        %get3A_571 = arith.index_cast %while3A_457 : i32 to index
        %get3A_572 = arith.constant 80 : index
        %get3A_573 = tpu.vector_load %arg12[%get3A_571, %get3A_572] {strides = array<i32>} : memref<48x128xf32, #tpu.memory_space<vmem>>, vector<16xf32>,
        %ge3A_574 = vector.broadcast %reduce_max3A_64 : f32 to vector<16xf32>
        %ge3A_575 = arith.cmpf oge, %get3A_573, %ge3A_574 : vector<16xf32>
        %mul3A_576 = arith.constant 128 : i32
        %mul3A_577 = arith.muli %while3A_457, %mul3A_576 : i32
        %add3A_578 = arith.constant 80 : i32
        %add3A_579 = arith.addi %mul3A_577, %add3A_578 : i32
        %add3A_580 = vector.broadcast %add3A_579 : i32 to vector<16xi32>
        %add3A_581 = arith.addi %iota3A, %add3A_580 : vector<16xi32>
        %swap3A_582 = arith.index_cast %min3A_570 : i32 to index
        %swap3A_583 = tpu.vector_load %arg14[%swap3A_582] masked %ge3A_575 {strides = array<i32>} : memref<272xf32, #tpu.memory_space<vmem>>, vector<16xf32>, vector<16xi1>
        tpu.vector_store %arg14[%swap3A_582], %get3A_573 masked %ge3A_575 {strides = array<i32>} : memref<272xf32, #tpu.memory_space<vmem>>, vector<16xf32>, vector<16xi1>
        %swap3A_584 = arith.index_cast %min3A_570 : i32 to index
        %swap3A_585 = tpu.vector_load %arg15[%swap3A_584] masked %ge3A_575 {strides = array<i32>} : memref<272xi32, #tpu.memory_space<vmem>>, vector<16xi32>, vector<16xi1>
        tpu.vector_store %arg15[%swap3A_584], %add3A_581 masked %ge3A_575 {strides = array<i32>} : memref<272xi32, #tpu.memory_space<vmem>>, vector<16xi32>, vector<16xi1>
        %convert_element_type3A_586 = arith.extui %ge3A_575 : vector<16xi1> to vector<16xi32>
        %reduce_sum3A_587 = arith.constant true
        %reduce_sum3A_588 = vector.broadcast %reduce_sum3A_587 : i1 to vector<16xi1>
        %reduce_sum3A_589 = tpu.scan <sum>, %convert_element_type3A_586 masked %reduce_sum3A_588 : vector<16xi32>, vector<16xi1> -> vector<16xi32>
        %reduce_sum3A_590 = vector.extract %reduce_sum3A_589[15] : i32 from vector<16xi32>
        %add3A_591 = arith.addi %min3A_570, %reduce_sum3A_590 : i32
        %min3A_592 = arith.constant 256 : i32
        %min3A_593 = arith.minsi %add3A_591, %min3A_592 : i32
        %get3A_594 = arith.index_cast %while3A_457 : i32 to index
        %get3A_595 = arith.constant 96 : index
        %get3A_596 = tpu.vector_load %arg12[%get3A_594, %get3A_595] {strides = array<i32>} : memref<48x128xf32, #tpu.memory_space<vmem>>, vector<16xf32>,
        %ge3A_597 = vector.broadcast %reduce_max3A_64 : f32 to vector<16xf32>
        %ge3A_598 = arith.cmpf oge, %get3A_596, %ge3A_597 : vector<16xf32>
        %mul3A_599 = arith.constant 128 : i32
        %mul3A_600 = arith.muli %while3A_457, %mul3A_599 : i32
        %add3A_601 = arith.constant 96 : i32
        %add3A_602 = arith.addi %mul3A_600, %add3A_601 : i32
        %add3A_603 = vector.broadcast %add3A_602 : i32 to vector<16xi32>
        %add3A_604 = arith.addi %iota3A, %add3A_603 : vector<16xi32>
        %swap3A_605 = arith.index_cast %min3A_593 : i32 to index
        %swap3A_606 = tpu.vector_load %arg14[%swap3A_605] masked %ge3A_598 {strides = array<i32>} : memref<272xf32, #tpu.memory_space<vmem>>, vector<16xf32>, vector<16xi1>
        tpu.vector_store %arg14[%swap3A_605], %get3A_596 masked %ge3A_598 {strides = array<i32>} : memref<272xf32, #tpu.memory_space<vmem>>, vector<16xf32>, vector<16xi1>
        %swap3A_607 = arith.index_cast %min3A_593 : i32 to index
        %swap3A_608 = tpu.vector_load %arg15[%swap3A_607] masked %ge3A_598 {strides = array<i32>} : memref<272xi32, #tpu.memory_space<vmem>>, vector<16xi32>, vector<16xi1>
        tpu.vector_store %arg15[%swap3A_607], %add3A_604 masked %ge3A_598 {strides = array<i32>} : memref<272xi32, #tpu.memory_space<vmem>>, vector<16xi32>, vector<16xi1>
        %convert_element_type3A_609 = arith.extui %ge3A_598 : vector<16xi1> to vector<16xi32>
        %reduce_sum3A_610 = arith.constant true
        %reduce_sum3A_611 = vector.broadcast %reduce_sum3A_610 : i1 to vector<16xi1>
        %reduce_sum3A_612 = tpu.scan <sum>, %convert_element_type3A_609 masked %reduce_sum3A_611 : vector<16xi32>, vector<16xi1> -> vector<16xi32>
        %reduce_sum3A_613 = vector.extract %reduce_sum3A_612[15] : i32 from vector<16xi32>
        %add3A_614 = arith.addi %min3A_593, %reduce_sum3A_613 : i32
        %min3A_615 = arith.constant 256 : i32
        %min3A_616 = arith.minsi %add3A_614, %min3A_615 : i32
        %get3A_617 = arith.index_cast %while3A_457 : i32 to index
        %get3A_618 = arith.constant 112 : index
        %get3A_619 = tpu.vector_load %arg12[%get3A_617, %get3A_618] {strides = array<i32>} : memref<48x128xf32, #tpu.memory_space<vmem>>, vector<16xf32>,
        %ge3A_620 = vector.broadcast %reduce_max3A_64 : f32 to vector<16xf32>
        %ge3A_621 = arith.cmpf oge, %get3A_619, %ge3A_620 : vector<16xf32>
        %mul3A_622 = arith.constant 128 : i32
        %mul3A_623 = arith.muli %while3A_457, %mul3A_622 : i32
        %add3A_624 = arith.constant 112 : i32
        %add3A_625 = arith.addi %mul3A_623, %add3A_624 : i32
        %add3A_626 = vector.broadcast %add3A_625 : i32 to vector<16xi32>
        %add3A_627 = arith.addi %iota3A, %add3A_626 : vector<16xi32>
        %swap3A_628 = arith.index_cast %min3A_616 : i32 to index
        %swap3A_629 = tpu.vector_load %arg14[%swap3A_628] masked %ge3A_621 {strides = array<i32>} : memref<272xf32, #tpu.memory_space<vmem>>, vector<16xf32>, vector<16xi1>
        tpu.vector_store %arg14[%swap3A_628], %get3A_619 masked %ge3A_621 {strides = array<i32>} : memref<272xf32, #tpu.memory_space<vmem>>, vector<16xf32>, vector<16xi1>
        %swap3A_630 = arith.index_cast %min3A_616 : i32 to index
        %swap3A_631 = tpu.vector_load %arg15[%swap3A_630] masked %ge3A_621 {strides = array<i32>} : memref<272xi32, #tpu.memory_space<vmem>>, vector<16xi32>, vector<16xi1>
        tpu.vector_store %arg15[%swap3A_630], %add3A_627 masked %ge3A_621 {strides = array<i32>} : memref<272xi32, #tpu.memory_space<vmem>>, vector<16xi32>, vector<16xi1>
        %convert_element_type3A_632 = arith.extui %ge3A_621 : vector<16xi1> to vector<16xi32>
        %reduce_sum3A_633 = arith.constant true
        %reduce_sum3A_634 = vector.broadcast %reduce_sum3A_633 : i1 to vector<16xi1>
        %reduce_sum3A_635 = tpu.scan <sum>, %convert_element_type3A_632 masked %reduce_sum3A_634 : vector<16xi32>, vector<16xi1> -> vector<16xi32>
        %reduce_sum3A_636 = vector.extract %reduce_sum3A_635[15] : i32 from vector<16xi32>
        %add3A_637 = arith.addi %min3A_616, %reduce_sum3A_636 : i32
        %min3A_638 = arith.constant 256 : i32
        %min3A_639 = arith.minsi %add3A_637, %min3A_638 : i32
        scf.yield %min3A_639 : i32
      }
      %broadcast_in_dim3A_76 = arith.constant -3.000000e+38 : f32
      %broadcast_in_dim3A_77 = vector.broadcast %broadcast_in_dim3A_76 : f32 to vector<16xf32>
      %swap3A_78 = arith.index_cast %while3A_75 : i32 to index
      %swap3A_79 = tpu.vector_load %arg14[%swap3A_78] {strides = array<i32>} : memref<272xf32, #tpu.memory_space<vmem>>, vector<16xf32>,
      tpu.vector_store %arg14[%swap3A_78], %broadcast_in_dim3A_77 {strides = array<i32>} : memref<272xf32, #tpu.memory_space<vmem>>, vector<16xf32>,
      %broadcast_in_dim3A_80 = arith.constant 0 : i32
      %broadcast_in_dim3A_81 = vector.broadcast %broadcast_in_dim3A_80 : i32 to vector<16xi32>
      %swap3A_82 = arith.index_cast %while3A_75 : i32 to index
      %swap3A_83 = tpu.vector_load %arg15[%swap3A_82] {strides = array<i32>} : memref<272xi32, #tpu.memory_space<vmem>>, vector<16xi32>,
      tpu.vector_store %arg15[%swap3A_82], %broadcast_in_dim3A_81 {strides = array<i32>} : memref<272xi32, #tpu.memory_space<vmem>>, vector<16xi32>,
      %add3A_84 = arith.constant 15 : i32
      %add3A_85 = arith.addi %while3A_75, %add3A_84 : i32
      %shift_right_arithmetic3A = arith.constant 4 : i32
      %shift_right_arithmetic3A_86 = arith.shrsi %add3A_85, %shift_right_arithmetic3A : i32
      %scan3A_87 = arith.constant 0 : i32
      %scan3A_88 = arith.constant 0 : i32
      %scan3A_89 = arith.constant 32 : i32
      %scan3A_90 = arith.addi %scan3A_88, %scan3A_89 : i32
      %scan3A_91 = arith.constant 1 : i32
      %scan3A_92 = scf.for %scan3A_457 = %scan3A_88 to %scan3A_90 step %scan3A_91 iter_args(%scan3A_458 = %scan3A_87) -> (i32)  : i32 {
        %broadcast_in_dim3A_459 = arith.constant 0 : i32
        %broadcast_in_dim3A_460 = vector.broadcast %broadcast_in_dim3A_459 : i32 to vector<16xi32>
        %broadcast_in_dim3A_461 = arith.constant -3.000000e+38 : f32
        %broadcast_in_dim3A_462 = vector.broadcast %broadcast_in_dim3A_461 : f32 to vector<16xf32>
        %while3A_463 = arith.constant 0 : i32
        %while3A_464 = arith.subi %shift_right_arithmetic3A_86, %while3A_463 : i32
        %while3A_465 = arith.addi %while3A_463, %while3A_464 : i32
        %while3A_466 = arith.constant 1 : i32
        %while3A_467 = arith.divsi %while3A_464, %while3A_466 : i32
        %while3A_468 = arith.muli %while3A_467, %while3A_466 : i32
        %while3A_469 = arith.addi %while3A_463, %while3A_468 : i32
        %while3A_470 = arith.constant 1 : i32
        %while3A_471:3 = scf.for %while3A_508 = %while3A_463 to %while3A_469 step %while3A_470 iter_args(%while3A_509 = %broadcast_in_dim3A_462, %while3A_510 = %broadcast_in_dim3A_460, %while3A_511 = %broadcast_in_dim3A_460) -> (vector<16xf32>, vector<16xi32>, vector<16xi32>)  : i32 {
          %mul3A_512 = arith.constant 16 : i32
          %mul3A_513 = arith.muli %while3A_508, %mul3A_512 : i32
          %get3A_514 = arith.index_cast %mul3A_513 : i32 to index
          %get3A_515 = tpu.vector_load %arg14[%get3A_514] {strides = array<i32>} : memref<272xf32, #tpu.memory_space<vmem>>, vector<16xf32>,
          %mul3A_516 = arith.constant 16 : i32
          %mul3A_517 = arith.muli %while3A_508, %mul3A_516 : i32
          %get3A_518 = arith.index_cast %mul3A_517 : i32 to index
          %get3A_519 = tpu.vector_load %arg15[%get3A_518] {strides = array<i32>} : memref<272xi32, #tpu.memory_space<vmem>>, vector<16xi32>,
          %mul3A_520 = arith.constant 16 : i32
          %mul3A_521 = arith.muli %while3A_508, %mul3A_520 : i32
          %add3A_522 = vector.broadcast %mul3A_521 : i32 to vector<16xi32>
          %add3A_523 = arith.addi %iota3A, %add3A_522 : vector<16xi32>
          %gt3A = arith.cmpf ogt, %get3A_515, %while3A_509 : vector<16xf32>
          %select_n3A_524 = arith.select %gt3A, %get3A_515, %while3A_509 : vector<16xi1>, vector<16xf32>
          %select_n3A_525 = arith.select %gt3A, %get3A_519, %while3A_510 : vector<16xi1>, vector<16xi32>
          %select_n3A_526 = arith.select %gt3A, %add3A_523, %while3A_511 : vector<16xi1>, vector<16xi32>
          scf.yield %select_n3A_524, %select_n3A_525, %select_n3A_526 : vector<16xf32>, vector<16xi32>, vector<16xi32>
        }
        %while3A_472 = arith.constant 1 : i32
        %while3A_473:3 = scf.for %while3A_508 = %while3A_469 to %while3A_465 step %while3A_472 iter_args(%while3A_509 = %while3A_471#0, %while3A_510 = %while3A_471#1, %while3A_511 = %while3A_471#2) -> (vector<16xf32>, vector<16xi32>, vector<16xi32>)  : i32 {
          %mul3A_512 = arith.constant 16 : i32
          %mul3A_513 = arith.muli %while3A_508, %mul3A_512 : i32
          %get3A_514 = arith.index_cast %mul3A_513 : i32 to index
          %get3A_515 = tpu.vector_load %arg14[%get3A_514] {strides = array<i32>} : memref<272xf32, #tpu.memory_space<vmem>>, vector<16xf32>,
          %mul3A_516 = arith.constant 16 : i32
          %mul3A_517 = arith.muli %while3A_508, %mul3A_516 : i32
          %get3A_518 = arith.index_cast %mul3A_517 : i32 to index
          %get3A_519 = tpu.vector_load %arg15[%get3A_518] {strides = array<i32>} : memref<272xi32, #tpu.memory_space<vmem>>, vector<16xi32>,
          %mul3A_520 = arith.constant 16 : i32
          %mul3A_521 = arith.muli %while3A_508, %mul3A_520 : i32
          %add3A_522 = vector.broadcast %mul3A_521 : i32 to vector<16xi32>
          %add3A_523 = arith.addi %iota3A, %add3A_522 : vector<16xi32>
          %gt3A = arith.cmpf ogt, %get3A_515, %while3A_509 : vector<16xf32>
          %select_n3A_524 = arith.select %gt3A, %get3A_515, %while3A_509 : vector<16xi1>, vector<16xf32>
          %select_n3A_525 = arith.select %gt3A, %get3A_519, %while3A_510 : vector<16xi1>, vector<16xi32>
          %select_n3A_526 = arith.select %gt3A, %add3A_523, %while3A_511 : vector<16xi1>, vector<16xi32>
          scf.yield %select_n3A_524, %select_n3A_525, %select_n3A_526 : vector<16xf32>, vector<16xi32>, vector<16xi32>
        }
        %reduce_max3A_474 = arith.constant true
        %reduce_max3A_475 = vector.broadcast %reduce_max3A_474 : i1 to vector<16xi1>
        %reduce_max3A_476 = tpu.scan <max>, %while3A_473#0 masked %reduce_max3A_475 : vector<16xf32>, vector<16xi1> -> vector<16xf32>
        %reduce_max3A_477 = vector.extract %reduce_max3A_476[15] : f32 from vector<16xf32>
        %eq3A = vector.broadcast %reduce_max3A_477 : f32 to vector<16xf32>
        %eq3A_478 = arith.cmpf oeq, %while3A_473#0, %eq3A : vector<16xf32>
        %jit3A = arith.constant 1073741824 : i32
        %broadcast_in_dim3A_479 = vector.broadcast %jit3A : i32 to vector<16xi32>
        %select_n3A = arith.select %eq3A_478, %while3A_473#1, %broadcast_in_dim3A_479 : vector<16xi1>, vector<16xi32>
        %reduce_min3A = arith.constant true
        %reduce_min3A_480 = vector.broadcast %reduce_min3A : i1 to vector<16xi1>
        %reduce_min3A_481 = arith.constant -2147483648 : i32
        %reduce_min3A_482 = vector.broadcast %reduce_min3A_481 : i32 to vector<16xi32>
        %reduce_min3A_483 = arith.xori %select_n3A, %reduce_min3A_482 : vector<16xi32>
        %reduce_min3A_484 = tpu.scan <min>, %reduce_min3A_483 masked %reduce_min3A_480 : vector<16xi32>, vector<16xi1> -> vector<16xi32>
        %reduce_min3A_485 = arith.xori %reduce_min3A_484, %reduce_min3A_482 : vector<16xi32>
        %reduce_min3A_486 = vector.extract %reduce_min3A_485[15] : i32 from vector<16xi32>
        %jit3A_487 = arith.constant 1073741824 : i32
        %broadcast_in_dim3A_488 = vector.broadcast %jit3A_487 : i32 to vector<16xi32>
        %select_n3A_489 = arith.select %eq3A_478, %while3A_473#2, %broadcast_in_dim3A_488 : vector<16xi1>, vector<16xi32>
        %reduce_min3A_490 = arith.constant true
        %reduce_min3A_491 = vector.broadcast %reduce_min3A_490 : i1 to vector<16xi1>
        %reduce_min3A_492 = arith.constant -2147483648 : i32
        %reduce_min3A_493 = vector.broadcast %reduce_min3A_492 : i32 to vector<16xi32>
        %reduce_min3A_494 = arith.xori %select_n3A_489, %reduce_min3A_493 : vector<16xi32>
        %reduce_min3A_495 = tpu.scan <min>, %reduce_min3A_494 masked %reduce_min3A_491 : vector<16xi32>, vector<16xi1> -> vector<16xi32>
        %reduce_min3A_496 = arith.xori %reduce_min3A_495, %reduce_min3A_493 : vector<16xi32>
        %reduce_min3A_497 = vector.extract %reduce_min3A_496[15] : i32 from vector<16xi32>
        %eq3A_498 = arith.constant 0 : i32
        %eq3A_499 = vector.broadcast %eq3A_498 : i32 to vector<16xi32>
        %eq3A_500 = arith.cmpi eq, %iota3A, %eq3A_499 : vector<16xi32>
        %broadcast_in_dim3A_501 = vector.broadcast %scan3A_457 : i32 to vector<16xi32>
        %broadcast_in_dim3A_502 = vector.broadcast %reduce_max3A_477 : f32 to vector<16xf32>
        tpu.vector_store_idx %arg16[%broadcast_in_dim3A_501], %broadcast_in_dim3A_502 masked %eq3A_500 : memref<32xf32, #tpu.memory_space<vmem>>[vector<16xi32>], vector<16xf32>, vector<16xi1>
        %broadcast_in_dim3A_503 = vector.broadcast %reduce_min3A_486 : i32 to vector<16xi32>
        tpu.vector_store_idx %arg17[%broadcast_in_dim3A_501], %broadcast_in_dim3A_503 masked %eq3A_500 : memref<32xi32, #tpu.memory_space<vmem>>[vector<16xi32>], vector<16xi32>, vector<16xi1>
        %broadcast_in_dim3A_504 = vector.broadcast %reduce_min3A_497 : i32 to vector<16xi32>
        %broadcast_in_dim3A_505 = arith.constant -3.000000e+38 : f32
        %broadcast_in_dim3A_506 = vector.broadcast %broadcast_in_dim3A_505 : f32 to vector<16xf32>
        tpu.vector_store_idx %arg14[%broadcast_in_dim3A_504], %broadcast_in_dim3A_506 masked %eq3A_500 : memref<272xf32, #tpu.memory_space<vmem>>[vector<16xi32>], vector<16xf32>, vector<16xi1>
        %scan3A_507 = arith.constant 0 : i32
        scf.yield %scan3A_507 : i32
      }
      %scan3A_93 = arith.constant 32 : i32
      %get3A_94 = arith.constant 0 : index
      %get3A_95 = tpu.vector_load %arg16[%get3A_94] {strides = array<i32>} : memref<32xf32, #tpu.memory_space<vmem>>, vector<16xf32>,
      %get3A_96 = arith.constant 16 : index
      %get3A_97 = tpu.vector_load %arg16[%get3A_96] {strides = array<i32>} : memref<32xf32, #tpu.memory_space<vmem>>, vector<16xf32>,
      %reduce_sum3A = arith.constant true
      %reduce_sum3A_98 = vector.broadcast %reduce_sum3A : i1 to vector<16xi1>
      %reduce_sum3A_99 = tpu.scan <sum>, %get3A_95 masked %reduce_sum3A_98 : vector<16xf32>, vector<16xi1> -> vector<16xf32>
      %reduce_sum3A_100 = vector.extract %reduce_sum3A_99[15] : f32 from vector<16xf32>
      %reduce_sum3A_101 = arith.constant true
      %reduce_sum3A_102 = vector.broadcast %reduce_sum3A_101 : i1 to vector<16xi1>
      %reduce_sum3A_103 = tpu.scan <sum>, %get3A_97 masked %reduce_sum3A_102 : vector<16xf32>, vector<16xi1> -> vector<16xf32>
      %reduce_sum3A_104 = vector.extract %reduce_sum3A_103[15] : f32 from vector<16xf32>
      %add3A_105 = arith.addf %reduce_sum3A_100, %reduce_sum3A_104 : f32
      %add3A_106 = arith.constant 9.99999993E-9 : f32
      %add3A_107 = arith.addf %add3A_105, %add3A_106 : f32
      %div3A = vector.broadcast %add3A_107 : f32 to vector<16xf32>
      %div3A_108 = arith.divf %get3A_95, %div3A : vector<16xf32>
      %swap3A_109 = arith.constant 0 : index
      %swap3A_110 = tpu.vector_load %arg16[%swap3A_109] {strides = array<i32>} : memref<32xf32, #tpu.memory_space<vmem>>, vector<16xf32>,
      tpu.vector_store %arg16[%swap3A_109], %div3A_108 {strides = array<i32>} : memref<32xf32, #tpu.memory_space<vmem>>, vector<16xf32>,
      %div3A_111 = vector.broadcast %add3A_107 : f32 to vector<16xf32>
      %div3A_112 = arith.divf %get3A_97, %div3A_111 : vector<16xf32>
      %swap3A_113 = arith.constant 16 : index
      %swap3A_114 = tpu.vector_load %arg16[%swap3A_113] {strides = array<i32>} : memref<32xf32, #tpu.memory_space<vmem>>, vector<16xf32>,
      tpu.vector_store %arg16[%swap3A_113], %div3A_112 {strides = array<i32>} : memref<32xf32, #tpu.memory_space<vmem>>, vector<16xf32>,
      %get3A_115 = arith.constant 0 : index
      %get3A_116 = tpu.vector_load %arg17[%get3A_115] {strides = array<i32>} : memref<32xi32, #tpu.memory_space<vmem>>, vector<16xi32>,
      %get3A_117 = arith.constant 16 : index
      %get3A_118 = tpu.vector_load %arg17[%get3A_117] {strides = array<i32>} : memref<32xi32, #tpu.memory_space<vmem>>, vector<16xi32>,
      %shift_right_arithmetic3A_119 = arith.constant 7 : i32
      %shift_right_arithmetic3A_120 = vector.broadcast %shift_right_arithmetic3A_119 : i32 to vector<16xi32>
      %shift_right_arithmetic3A_121 = arith.shrsi %get3A_116, %shift_right_arithmetic3A_120 : vector<16xi32>
      %gather3A_122 = tpu.vector_load_idx %arg10[%shift_right_arithmetic3A_121] : memref<48xi32, #tpu.memory_space<vmem>>[vector<16xi32>], vector<16xi32>,
      %sub3A = vector.broadcast %mul3A_58 : i32 to vector<16xi32>
      %sub3A_123 = arith.subi %gather3A_122, %sub3A : vector<16xi32>
      %mul3A_124 = arith.constant 128 : i32
      %mul3A_125 = vector.broadcast %mul3A_124 : i32 to vector<16xi32>
      %mul3A_126 = arith.muli %sub3A_123, %mul3A_125 : vector<16xi32>
      %and3A = arith.constant 127 : i32
      %and3A_127 = vector.broadcast %and3A : i32 to vector<16xi32>
      %and3A_128 = arith.andi %get3A_116, %and3A_127 : vector<16xi32>
      %add3A_129 = arith.addi %mul3A_126, %and3A_128 : vector<16xi32>
      %shift_right_arithmetic3A_130 = arith.constant 7 : i32
      %shift_right_arithmetic3A_131 = vector.broadcast %shift_right_arithmetic3A_130 : i32 to vector<16xi32>
      %shift_right_arithmetic3A_132 = arith.shrsi %get3A_118, %shift_right_arithmetic3A_131 : vector<16xi32>
      %gather3A_133 = tpu.vector_load_idx %arg10[%shift_right_arithmetic3A_132] : memref<48xi32, #tpu.memory_space<vmem>>[vector<16xi32>], vector<16xi32>,
      %sub3A_134 = vector.broadcast %mul3A_58 : i32 to vector<16xi32>
      %sub3A_135 = arith.subi %gather3A_133, %sub3A_134 : vector<16xi32>
      %mul3A_136 = arith.constant 128 : i32
      %mul3A_137 = vector.broadcast %mul3A_136 : i32 to vector<16xi32>
      %mul3A_138 = arith.muli %sub3A_135, %mul3A_137 : vector<16xi32>
      %and3A_139 = arith.constant 127 : i32
      %and3A_140 = vector.broadcast %and3A_139 : i32 to vector<16xi32>
      %and3A_141 = arith.andi %get3A_118, %and3A_140 : vector<16xi32>
      %add3A_142 = arith.addi %mul3A_138, %and3A_141 : vector<16xi32>
      %swap3A_143 = arith.constant 0 : index
      %swap3A_144 = tpu.vector_load %arg18[%swap3A_143] {strides = array<i32>} : memref<32xi32, #tpu.memory_space<vmem>>, vector<16xi32>,
      tpu.vector_store %arg18[%swap3A_143], %add3A_129 {strides = array<i32>} : memref<32xi32, #tpu.memory_space<vmem>>, vector<16xi32>,
      %swap3A_145 = arith.constant 16 : index
      %swap3A_146 = tpu.vector_load %arg18[%swap3A_145] {strides = array<i32>} : memref<32xi32, #tpu.memory_space<vmem>>, vector<16xi32>,
      tpu.vector_store %arg18[%swap3A_145], %add3A_142 {strides = array<i32>} : memref<32xi32, #tpu.memory_space<vmem>>, vector<16xi32>,
      %dma_start3A_147 = arith.constant 0 : i32
      %dma_start3A_148 = arith.constant 0 : i32
      %dma_start3A_149 = tpu.memref_slice %arg5[%dma_start3A_147, %dma_start3A_148] : memref<65536x256xf32, #tpu.memory_space<hbm>> -> memref<65536x256xf32, #tpu.memory_space<hbm>>
      tpu.enqueue_indirect_dma source(%dma_start3A_149 : memref<65536x256xf32, #tpu.memory_space<hbm>>) target(%arg19 : memref<32x256xf32, #tpu.memory_space<vmem>>) offsets(%arg18 : memref<32xi32, #tpu.memory_space<vmem>>) semaphore(%arg21 : memref<!tpu.dma_semaphore, #tpu.memory_space<semaphore_mem>>)
      %dma_wait3A_150 = arith.constant 0 : i32
      %dma_wait3A_151 = arith.constant 0 : i32
      %dma_wait3A_152 = tpu.memref_slice %arg5[%dma_wait3A_150, %dma_wait3A_151] : memref<65536x256xf32, #tpu.memory_space<hbm>> -> memref<65536x256xf32, #tpu.memory_space<hbm>>
      tpu.wait_indirect_dma semaphore(%arg21 : memref<!tpu.dma_semaphore, #tpu.memory_space<semaphore_mem>>) src(%dma_wait3A_152 : memref<65536x256xf32, #tpu.memory_space<hbm>>) dst(%arg19 : memref<32x256xf32, #tpu.memory_space<vmem>>)
      %broadcast_in_dim3A_153 = arith.constant 0.000000e+00 : f32
      %broadcast_in_dim3A_154 = vector.broadcast %broadcast_in_dim3A_153 : f32 to vector<16xf32>
      %scan3A_155 = arith.constant 0 : i32
      %scan3A_156 = arith.constant 32 : i32
      %scan3A_157 = arith.addi %scan3A_155, %scan3A_156 : i32
      %scan3A_158 = arith.constant 1 : i32
      %scan3A_159:16 = scf.for %scan3A_457 = %scan3A_155 to %scan3A_157 step %scan3A_158 iter_args(%scan3A_458 = %broadcast_in_dim3A_154, %scan3A_459 = %broadcast_in_dim3A_154, %scan3A_460 = %broadcast_in_dim3A_154, %scan3A_461 = %broadcast_in_dim3A_154, %scan3A_462 = %broadcast_in_dim3A_154, %scan3A_463 = %broadcast_in_dim3A_154, %scan3A_464 = %broadcast_in_dim3A_154, %scan3A_465 = %broadcast_in_dim3A_154, %scan3A_466 = %broadcast_in_dim3A_154, %scan3A_467 = %broadcast_in_dim3A_154, %scan3A_468 = %broadcast_in_dim3A_154, %scan3A_469 = %broadcast_in_dim3A_154, %scan3A_470 = %broadcast_in_dim3A_154, %scan3A_471 = %broadcast_in_dim3A_154, %scan3A_472 = %broadcast_in_dim3A_154, %scan3A_473 = %broadcast_in_dim3A_154) -> (vector<16xf32>, vector<16xf32>, vector<16xf32>, vector<16xf32>, vector<16xf32>, vector<16xf32>, vector<16xf32>, vector<16xf32>, vector<16xf32>, vector<16xf32>, vector<16xf32>, vector<16xf32>, vector<16xf32>, vector<16xf32>, vector<16xf32>, vector<16xf32>)  : i32 {
        %broadcast_in_dim3A_474 = vector.broadcast %scan3A_457 : i32 to vector<16xi32>
        %gather3A_475 = tpu.vector_load_idx %arg16[%broadcast_in_dim3A_474] : memref<32xf32, #tpu.memory_space<vmem>>[vector<16xi32>], vector<16xf32>,
        %reduce_max3A_476 = arith.constant true
        %reduce_max3A_477 = vector.broadcast %reduce_max3A_476 : i1 to vector<16xi1>
        %reduce_max3A_478 = tpu.scan <max>, %gather3A_475 masked %reduce_max3A_477 : vector<16xf32>, vector<16xi1> -> vector<16xf32>
        %reduce_max3A_479 = vector.extract %reduce_max3A_478[15] : f32 from vector<16xf32>
        %get3A_480 = arith.index_cast %scan3A_457 : i32 to index
        %get3A_481 = arith.constant 0 : index
        %get3A_482 = tpu.vector_load %arg19[%get3A_480, %get3A_481] {strides = array<i32>} : memref<32x256xf32, #tpu.memory_space<vmem>>, vector<16xf32>,
        %mul3A_483 = vector.broadcast %reduce_max3A_479 : f32 to vector<16xf32>
        %mul3A_484 = arith.mulf %mul3A_483, %get3A_482 : vector<16xf32>
        %add3A_485 = arith.addf %scan3A_458, %mul3A_484 : vector<16xf32>
        %get3A_486 = arith.index_cast %scan3A_457 : i32 to index
        %get3A_487 = arith.constant 16 : index
        %get3A_488 = tpu.vector_load %arg19[%get3A_486, %get3A_487] {strides = array<i32>} : memref<32x256xf32, #tpu.memory_space<vmem>>, vector<16xf32>,
        %mul3A_489 = vector.broadcast %reduce_max3A_479 : f32 to vector<16xf32>
        %mul3A_490 = arith.mulf %mul3A_489, %get3A_488 : vector<16xf32>
        %add3A_491 = arith.addf %scan3A_459, %mul3A_490 : vector<16xf32>
        %get3A_492 = arith.index_cast %scan3A_457 : i32 to index
        %get3A_493 = arith.constant 32 : index
        %get3A_494 = tpu.vector_load %arg19[%get3A_492, %get3A_493] {strides = array<i32>} : memref<32x256xf32, #tpu.memory_space<vmem>>, vector<16xf32>,
        %mul3A_495 = vector.broadcast %reduce_max3A_479 : f32 to vector<16xf32>
        %mul3A_496 = arith.mulf %mul3A_495, %get3A_494 : vector<16xf32>
        %add3A_497 = arith.addf %scan3A_460, %mul3A_496 : vector<16xf32>
        %get3A_498 = arith.index_cast %scan3A_457 : i32 to index
        %get3A_499 = arith.constant 48 : index
        %get3A_500 = tpu.vector_load %arg19[%get3A_498, %get3A_499] {strides = array<i32>} : memref<32x256xf32, #tpu.memory_space<vmem>>, vector<16xf32>,
        %mul3A_501 = vector.broadcast %reduce_max3A_479 : f32 to vector<16xf32>
        %mul3A_502 = arith.mulf %mul3A_501, %get3A_500 : vector<16xf32>
        %add3A_503 = arith.addf %scan3A_461, %mul3A_502 : vector<16xf32>
        %get3A_504 = arith.index_cast %scan3A_457 : i32 to index
        %get3A_505 = arith.constant 64 : index
        %get3A_506 = tpu.vector_load %arg19[%get3A_504, %get3A_505] {strides = array<i32>} : memref<32x256xf32, #tpu.memory_space<vmem>>, vector<16xf32>,
        %mul3A_507 = vector.broadcast %reduce_max3A_479 : f32 to vector<16xf32>
        %mul3A_508 = arith.mulf %mul3A_507, %get3A_506 : vector<16xf32>
        %add3A_509 = arith.addf %scan3A_462, %mul3A_508 : vector<16xf32>
        %get3A_510 = arith.index_cast %scan3A_457 : i32 to index
        %get3A_511 = arith.constant 80 : index
        %get3A_512 = tpu.vector_load %arg19[%get3A_510, %get3A_511] {strides = array<i32>} : memref<32x256xf32, #tpu.memory_space<vmem>>, vector<16xf32>,
        %mul3A_513 = vector.broadcast %reduce_max3A_479 : f32 to vector<16xf32>
        %mul3A_514 = arith.mulf %mul3A_513, %get3A_512 : vector<16xf32>
        %add3A_515 = arith.addf %scan3A_463, %mul3A_514 : vector<16xf32>
        %get3A_516 = arith.index_cast %scan3A_457 : i32 to index
        %get3A_517 = arith.constant 96 : index
        %get3A_518 = tpu.vector_load %arg19[%get3A_516, %get3A_517] {strides = array<i32>} : memref<32x256xf32, #tpu.memory_space<vmem>>, vector<16xf32>,
        %mul3A_519 = vector.broadcast %reduce_max3A_479 : f32 to vector<16xf32>
        %mul3A_520 = arith.mulf %mul3A_519, %get3A_518 : vector<16xf32>
        %add3A_521 = arith.addf %scan3A_464, %mul3A_520 : vector<16xf32>
        %get3A_522 = arith.index_cast %scan3A_457 : i32 to index
        %get3A_523 = arith.constant 112 : index
        %get3A_524 = tpu.vector_load %arg19[%get3A_522, %get3A_523] {strides = array<i32>} : memref<32x256xf32, #tpu.memory_space<vmem>>, vector<16xf32>,
        %mul3A_525 = vector.broadcast %reduce_max3A_479 : f32 to vector<16xf32>
        %mul3A_526 = arith.mulf %mul3A_525, %get3A_524 : vector<16xf32>
        %add3A_527 = arith.addf %scan3A_465, %mul3A_526 : vector<16xf32>
        %get3A_528 = arith.index_cast %scan3A_457 : i32 to index
        %get3A_529 = arith.constant 128 : index
        %get3A_530 = tpu.vector_load %arg19[%get3A_528, %get3A_529] {strides = array<i32>} : memref<32x256xf32, #tpu.memory_space<vmem>>, vector<16xf32>,
        %mul3A_531 = vector.broadcast %reduce_max3A_479 : f32 to vector<16xf32>
        %mul3A_532 = arith.mulf %mul3A_531, %get3A_530 : vector<16xf32>
        %add3A_533 = arith.addf %scan3A_466, %mul3A_532 : vector<16xf32>
        %get3A_534 = arith.index_cast %scan3A_457 : i32 to index
        %get3A_535 = arith.constant 144 : index
        %get3A_536 = tpu.vector_load %arg19[%get3A_534, %get3A_535] {strides = array<i32>} : memref<32x256xf32, #tpu.memory_space<vmem>>, vector<16xf32>,
        %mul3A_537 = vector.broadcast %reduce_max3A_479 : f32 to vector<16xf32>
        %mul3A_538 = arith.mulf %mul3A_537, %get3A_536 : vector<16xf32>
        %add3A_539 = arith.addf %scan3A_467, %mul3A_538 : vector<16xf32>
        %get3A_540 = arith.index_cast %scan3A_457 : i32 to index
        %get3A_541 = arith.constant 160 : index
        %get3A_542 = tpu.vector_load %arg19[%get3A_540, %get3A_541] {strides = array<i32>} : memref<32x256xf32, #tpu.memory_space<vmem>>, vector<16xf32>,
        %mul3A_543 = vector.broadcast %reduce_max3A_479 : f32 to vector<16xf32>
        %mul3A_544 = arith.mulf %mul3A_543, %get3A_542 : vector<16xf32>
        %add3A_545 = arith.addf %scan3A_468, %mul3A_544 : vector<16xf32>
        %get3A_546 = arith.index_cast %scan3A_457 : i32 to index
        %get3A_547 = arith.constant 176 : index
        %get3A_548 = tpu.vector_load %arg19[%get3A_546, %get3A_547] {strides = array<i32>} : memref<32x256xf32, #tpu.memory_space<vmem>>, vector<16xf32>,
        %mul3A_549 = vector.broadcast %reduce_max3A_479 : f32 to vector<16xf32>
        %mul3A_550 = arith.mulf %mul3A_549, %get3A_548 : vector<16xf32>
        %add3A_551 = arith.addf %scan3A_469, %mul3A_550 : vector<16xf32>
        %get3A_552 = arith.index_cast %scan3A_457 : i32 to index
        %get3A_553 = arith.constant 192 : index
        %get3A_554 = tpu.vector_load %arg19[%get3A_552, %get3A_553] {strides = array<i32>} : memref<32x256xf32, #tpu.memory_space<vmem>>, vector<16xf32>,
        %mul3A_555 = vector.broadcast %reduce_max3A_479 : f32 to vector<16xf32>
        %mul3A_556 = arith.mulf %mul3A_555, %get3A_554 : vector<16xf32>
        %add3A_557 = arith.addf %scan3A_470, %mul3A_556 : vector<16xf32>
        %get3A_558 = arith.index_cast %scan3A_457 : i32 to index
        %get3A_559 = arith.constant 208 : index
        %get3A_560 = tpu.vector_load %arg19[%get3A_558, %get3A_559] {strides = array<i32>} : memref<32x256xf32, #tpu.memory_space<vmem>>, vector<16xf32>,
        %mul3A_561 = vector.broadcast %reduce_max3A_479 : f32 to vector<16xf32>
        %mul3A_562 = arith.mulf %mul3A_561, %get3A_560 : vector<16xf32>
        %add3A_563 = arith.addf %scan3A_471, %mul3A_562 : vector<16xf32>
        %get3A_564 = arith.index_cast %scan3A_457 : i32 to index
        %get3A_565 = arith.constant 224 : index
        %get3A_566 = tpu.vector_load %arg19[%get3A_564, %get3A_565] {strides = array<i32>} : memref<32x256xf32, #tpu.memory_space<vmem>>, vector<16xf32>,
        %mul3A_567 = vector.broadcast %reduce_max3A_479 : f32 to vector<16xf32>
        %mul3A_568 = arith.mulf %mul3A_567, %get3A_566 : vector<16xf32>
        %add3A_569 = arith.addf %scan3A_472, %mul3A_568 : vector<16xf32>
        %get3A_570 = arith.index_cast %scan3A_457 : i32 to index
        %get3A_571 = arith.constant 240 : index
        %get3A_572 = tpu.vector_load %arg19[%get3A_570, %get3A_571] {strides = array<i32>} : memref<32x256xf32, #tpu.memory_space<vmem>>, vector<16xf32>,
        %mul3A_573 = vector.broadcast %reduce_max3A_479 : f32 to vector<16xf32>
        %mul3A_574 = arith.mulf %mul3A_573, %get3A_572 : vector<16xf32>
        %add3A_575 = arith.addf %scan3A_473, %mul3A_574 : vector<16xf32>
        scf.yield %add3A_485, %add3A_491, %add3A_497, %add3A_503, %add3A_509, %add3A_515, %add3A_521, %add3A_527, %add3A_533, %add3A_539, %add3A_545, %add3A_551, %add3A_557, %add3A_563, %add3A_569, %add3A_575 : vector<16xf32>, vector<16xf32>, vector<16xf32>, vector<16xf32>, vector<16xf32>, vector<16xf32>, vector<16xf32>, vector<16xf32>, vector<16xf32>, vector<16xf32>, vector<16xf32>, vector<16xf32>, vector<16xf32>, vector<16xf32>, vector<16xf32>, vector<16xf32>
      }
      %scan3A_160 = arith.constant 32 : i32
      %mul3A_161 = arith.constant 256 : i32
      %mul3A_162 = arith.muli %mul3A_16, %mul3A_161 : i32
      %add3A_163 = arith.constant 0 : i32
      %add3A_164 = arith.addi %mul3A_162, %add3A_163 : i32
      %swap3A_165 = arith.index_cast %add3A_164 : i32 to index
      %swap3A_166 = tpu.vector_load %arg20[%swap3A_165] {strides = array<i32>} : memref<8192xf32, #tpu.memory_space<vmem>>, vector<16xf32>,
      tpu.vector_store %arg20[%swap3A_165], %scan3A_159#0 {strides = array<i32>} : memref<8192xf32, #tpu.memory_space<vmem>>, vector<16xf32>,
      %add3A_167 = arith.constant 16 : i32
      %add3A_168 = arith.addi %mul3A_162, %add3A_167 : i32
      %swap3A_169 = arith.index_cast %add3A_168 : i32 to index
      %swap3A_170 = tpu.vector_load %arg20[%swap3A_169] {strides = array<i32>} : memref<8192xf32, #tpu.memory_space<vmem>>, vector<16xf32>,
      tpu.vector_store %arg20[%swap3A_169], %scan3A_159#1 {strides = array<i32>} : memref<8192xf32, #tpu.memory_space<vmem>>, vector<16xf32>,
      %add3A_171 = arith.constant 32 : i32
      %add3A_172 = arith.addi %mul3A_162, %add3A_171 : i32
      %swap3A_173 = arith.index_cast %add3A_172 : i32 to index
      %swap3A_174 = tpu.vector_load %arg20[%swap3A_173] {strides = array<i32>} : memref<8192xf32, #tpu.memory_space<vmem>>, vector<16xf32>,
      tpu.vector_store %arg20[%swap3A_173], %scan3A_159#2 {strides = array<i32>} : memref<8192xf32, #tpu.memory_space<vmem>>, vector<16xf32>,
      %add3A_175 = arith.constant 48 : i32
      %add3A_176 = arith.addi %mul3A_162, %add3A_175 : i32
      %swap3A_177 = arith.index_cast %add3A_176 : i32 to index
      %swap3A_178 = tpu.vector_load %arg20[%swap3A_177] {strides = array<i32>} : memref<8192xf32, #tpu.memory_space<vmem>>, vector<16xf32>,
      tpu.vector_store %arg20[%swap3A_177], %scan3A_159#3 {strides = array<i32>} : memref<8192xf32, #tpu.memory_space<vmem>>, vector<16xf32>,
      %add3A_179 = arith.constant 64 : i32
      %add3A_180 = arith.addi %mul3A_162, %add3A_179 : i32
      %swap3A_181 = arith.index_cast %add3A_180 : i32 to index
      %swap3A_182 = tpu.vector_load %arg20[%swap3A_181] {strides = array<i32>} : memref<8192xf32, #tpu.memory_space<vmem>>, vector<16xf32>,
      tpu.vector_store %arg20[%swap3A_181], %scan3A_159#4 {strides = array<i32>} : memref<8192xf32, #tpu.memory_space<vmem>>, vector<16xf32>,
      %add3A_183 = arith.constant 80 : i32
      %add3A_184 = arith.addi %mul3A_162, %add3A_183 : i32
      %swap3A_185 = arith.index_cast %add3A_184 : i32 to index
      %swap3A_186 = tpu.vector_load %arg20[%swap3A_185] {strides = array<i32>} : memref<8192xf32, #tpu.memory_space<vmem>>, vector<16xf32>,
      tpu.vector_store %arg20[%swap3A_185], %scan3A_159#5 {strides = array<i32>} : memref<8192xf32, #tpu.memory_space<vmem>>, vector<16xf32>,
      %add3A_187 = arith.constant 96 : i32
      %add3A_188 = arith.addi %mul3A_162, %add3A_187 : i32
      %swap3A_189 = arith.index_cast %add3A_188 : i32 to index
      %swap3A_190 = tpu.vector_load %arg20[%swap3A_189] {strides = array<i32>} : memref<8192xf32, #tpu.memory_space<vmem>>, vector<16xf32>,
      tpu.vector_store %arg20[%swap3A_189], %scan3A_159#6 {strides = array<i32>} : memref<8192xf32, #tpu.memory_space<vmem>>, vector<16xf32>,
      %add3A_191 = arith.constant 112 : i32
      %add3A_192 = arith.addi %mul3A_162, %add3A_191 : i32
      %swap3A_193 = arith.index_cast %add3A_192 : i32 to index
      %swap3A_194 = tpu.vector_load %arg20[%swap3A_193] {strides = array<i32>} : memref<8192xf32, #tpu.memory_space<vmem>>, vector<16xf32>,
      tpu.vector_store %arg20[%swap3A_193], %scan3A_159#7 {strides = array<i32>} : memref<8192xf32, #tpu.memory_space<vmem>>, vector<16xf32>,
      %add3A_195 = arith.constant 128 : i32
      %add3A_196 = arith.addi %mul3A_162, %add3A_195 : i32
      %swap3A_197 = arith.index_cast %add3A_196 : i32 to index
      %swap3A_198 = tpu.vector_load %arg20[%swap3A_197] {strides = array<i32>} : memref<8192xf32, #tpu.memory_space<vmem>>, vector<16xf32>,
      tpu.vector_store %arg20[%swap3A_197], %scan3A_159#8 {strides = array<i32>} : memref<8192xf32, #tpu.memory_space<vmem>>, vector<16xf32>,
      %add3A_199 = arith.constant 144 : i32
      %add3A_200 = arith.addi %mul3A_162, %add3A_199 : i32
      %swap3A_201 = arith.index_cast %add3A_200 : i32 to index
      %swap3A_202 = tpu.vector_load %arg20[%swap3A_201] {strides = array<i32>} : memref<8192xf32, #tpu.memory_space<vmem>>, vector<16xf32>,
      tpu.vector_store %arg20[%swap3A_201], %scan3A_159#9 {strides = array<i32>} : memref<8192xf32, #tpu.memory_space<vmem>>, vector<16xf32>,
      %add3A_203 = arith.constant 160 : i32
      %add3A_204 = arith.addi %mul3A_162, %add3A_203 : i32
      %swap3A_205 = arith.index_cast %add3A_204 : i32 to index
      %swap3A_206 = tpu.vector_load %arg20[%swap3A_205] {strides = array<i32>} : memref<8192xf32, #tpu.memory_space<vmem>>, vector<16xf32>,
      tpu.vector_store %arg20[%swap3A_205], %scan3A_159#10 {strides = array<i32>} : memref<8192xf32, #tpu.memory_space<vmem>>, vector<16xf32>,
      %add3A_207 = arith.constant 176 : i32
      %add3A_208 = arith.addi %mul3A_162, %add3A_207 : i32
      %swap3A_209 = arith.index_cast %add3A_208 : i32 to index
      %swap3A_210 = tpu.vector_load %arg20[%swap3A_209] {strides = array<i32>} : memref<8192xf32, #tpu.memory_space<vmem>>, vector<16xf32>,
      tpu.vector_store %arg20[%swap3A_209], %scan3A_159#11 {strides = array<i32>} : memref<8192xf32, #tpu.memory_space<vmem>>, vector<16xf32>,
      %add3A_211 = arith.constant 192 : i32
      %add3A_212 = arith.addi %mul3A_162, %add3A_211 : i32
      %swap3A_213 = arith.index_cast %add3A_212 : i32 to index
      %swap3A_214 = tpu.vector_load %arg20[%swap3A_213] {strides = array<i32>} : memref<8192xf32, #tpu.memory_space<vmem>>, vector<16xf32>,
      tpu.vector_store %arg20[%swap3A_213], %scan3A_159#12 {strides = array<i32>} : memref<8192xf32, #tpu.memory_space<vmem>>, vector<16xf32>,
      %add3A_215 = arith.constant 208 : i32
      %add3A_216 = arith.addi %mul3A_162, %add3A_215 : i32
      %swap3A_217 = arith.index_cast %add3A_216 : i32 to index
      %swap3A_218 = tpu.vector_load %arg20[%swap3A_217] {strides = array<i32>} : memref<8192xf32, #tpu.memory_space<vmem>>, vector<16xf32>,
      tpu.vector_store %arg20[%swap3A_217], %scan3A_159#13 {strides = array<i32>} : memref<8192xf32, #tpu.memory_space<vmem>>, vector<16xf32>,
      %add3A_219 = arith.constant 224 : i32
      %add3A_220 = arith.addi %mul3A_162, %add3A_219 : i32
      %swap3A_221 = arith.index_cast %add3A_220 : i32 to index
      %swap3A_222 = tpu.vector_load %arg20[%swap3A_221] {strides = array<i32>} : memref<8192xf32, #tpu.memory_space<vmem>>, vector<16xf32>,
      tpu.vector_store %arg20[%swap3A_221], %scan3A_159#14 {strides = array<i32>} : memref<8192xf32, #tpu.memory_space<vmem>>, vector<16xf32>,
      %add3A_223 = arith.constant 240 : i32
      %add3A_224 = arith.addi %mul3A_162, %add3A_223 : i32
      %swap3A_225 = arith.index_cast %add3A_224 : i32 to index
      %swap3A_226 = tpu.vector_load %arg20[%swap3A_225] {strides = array<i32>} : memref<8192xf32, #tpu.memory_space<vmem>>, vector<16xf32>,
      tpu.vector_store %arg20[%swap3A_225], %scan3A_159#15 {strides = array<i32>} : memref<8192xf32, #tpu.memory_space<vmem>>, vector<16xf32>,
      %add3A_227 = arith.constant 1 : i32
      %add3A_228 = arith.addi %mul3A_16, %add3A_227 : i32
      %add3A_229 = arith.addi %mul3A_2, %add3A_228 : i32
      %mul3A_230 = arith.constant 512 : i32
      %mul3A_231 = arith.muli %add3A_229, %mul3A_230 : i32
      %broadcast_in_dim3A_232 = vector.broadcast %add3A_228 : i32 to vector<16xi32>
      %gather3A_233 = tpu.vector_load_idx %arg8[%broadcast_in_dim3A_232] : memref<32xf32, #tpu.memory_space<vmem>>[vector<16xi32>], vector<16xf32>,
      %reduce_max3A_234 = arith.constant true
      %reduce_max3A_235 = vector.broadcast %reduce_max3A_234 : i1 to vector<16xi1>
      %reduce_max3A_236 = tpu.scan <max>, %gather3A_233 masked %reduce_max3A_235 : vector<16xf32>, vector<16xi1> -> vector<16xf32>
      %reduce_max3A_237 = vector.extract %reduce_max3A_236[15] : f32 from vector<16xf32>
      %broadcast_in_dim3A_238 = vector.broadcast %mul3A_231 : i32 to vector<16xi32>
      %swap3A_239 = arith.constant 0 : index
      %swap3A_240 = tpu.vector_load %arg9[%swap3A_239] {strides = array<i32>} : memref<64xi32, #tpu.memory_space<vmem>>, vector<16xi32>,
      tpu.vector_store %arg9[%swap3A_239], %broadcast_in_dim3A_238 {strides = array<i32>} : memref<64xi32, #tpu.memory_space<vmem>>, vector<16xi32>,
      %broadcast_in_dim3A_241 = vector.broadcast %mul3A_231 : i32 to vector<16xi32>
      %swap3A_242 = arith.constant 16 : index
      %swap3A_243 = tpu.vector_load %arg9[%swap3A_242] {strides = array<i32>} : memref<64xi32, #tpu.memory_space<vmem>>, vector<16xi32>,
      tpu.vector_store %arg9[%swap3A_242], %broadcast_in_dim3A_241 {strides = array<i32>} : memref<64xi32, #tpu.memory_space<vmem>>, vector<16xi32>,
      %broadcast_in_dim3A_244 = vector.broadcast %mul3A_231 : i32 to vector<16xi32>
      %swap3A_245 = arith.constant 32 : index
      %swap3A_246 = tpu.vector_load %arg9[%swap3A_245] {strides = array<i32>} : memref<64xi32, #tpu.memory_space<vmem>>, vector<16xi32>,
      tpu.vector_store %arg9[%swap3A_245], %broadcast_in_dim3A_244 {strides = array<i32>} : memref<64xi32, #tpu.memory_space<vmem>>, vector<16xi32>,
      %broadcast_in_dim3A_247 = vector.broadcast %mul3A_231 : i32 to vector<16xi32>
      %swap3A_248 = arith.constant 48 : index
      %swap3A_249 = tpu.vector_load %arg9[%swap3A_248] {strides = array<i32>} : memref<64xi32, #tpu.memory_space<vmem>>, vector<16xi32>,
      tpu.vector_store %arg9[%swap3A_248], %broadcast_in_dim3A_247 {strides = array<i32>} : memref<64xi32, #tpu.memory_space<vmem>>, vector<16xi32>,
      %scan3A_250 = arith.constant 0 : i32
      %scan3A_251 = arith.constant 0 : i32
      %scan3A_252 = arith.constant 32 : i32
      %scan3A_253 = arith.addi %scan3A_251, %scan3A_252 : i32
      %scan3A_254 = arith.constant 1 : i32
      %scan3A_255 = scf.for %scan3A_457 = %scan3A_251 to %scan3A_253 step %scan3A_254 iter_args(%scan3A_458 = %scan3A_250) -> (i32)  : i32 {
        %mul3A_459 = arith.constant 512 : i32
        %mul3A_460 = arith.muli %add3A_228, %mul3A_459 : i32
        %mul3A_461 = arith.constant 16 : i32
        %mul3A_462 = arith.muli %scan3A_457, %mul3A_461 : i32
        %add3A_463 = arith.addi %mul3A_460, %mul3A_462 : i32
        %get3A_464 = arith.index_cast %add3A_463 : i32 to index
        %get3A_465 = tpu.vector_load %arg7[%get3A_464] {strides = array<i32>} : memref<16384xf32, #tpu.memory_space<vmem>>, vector<16xf32>,
        %ge3A = vector.broadcast %reduce_max3A_237 : f32 to vector<16xf32>
        %ge3A_466 = arith.cmpf oge, %get3A_465, %ge3A : vector<16xf32>
        %mul3A_467 = arith.constant 16 : i32
        %mul3A_468 = arith.muli %scan3A_457, %mul3A_467 : i32
        %add3A_469 = arith.addi %mul3A_231, %mul3A_468 : i32
        %add3A_470 = vector.broadcast %add3A_469 : i32 to vector<16xi32>
        %add3A_471 = arith.addi %iota3A, %add3A_470 : vector<16xi32>
        %swap3A_472 = arith.index_cast %scan3A_458 : i32 to index
        %swap3A_473 = tpu.vector_load %arg9[%swap3A_472] masked %ge3A_466 {strides = array<i32>} : memref<64xi32, #tpu.memory_space<vmem>>, vector<16xi32>, vector<16xi1>
        tpu.vector_store %arg9[%swap3A_472], %add3A_471 masked %ge3A_466 {strides = array<i32>} : memref<64xi32, #tpu.memory_space<vmem>>, vector<16xi32>, vector<16xi1>
        %convert_element_type3A = arith.extui %ge3A_466 : vector<16xi1> to vector<16xi32>
        %reduce_sum3A_474 = arith.constant true
        %reduce_sum3A_475 = vector.broadcast %reduce_sum3A_474 : i1 to vector<16xi1>
        %reduce_sum3A_476 = tpu.scan <sum>, %convert_element_type3A masked %reduce_sum3A_475 : vector<16xi32>, vector<16xi1> -> vector<16xi32>
        %reduce_sum3A_477 = vector.extract %reduce_sum3A_476[15] : i32 from vector<16xi32>
        %add3A_478 = arith.addi %scan3A_458, %reduce_sum3A_477 : i32
        %min3A = arith.constant 48 : i32
        %min3A_479 = arith.minsi %add3A_478, %min3A : i32
        scf.yield %min3A_479 : i32
      }
      %scan3A_256 = arith.constant 32 : i32
      %get3A_257 = arith.constant 0 : index
      %get3A_258 = tpu.vector_load %arg9[%get3A_257] {strides = array<i32>} : memref<64xi32, #tpu.memory_space<vmem>>, vector<16xi32>,
      %swap3A_259 = arith.constant 0 : index
      %swap3A_260 = tpu.vector_load %arg11[%swap3A_259] {strides = array<i32>} : memref<48xi32, #tpu.memory_space<vmem>>, vector<16xi32>,
      tpu.vector_store %arg11[%swap3A_259], %get3A_258 {strides = array<i32>} : memref<48xi32, #tpu.memory_space<vmem>>, vector<16xi32>,
      %get3A_261 = arith.constant 16 : index
      %get3A_262 = tpu.vector_load %arg9[%get3A_261] {strides = array<i32>} : memref<64xi32, #tpu.memory_space<vmem>>, vector<16xi32>,
      %swap3A_263 = arith.constant 16 : index
      %swap3A_264 = tpu.vector_load %arg11[%swap3A_263] {strides = array<i32>} : memref<48xi32, #tpu.memory_space<vmem>>, vector<16xi32>,
      tpu.vector_store %arg11[%swap3A_263], %get3A_262 {strides = array<i32>} : memref<48xi32, #tpu.memory_space<vmem>>, vector<16xi32>,
      %get3A_265 = arith.constant 32 : index
      %get3A_266 = tpu.vector_load %arg9[%get3A_265] {strides = array<i32>} : memref<64xi32, #tpu.memory_space<vmem>>, vector<16xi32>,
      %swap3A_267 = arith.constant 32 : index
      %swap3A_268 = tpu.vector_load %arg11[%swap3A_267] {strides = array<i32>} : memref<48xi32, #tpu.memory_space<vmem>>, vector<16xi32>,
      tpu.vector_store %arg11[%swap3A_267], %get3A_266 {strides = array<i32>} : memref<48xi32, #tpu.memory_space<vmem>>, vector<16xi32>,
      %dma_start3A_269 = arith.constant 0 : i32
      %dma_start3A_270 = arith.constant 0 : i32
      %dma_start3A_271 = tpu.memref_slice %arg2[%dma_start3A_269, %dma_start3A_270] : memref<524288x128xf32, #tpu.memory_space<hbm>> -> memref<524288x128xf32, #tpu.memory_space<hbm>>
      tpu.enqueue_indirect_dma source(%dma_start3A_271 : memref<524288x128xf32, #tpu.memory_space<hbm>>) target(%arg13 : memref<48x128xf32, #tpu.memory_space<vmem>>) offsets(%arg11 : memref<48xi32, #tpu.memory_space<vmem>>) semaphore(%arg21 : memref<!tpu.dma_semaphore, #tpu.memory_space<semaphore_mem>>)
      %dma_wait3A_272 = arith.constant 0 : i32
      %dma_wait3A_273 = arith.constant 0 : i32
      %dma_wait3A_274 = tpu.memref_slice %arg2[%dma_wait3A_272, %dma_wait3A_273] : memref<524288x128xf32, #tpu.memory_space<hbm>> -> memref<524288x128xf32, #tpu.memory_space<hbm>>
      tpu.wait_indirect_dma semaphore(%arg21 : memref<!tpu.dma_semaphore, #tpu.memory_space<semaphore_mem>>) src(%dma_wait3A_274 : memref<524288x128xf32, #tpu.memory_space<hbm>>) dst(%arg13 : memref<48x128xf32, #tpu.memory_space<vmem>>)
      %add3A_275 = arith.constant 1 : i32
      %add3A_276 = arith.addi %mul3A_16, %add3A_275 : i32
      %add3A_277 = arith.addi %mul3A_2, %add3A_276 : i32
      %mul3A_278 = arith.constant 512 : i32
      %mul3A_279 = arith.muli %add3A_277, %mul3A_278 : i32
      %broadcast_in_dim3A_280 = vector.broadcast %add3A_276 : i32 to vector<16xi32>
      %gather3A_281 = tpu.vector_load_idx %arg8[%broadcast_in_dim3A_280] : memref<32xf32, #tpu.memory_space<vmem>>[vector<16xi32>], vector<16xf32>,
      %reduce_max3A_282 = arith.constant true
      %reduce_max3A_283 = vector.broadcast %reduce_max3A_282 : i1 to vector<16xi1>
      %reduce_max3A_284 = tpu.scan <max>, %gather3A_281 masked %reduce_max3A_283 : vector<16xf32>, vector<16xi1> -> vector<16xf32>
      %reduce_max3A_285 = vector.extract %reduce_max3A_284[15] : f32 from vector<16xf32>
      %while3A_286 = arith.constant 0 : i32
      %while3A_287 = arith.constant 0 : i32
      %while3A_288 = arith.subi %scan3A_255, %while3A_286 : i32
      %while3A_289 = arith.addi %while3A_286, %while3A_288 : i32
      %while3A_290 = arith.constant 1 : i32
      %while3A_291 = arith.divsi %while3A_288, %while3A_290 : i32
      %while3A_292 = arith.muli %while3A_291, %while3A_290 : i32
      %while3A_293 = arith.addi %while3A_286, %while3A_292 : i32
      %while3A_294 = arith.constant 1 : i32
      %while3A_295 = scf.for %while3A_457 = %while3A_286 to %while3A_293 step %while3A_294 iter_args(%while3A_458 = %while3A_287) -> (i32)  : i32 {
        %get3A_459 = arith.index_cast %while3A_457 : i32 to index
        %get3A_460 = arith.constant 0 : index
        %get3A_461 = tpu.vector_load %arg13[%get3A_459, %get3A_460] {strides = array<i32>} : memref<48x128xf32, #tpu.memory_space<vmem>>, vector<16xf32>,
        %ge3A = vector.broadcast %reduce_max3A_285 : f32 to vector<16xf32>
        %ge3A_462 = arith.cmpf oge, %get3A_461, %ge3A : vector<16xf32>
        %mul3A_463 = arith.constant 128 : i32
        %mul3A_464 = arith.muli %while3A_457, %mul3A_463 : i32
        %add3A_465 = arith.constant 0 : i32
        %add3A_466 = arith.addi %mul3A_464, %add3A_465 : i32
        %add3A_467 = vector.broadcast %add3A_466 : i32 to vector<16xi32>
        %add3A_468 = arith.addi %iota3A, %add3A_467 : vector<16xi32>
        %swap3A_469 = arith.index_cast %while3A_458 : i32 to index
        %swap3A_470 = tpu.vector_load %arg14[%swap3A_469] masked %ge3A_462 {strides = array<i32>} : memref<272xf32, #tpu.memory_space<vmem>>, vector<16xf32>, vector<16xi1>
        tpu.vector_store %arg14[%swap3A_469], %get3A_461 masked %ge3A_462 {strides = array<i32>} : memref<272xf32, #tpu.memory_space<vmem>>, vector<16xf32>, vector<16xi1>
        %swap3A_471 = arith.index_cast %while3A_458 : i32 to index
        %swap3A_472 = tpu.vector_load %arg15[%swap3A_471] masked %ge3A_462 {strides = array<i32>} : memref<272xi32, #tpu.memory_space<vmem>>, vector<16xi32>, vector<16xi1>
        tpu.vector_store %arg15[%swap3A_471], %add3A_468 masked %ge3A_462 {strides = array<i32>} : memref<272xi32, #tpu.memory_space<vmem>>, vector<16xi32>, vector<16xi1>
        %convert_element_type3A = arith.extui %ge3A_462 : vector<16xi1> to vector<16xi32>
        %reduce_sum3A_473 = arith.constant true
        %reduce_sum3A_474 = vector.broadcast %reduce_sum3A_473 : i1 to vector<16xi1>
        %reduce_sum3A_475 = tpu.scan <sum>, %convert_element_type3A masked %reduce_sum3A_474 : vector<16xi32>, vector<16xi1> -> vector<16xi32>
        %reduce_sum3A_476 = vector.extract %reduce_sum3A_475[15] : i32 from vector<16xi32>
        %add3A_477 = arith.addi %while3A_458, %reduce_sum3A_476 : i32
        %min3A = arith.constant 256 : i32
        %min3A_478 = arith.minsi %add3A_477, %min3A : i32
        %get3A_479 = arith.index_cast %while3A_457 : i32 to index
        %get3A_480 = arith.constant 16 : index
        %get3A_481 = tpu.vector_load %arg13[%get3A_479, %get3A_480] {strides = array<i32>} : memref<48x128xf32, #tpu.memory_space<vmem>>, vector<16xf32>,
        %ge3A_482 = vector.broadcast %reduce_max3A_285 : f32 to vector<16xf32>
        %ge3A_483 = arith.cmpf oge, %get3A_481, %ge3A_482 : vector<16xf32>
        %mul3A_484 = arith.constant 128 : i32
        %mul3A_485 = arith.muli %while3A_457, %mul3A_484 : i32
        %add3A_486 = arith.constant 16 : i32
        %add3A_487 = arith.addi %mul3A_485, %add3A_486 : i32
        %add3A_488 = vector.broadcast %add3A_487 : i32 to vector<16xi32>
        %add3A_489 = arith.addi %iota3A, %add3A_488 : vector<16xi32>
        %swap3A_490 = arith.index_cast %min3A_478 : i32 to index
        %swap3A_491 = tpu.vector_load %arg14[%swap3A_490] masked %ge3A_483 {strides = array<i32>} : memref<272xf32, #tpu.memory_space<vmem>>, vector<16xf32>, vector<16xi1>
        tpu.vector_store %arg14[%swap3A_490], %get3A_481 masked %ge3A_483 {strides = array<i32>} : memref<272xf32, #tpu.memory_space<vmem>>, vector<16xf32>, vector<16xi1>
        %swap3A_492 = arith.index_cast %min3A_478 : i32 to index
        %swap3A_493 = tpu.vector_load %arg15[%swap3A_492] masked %ge3A_483 {strides = array<i32>} : memref<272xi32, #tpu.memory_space<vmem>>, vector<16xi32>, vector<16xi1>
        tpu.vector_store %arg15[%swap3A_492], %add3A_489 masked %ge3A_483 {strides = array<i32>} : memref<272xi32, #tpu.memory_space<vmem>>, vector<16xi32>, vector<16xi1>
        %convert_element_type3A_494 = arith.extui %ge3A_483 : vector<16xi1> to vector<16xi32>
        %reduce_sum3A_495 = arith.constant true
        %reduce_sum3A_496 = vector.broadcast %reduce_sum3A_495 : i1 to vector<16xi1>
        %reduce_sum3A_497 = tpu.scan <sum>, %convert_element_type3A_494 masked %reduce_sum3A_496 : vector<16xi32>, vector<16xi1> -> vector<16xi32>
        %reduce_sum3A_498 = vector.extract %reduce_sum3A_497[15] : i32 from vector<16xi32>
        %add3A_499 = arith.addi %min3A_478, %reduce_sum3A_498 : i32
        %min3A_500 = arith.constant 256 : i32
        %min3A_501 = arith.minsi %add3A_499, %min3A_500 : i32
        %get3A_502 = arith.index_cast %while3A_457 : i32 to index
        %get3A_503 = arith.constant 32 : index
        %get3A_504 = tpu.vector_load %arg13[%get3A_502, %get3A_503] {strides = array<i32>} : memref<48x128xf32, #tpu.memory_space<vmem>>, vector<16xf32>,
        %ge3A_505 = vector.broadcast %reduce_max3A_285 : f32 to vector<16xf32>
        %ge3A_506 = arith.cmpf oge, %get3A_504, %ge3A_505 : vector<16xf32>
        %mul3A_507 = arith.constant 128 : i32
        %mul3A_508 = arith.muli %while3A_457, %mul3A_507 : i32
        %add3A_509 = arith.constant 32 : i32
        %add3A_510 = arith.addi %mul3A_508, %add3A_509 : i32
        %add3A_511 = vector.broadcast %add3A_510 : i32 to vector<16xi32>
        %add3A_512 = arith.addi %iota3A, %add3A_511 : vector<16xi32>
        %swap3A_513 = arith.index_cast %min3A_501 : i32 to index
        %swap3A_514 = tpu.vector_load %arg14[%swap3A_513] masked %ge3A_506 {strides = array<i32>} : memref<272xf32, #tpu.memory_space<vmem>>, vector<16xf32>, vector<16xi1>
        tpu.vector_store %arg14[%swap3A_513], %get3A_504 masked %ge3A_506 {strides = array<i32>} : memref<272xf32, #tpu.memory_space<vmem>>, vector<16xf32>, vector<16xi1>
        %swap3A_515 = arith.index_cast %min3A_501 : i32 to index
        %swap3A_516 = tpu.vector_load %arg15[%swap3A_515] masked %ge3A_506 {strides = array<i32>} : memref<272xi32, #tpu.memory_space<vmem>>, vector<16xi32>, vector<16xi1>
        tpu.vector_store %arg15[%swap3A_515], %add3A_512 masked %ge3A_506 {strides = array<i32>} : memref<272xi32, #tpu.memory_space<vmem>>, vector<16xi32>, vector<16xi1>
        %convert_element_type3A_517 = arith.extui %ge3A_506 : vector<16xi1> to vector<16xi32>
        %reduce_sum3A_518 = arith.constant true
        %reduce_sum3A_519 = vector.broadcast %reduce_sum3A_518 : i1 to vector<16xi1>
        %reduce_sum3A_520 = tpu.scan <sum>, %convert_element_type3A_517 masked %reduce_sum3A_519 : vector<16xi32>, vector<16xi1> -> vector<16xi32>
        %reduce_sum3A_521 = vector.extract %reduce_sum3A_520[15] : i32 from vector<16xi32>
        %add3A_522 = arith.addi %min3A_501, %reduce_sum3A_521 : i32
        %min3A_523 = arith.constant 256 : i32
        %min3A_524 = arith.minsi %add3A_522, %min3A_523 : i32
        %get3A_525 = arith.index_cast %while3A_457 : i32 to index
        %get3A_526 = arith.constant 48 : index
        %get3A_527 = tpu.vector_load %arg13[%get3A_525, %get3A_526] {strides = array<i32>} : memref<48x128xf32, #tpu.memory_space<vmem>>, vector<16xf32>,
        %ge3A_528 = vector.broadcast %reduce_max3A_285 : f32 to vector<16xf32>
        %ge3A_529 = arith.cmpf oge, %get3A_527, %ge3A_528 : vector<16xf32>
        %mul3A_530 = arith.constant 128 : i32
        %mul3A_531 = arith.muli %while3A_457, %mul3A_530 : i32
        %add3A_532 = arith.constant 48 : i32
        %add3A_533 = arith.addi %mul3A_531, %add3A_532 : i32
        %add3A_534 = vector.broadcast %add3A_533 : i32 to vector<16xi32>
        %add3A_535 = arith.addi %iota3A, %add3A_534 : vector<16xi32>
        %swap3A_536 = arith.index_cast %min3A_524 : i32 to index
        %swap3A_537 = tpu.vector_load %arg14[%swap3A_536] masked %ge3A_529 {strides = array<i32>} : memref<272xf32, #tpu.memory_space<vmem>>, vector<16xf32>, vector<16xi1>
        tpu.vector_store %arg14[%swap3A_536], %get3A_527 masked %ge3A_529 {strides = array<i32>} : memref<272xf32, #tpu.memory_space<vmem>>, vector<16xf32>, vector<16xi1>
        %swap3A_538 = arith.index_cast %min3A_524 : i32 to index
        %swap3A_539 = tpu.vector_load %arg15[%swap3A_538] masked %ge3A_529 {strides = array<i32>} : memref<272xi32, #tpu.memory_space<vmem>>, vector<16xi32>, vector<16xi1>
        tpu.vector_store %arg15[%swap3A_538], %add3A_535 masked %ge3A_529 {strides = array<i32>} : memref<272xi32, #tpu.memory_space<vmem>>, vector<16xi32>, vector<16xi1>
        %convert_element_type3A_540 = arith.extui %ge3A_529 : vector<16xi1> to vector<16xi32>
        %reduce_sum3A_541 = arith.constant true
        %reduce_sum3A_542 = vector.broadcast %reduce_sum3A_541 : i1 to vector<16xi1>
        %reduce_sum3A_543 = tpu.scan <sum>, %convert_element_type3A_540 masked %reduce_sum3A_542 : vector<16xi32>, vector<16xi1> -> vector<16xi32>
        %reduce_sum3A_544 = vector.extract %reduce_sum3A_543[15] : i32 from vector<16xi32>
        %add3A_545 = arith.addi %min3A_524, %reduce_sum3A_544 : i32
        %min3A_546 = arith.constant 256 : i32
        %min3A_547 = arith.minsi %add3A_545, %min3A_546 : i32
        %get3A_548 = arith.index_cast %while3A_457 : i32 to index
        %get3A_549 = arith.constant 64 : index
        %get3A_550 = tpu.vector_load %arg13[%get3A_548, %get3A_549] {strides = array<i32>} : memref<48x128xf32, #tpu.memory_space<vmem>>, vector<16xf32>,
        %ge3A_551 = vector.broadcast %reduce_max3A_285 : f32 to vector<16xf32>
        %ge3A_552 = arith.cmpf oge, %get3A_550, %ge3A_551 : vector<16xf32>
        %mul3A_553 = arith.constant 128 : i32
        %mul3A_554 = arith.muli %while3A_457, %mul3A_553 : i32
        %add3A_555 = arith.constant 64 : i32
        %add3A_556 = arith.addi %mul3A_554, %add3A_555 : i32
        %add3A_557 = vector.broadcast %add3A_556 : i32 to vector<16xi32>
        %add3A_558 = arith.addi %iota3A, %add3A_557 : vector<16xi32>
        %swap3A_559 = arith.index_cast %min3A_547 : i32 to index
        %swap3A_560 = tpu.vector_load %arg14[%swap3A_559] masked %ge3A_552 {strides = array<i32>} : memref<272xf32, #tpu.memory_space<vmem>>, vector<16xf32>, vector<16xi1>
        tpu.vector_store %arg14[%swap3A_559], %get3A_550 masked %ge3A_552 {strides = array<i32>} : memref<272xf32, #tpu.memory_space<vmem>>, vector<16xf32>, vector<16xi1>
        %swap3A_561 = arith.index_cast %min3A_547 : i32 to index
        %swap3A_562 = tpu.vector_load %arg15[%swap3A_561] masked %ge3A_552 {strides = array<i32>} : memref<272xi32, #tpu.memory_space<vmem>>, vector<16xi32>, vector<16xi1>
        tpu.vector_store %arg15[%swap3A_561], %add3A_558 masked %ge3A_552 {strides = array<i32>} : memref<272xi32, #tpu.memory_space<vmem>>, vector<16xi32>, vector<16xi1>
        %convert_element_type3A_563 = arith.extui %ge3A_552 : vector<16xi1> to vector<16xi32>
        %reduce_sum3A_564 = arith.constant true
        %reduce_sum3A_565 = vector.broadcast %reduce_sum3A_564 : i1 to vector<16xi1>
        %reduce_sum3A_566 = tpu.scan <sum>, %convert_element_type3A_563 masked %reduce_sum3A_565 : vector<16xi32>, vector<16xi1> -> vector<16xi32>
        %reduce_sum3A_567 = vector.extract %reduce_sum3A_566[15] : i32 from vector<16xi32>
        %add3A_568 = arith.addi %min3A_547, %reduce_sum3A_567 : i32
        %min3A_569 = arith.constant 256 : i32
        %min3A_570 = arith.minsi %add3A_568, %min3A_569 : i32
        %get3A_571 = arith.index_cast %while3A_457 : i32 to index
        %get3A_572 = arith.constant 80 : index
        %get3A_573 = tpu.vector_load %arg13[%get3A_571, %get3A_572] {strides = array<i32>} : memref<48x128xf32, #tpu.memory_space<vmem>>, vector<16xf32>,
        %ge3A_574 = vector.broadcast %reduce_max3A_285 : f32 to vector<16xf32>
        %ge3A_575 = arith.cmpf oge, %get3A_573, %ge3A_574 : vector<16xf32>
        %mul3A_576 = arith.constant 128 : i32
        %mul3A_577 = arith.muli %while3A_457, %mul3A_576 : i32
        %add3A_578 = arith.constant 80 : i32
        %add3A_579 = arith.addi %mul3A_577, %add3A_578 : i32
        %add3A_580 = vector.broadcast %add3A_579 : i32 to vector<16xi32>
        %add3A_581 = arith.addi %iota3A, %add3A_580 : vector<16xi32>
        %swap3A_582 = arith.index_cast %min3A_570 : i32 to index
        %swap3A_583 = tpu.vector_load %arg14[%swap3A_582] masked %ge3A_575 {strides = array<i32>} : memref<272xf32, #tpu.memory_space<vmem>>, vector<16xf32>, vector<16xi1>
        tpu.vector_store %arg14[%swap3A_582], %get3A_573 masked %ge3A_575 {strides = array<i32>} : memref<272xf32, #tpu.memory_space<vmem>>, vector<16xf32>, vector<16xi1>
        %swap3A_584 = arith.index_cast %min3A_570 : i32 to index
        %swap3A_585 = tpu.vector_load %arg15[%swap3A_584] masked %ge3A_575 {strides = array<i32>} : memref<272xi32, #tpu.memory_space<vmem>>, vector<16xi32>, vector<16xi1>
        tpu.vector_store %arg15[%swap3A_584], %add3A_581 masked %ge3A_575 {strides = array<i32>} : memref<272xi32, #tpu.memory_space<vmem>>, vector<16xi32>, vector<16xi1>
        %convert_element_type3A_586 = arith.extui %ge3A_575 : vector<16xi1> to vector<16xi32>
        %reduce_sum3A_587 = arith.constant true
        %reduce_sum3A_588 = vector.broadcast %reduce_sum3A_587 : i1 to vector<16xi1>
        %reduce_sum3A_589 = tpu.scan <sum>, %convert_element_type3A_586 masked %reduce_sum3A_588 : vector<16xi32>, vector<16xi1> -> vector<16xi32>
        %reduce_sum3A_590 = vector.extract %reduce_sum3A_589[15] : i32 from vector<16xi32>
        %add3A_591 = arith.addi %min3A_570, %reduce_sum3A_590 : i32
        %min3A_592 = arith.constant 256 : i32
        %min3A_593 = arith.minsi %add3A_591, %min3A_592 : i32
        %get3A_594 = arith.index_cast %while3A_457 : i32 to index
        %get3A_595 = arith.constant 96 : index
        %get3A_596 = tpu.vector_load %arg13[%get3A_594, %get3A_595] {strides = array<i32>} : memref<48x128xf32, #tpu.memory_space<vmem>>, vector<16xf32>,
        %ge3A_597 = vector.broadcast %reduce_max3A_285 : f32 to vector<16xf32>
        %ge3A_598 = arith.cmpf oge, %get3A_596, %ge3A_597 : vector<16xf32>
        %mul3A_599 = arith.constant 128 : i32
        %mul3A_600 = arith.muli %while3A_457, %mul3A_599 : i32
        %add3A_601 = arith.constant 96 : i32
        %add3A_602 = arith.addi %mul3A_600, %add3A_601 : i32
        %add3A_603 = vector.broadcast %add3A_602 : i32 to vector<16xi32>
        %add3A_604 = arith.addi %iota3A, %add3A_603 : vector<16xi32>
        %swap3A_605 = arith.index_cast %min3A_593 : i32 to index
        %swap3A_606 = tpu.vector_load %arg14[%swap3A_605] masked %ge3A_598 {strides = array<i32>} : memref<272xf32, #tpu.memory_space<vmem>>, vector<16xf32>, vector<16xi1>
        tpu.vector_store %arg14[%swap3A_605], %get3A_596 masked %ge3A_598 {strides = array<i32>} : memref<272xf32, #tpu.memory_space<vmem>>, vector<16xf32>, vector<16xi1>
        %swap3A_607 = arith.index_cast %min3A_593 : i32 to index
        %swap3A_608 = tpu.vector_load %arg15[%swap3A_607] masked %ge3A_598 {strides = array<i32>} : memref<272xi32, #tpu.memory_space<vmem>>, vector<16xi32>, vector<16xi1>
        tpu.vector_store %arg15[%swap3A_607], %add3A_604 masked %ge3A_598 {strides = array<i32>} : memref<272xi32, #tpu.memory_space<vmem>>, vector<16xi32>, vector<16xi1>
        %convert_element_type3A_609 = arith.extui %ge3A_598 : vector<16xi1> to vector<16xi32>
        %reduce_sum3A_610 = arith.constant true
        %reduce_sum3A_611 = vector.broadcast %reduce_sum3A_610 : i1 to vector<16xi1>
        %reduce_sum3A_612 = tpu.scan <sum>, %convert_element_type3A_609 masked %reduce_sum3A_611 : vector<16xi32>, vector<16xi1> -> vector<16xi32>
        %reduce_sum3A_613 = vector.extract %reduce_sum3A_612[15] : i32 from vector<16xi32>
        %add3A_614 = arith.addi %min3A_593, %reduce_sum3A_613 : i32
        %min3A_615 = arith.constant 256 : i32
        %min3A_616 = arith.minsi %add3A_614, %min3A_615 : i32
        %get3A_617 = arith.index_cast %while3A_457 : i32 to index
        %get3A_618 = arith.constant 112 : index
        %get3A_619 = tpu.vector_load %arg13[%get3A_617, %get3A_618] {strides = array<i32>} : memref<48x128xf32, #tpu.memory_space<vmem>>, vector<16xf32>,
        %ge3A_620 = vector.broadcast %reduce_max3A_285 : f32 to vector<16xf32>
        %ge3A_621 = arith.cmpf oge, %get3A_619, %ge3A_620 : vector<16xf32>
        %mul3A_622 = arith.constant 128 : i32
        %mul3A_623 = arith.muli %while3A_457, %mul3A_622 : i32
        %add3A_624 = arith.constant 112 : i32
        %add3A_625 = arith.addi %mul3A_623, %add3A_624 : i32
        %add3A_626 = vector.broadcast %add3A_625 : i32 to vector<16xi32>
        %add3A_627 = arith.addi %iota3A, %add3A_626 : vector<16xi32>
        %swap3A_628 = arith.index_cast %min3A_616 : i32 to index
        %swap3A_629 = tpu.vector_load %arg14[%swap3A_628] masked %ge3A_621 {strides = array<i32>} : memref<272xf32, #tpu.memory_space<vmem>>, vector<16xf32>, vector<16xi1>
        tpu.vector_store %arg14[%swap3A_628], %get3A_619 masked %ge3A_621 {strides = array<i32>} : memref<272xf32, #tpu.memory_space<vmem>>, vector<16xf32>, vector<16xi1>
        %swap3A_630 = arith.index_cast %min3A_616 : i32 to index
        %swap3A_631 = tpu.vector_load %arg15[%swap3A_630] masked %ge3A_621 {strides = array<i32>} : memref<272xi32, #tpu.memory_space<vmem>>, vector<16xi32>, vector<16xi1>
        tpu.vector_store %arg15[%swap3A_630], %add3A_627 masked %ge3A_621 {strides = array<i32>} : memref<272xi32, #tpu.memory_space<vmem>>, vector<16xi32>, vector<16xi1>
        %convert_element_type3A_632 = arith.extui %ge3A_621 : vector<16xi1> to vector<16xi32>
        %reduce_sum3A_633 = arith.constant true
        %reduce_sum3A_634 = vector.broadcast %reduce_sum3A_633 : i1 to vector<16xi1>
        %reduce_sum3A_635 = tpu.scan <sum>, %convert_element_type3A_632 masked %reduce_sum3A_634 : vector<16xi32>, vector<16xi1> -> vector<16xi32>
        %reduce_sum3A_636 = vector.extract %reduce_sum3A_635[15] : i32 from vector<16xi32>
        %add3A_637 = arith.addi %min3A_616, %reduce_sum3A_636 : i32
        %min3A_638 = arith.constant 256 : i32
        %min3A_639 = arith.minsi %add3A_637, %min3A_638 : i32
        scf.yield %min3A_639 : i32
      }
      %while3A_296 = arith.constant 1 : i32
      %while3A_297 = scf.for %while3A_457 = %while3A_293 to %while3A_289 step %while3A_296 iter_args(%while3A_458 = %while3A_295) -> (i32)  : i32 {
        %get3A_459 = arith.index_cast %while3A_457 : i32 to index
        %get3A_460 = arith.constant 0 : index
        %get3A_461 = tpu.vector_load %arg13[%get3A_459, %get3A_460] {strides = array<i32>} : memref<48x128xf32, #tpu.memory_space<vmem>>, vector<16xf32>,
        %ge3A = vector.broadcast %reduce_max3A_285 : f32 to vector<16xf32>
        %ge3A_462 = arith.cmpf oge, %get3A_461, %ge3A : vector<16xf32>
        %mul3A_463 = arith.constant 128 : i32
        %mul3A_464 = arith.muli %while3A_457, %mul3A_463 : i32
        %add3A_465 = arith.constant 0 : i32
        %add3A_466 = arith.addi %mul3A_464, %add3A_465 : i32
        %add3A_467 = vector.broadcast %add3A_466 : i32 to vector<16xi32>
        %add3A_468 = arith.addi %iota3A, %add3A_467 : vector<16xi32>
        %swap3A_469 = arith.index_cast %while3A_458 : i32 to index
        %swap3A_470 = tpu.vector_load %arg14[%swap3A_469] masked %ge3A_462 {strides = array<i32>} : memref<272xf32, #tpu.memory_space<vmem>>, vector<16xf32>, vector<16xi1>
        tpu.vector_store %arg14[%swap3A_469], %get3A_461 masked %ge3A_462 {strides = array<i32>} : memref<272xf32, #tpu.memory_space<vmem>>, vector<16xf32>, vector<16xi1>
        %swap3A_471 = arith.index_cast %while3A_458 : i32 to index
        %swap3A_472 = tpu.vector_load %arg15[%swap3A_471] masked %ge3A_462 {strides = array<i32>} : memref<272xi32, #tpu.memory_space<vmem>>, vector<16xi32>, vector<16xi1>
        tpu.vector_store %arg15[%swap3A_471], %add3A_468 masked %ge3A_462 {strides = array<i32>} : memref<272xi32, #tpu.memory_space<vmem>>, vector<16xi32>, vector<16xi1>
        %convert_element_type3A = arith.extui %ge3A_462 : vector<16xi1> to vector<16xi32>
        %reduce_sum3A_473 = arith.constant true
        %reduce_sum3A_474 = vector.broadcast %reduce_sum3A_473 : i1 to vector<16xi1>
        %reduce_sum3A_475 = tpu.scan <sum>, %convert_element_type3A masked %reduce_sum3A_474 : vector<16xi32>, vector<16xi1> -> vector<16xi32>
        %reduce_sum3A_476 = vector.extract %reduce_sum3A_475[15] : i32 from vector<16xi32>
        %add3A_477 = arith.addi %while3A_458, %reduce_sum3A_476 : i32
        %min3A = arith.constant 256 : i32
        %min3A_478 = arith.minsi %add3A_477, %min3A : i32
        %get3A_479 = arith.index_cast %while3A_457 : i32 to index
        %get3A_480 = arith.constant 16 : index
        %get3A_481 = tpu.vector_load %arg13[%get3A_479, %get3A_480] {strides = array<i32>} : memref<48x128xf32, #tpu.memory_space<vmem>>, vector<16xf32>,
        %ge3A_482 = vector.broadcast %reduce_max3A_285 : f32 to vector<16xf32>
        %ge3A_483 = arith.cmpf oge, %get3A_481, %ge3A_482 : vector<16xf32>
        %mul3A_484 = arith.constant 128 : i32
        %mul3A_485 = arith.muli %while3A_457, %mul3A_484 : i32
        %add3A_486 = arith.constant 16 : i32
        %add3A_487 = arith.addi %mul3A_485, %add3A_486 : i32
        %add3A_488 = vector.broadcast %add3A_487 : i32 to vector<16xi32>
        %add3A_489 = arith.addi %iota3A, %add3A_488 : vector<16xi32>
        %swap3A_490 = arith.index_cast %min3A_478 : i32 to index
        %swap3A_491 = tpu.vector_load %arg14[%swap3A_490] masked %ge3A_483 {strides = array<i32>} : memref<272xf32, #tpu.memory_space<vmem>>, vector<16xf32>, vector<16xi1>
        tpu.vector_store %arg14[%swap3A_490], %get3A_481 masked %ge3A_483 {strides = array<i32>} : memref<272xf32, #tpu.memory_space<vmem>>, vector<16xf32>, vector<16xi1>
        %swap3A_492 = arith.index_cast %min3A_478 : i32 to index
        %swap3A_493 = tpu.vector_load %arg15[%swap3A_492] masked %ge3A_483 {strides = array<i32>} : memref<272xi32, #tpu.memory_space<vmem>>, vector<16xi32>, vector<16xi1>
        tpu.vector_store %arg15[%swap3A_492], %add3A_489 masked %ge3A_483 {strides = array<i32>} : memref<272xi32, #tpu.memory_space<vmem>>, vector<16xi32>, vector<16xi1>
        %convert_element_type3A_494 = arith.extui %ge3A_483 : vector<16xi1> to vector<16xi32>
        %reduce_sum3A_495 = arith.constant true
        %reduce_sum3A_496 = vector.broadcast %reduce_sum3A_495 : i1 to vector<16xi1>
        %reduce_sum3A_497 = tpu.scan <sum>, %convert_element_type3A_494 masked %reduce_sum3A_496 : vector<16xi32>, vector<16xi1> -> vector<16xi32>
        %reduce_sum3A_498 = vector.extract %reduce_sum3A_497[15] : i32 from vector<16xi32>
        %add3A_499 = arith.addi %min3A_478, %reduce_sum3A_498 : i32
        %min3A_500 = arith.constant 256 : i32
        %min3A_501 = arith.minsi %add3A_499, %min3A_500 : i32
        %get3A_502 = arith.index_cast %while3A_457 : i32 to index
        %get3A_503 = arith.constant 32 : index
        %get3A_504 = tpu.vector_load %arg13[%get3A_502, %get3A_503] {strides = array<i32>} : memref<48x128xf32, #tpu.memory_space<vmem>>, vector<16xf32>,
        %ge3A_505 = vector.broadcast %reduce_max3A_285 : f32 to vector<16xf32>
        %ge3A_506 = arith.cmpf oge, %get3A_504, %ge3A_505 : vector<16xf32>
        %mul3A_507 = arith.constant 128 : i32
        %mul3A_508 = arith.muli %while3A_457, %mul3A_507 : i32
        %add3A_509 = arith.constant 32 : i32
        %add3A_510 = arith.addi %mul3A_508, %add3A_509 : i32
        %add3A_511 = vector.broadcast %add3A_510 : i32 to vector<16xi32>
        %add3A_512 = arith.addi %iota3A, %add3A_511 : vector<16xi32>
        %swap3A_513 = arith.index_cast %min3A_501 : i32 to index
        %swap3A_514 = tpu.vector_load %arg14[%swap3A_513] masked %ge3A_506 {strides = array<i32>} : memref<272xf32, #tpu.memory_space<vmem>>, vector<16xf32>, vector<16xi1>
        tpu.vector_store %arg14[%swap3A_513], %get3A_504 masked %ge3A_506 {strides = array<i32>} : memref<272xf32, #tpu.memory_space<vmem>>, vector<16xf32>, vector<16xi1>
        %swap3A_515 = arith.index_cast %min3A_501 : i32 to index
        %swap3A_516 = tpu.vector_load %arg15[%swap3A_515] masked %ge3A_506 {strides = array<i32>} : memref<272xi32, #tpu.memory_space<vmem>>, vector<16xi32>, vector<16xi1>
        tpu.vector_store %arg15[%swap3A_515], %add3A_512 masked %ge3A_506 {strides = array<i32>} : memref<272xi32, #tpu.memory_space<vmem>>, vector<16xi32>, vector<16xi1>
        %convert_element_type3A_517 = arith.extui %ge3A_506 : vector<16xi1> to vector<16xi32>
        %reduce_sum3A_518 = arith.constant true
        %reduce_sum3A_519 = vector.broadcast %reduce_sum3A_518 : i1 to vector<16xi1>
        %reduce_sum3A_520 = tpu.scan <sum>, %convert_element_type3A_517 masked %reduce_sum3A_519 : vector<16xi32>, vector<16xi1> -> vector<16xi32>
        %reduce_sum3A_521 = vector.extract %reduce_sum3A_520[15] : i32 from vector<16xi32>
        %add3A_522 = arith.addi %min3A_501, %reduce_sum3A_521 : i32
        %min3A_523 = arith.constant 256 : i32
        %min3A_524 = arith.minsi %add3A_522, %min3A_523 : i32
        %get3A_525 = arith.index_cast %while3A_457 : i32 to index
        %get3A_526 = arith.constant 48 : index
        %get3A_527 = tpu.vector_load %arg13[%get3A_525, %get3A_526] {strides = array<i32>} : memref<48x128xf32, #tpu.memory_space<vmem>>, vector<16xf32>,
        %ge3A_528 = vector.broadcast %reduce_max3A_285 : f32 to vector<16xf32>
        %ge3A_529 = arith.cmpf oge, %get3A_527, %ge3A_528 : vector<16xf32>
        %mul3A_530 = arith.constant 128 : i32
        %mul3A_531 = arith.muli %while3A_457, %mul3A_530 : i32
        %add3A_532 = arith.constant 48 : i32
        %add3A_533 = arith.addi %mul3A_531, %add3A_532 : i32
        %add3A_534 = vector.broadcast %add3A_533 : i32 to vector<16xi32>
        %add3A_535 = arith.addi %iota3A, %add3A_534 : vector<16xi32>
        %swap3A_536 = arith.index_cast %min3A_524 : i32 to index
        %swap3A_537 = tpu.vector_load %arg14[%swap3A_536] masked %ge3A_529 {strides = array<i32>} : memref<272xf32, #tpu.memory_space<vmem>>, vector<16xf32>, vector<16xi1>
        tpu.vector_store %arg14[%swap3A_536], %get3A_527 masked %ge3A_529 {strides = array<i32>} : memref<272xf32, #tpu.memory_space<vmem>>, vector<16xf32>, vector<16xi1>
        %swap3A_538 = arith.index_cast %min3A_524 : i32 to index
        %swap3A_539 = tpu.vector_load %arg15[%swap3A_538] masked %ge3A_529 {strides = array<i32>} : memref<272xi32, #tpu.memory_space<vmem>>, vector<16xi32>, vector<16xi1>
        tpu.vector_store %arg15[%swap3A_538], %add3A_535 masked %ge3A_529 {strides = array<i32>} : memref<272xi32, #tpu.memory_space<vmem>>, vector<16xi32>, vector<16xi1>
        %convert_element_type3A_540 = arith.extui %ge3A_529 : vector<16xi1> to vector<16xi32>
        %reduce_sum3A_541 = arith.constant true
        %reduce_sum3A_542 = vector.broadcast %reduce_sum3A_541 : i1 to vector<16xi1>
        %reduce_sum3A_543 = tpu.scan <sum>, %convert_element_type3A_540 masked %reduce_sum3A_542 : vector<16xi32>, vector<16xi1> -> vector<16xi32>
        %reduce_sum3A_544 = vector.extract %reduce_sum3A_543[15] : i32 from vector<16xi32>
        %add3A_545 = arith.addi %min3A_524, %reduce_sum3A_544 : i32
        %min3A_546 = arith.constant 256 : i32
        %min3A_547 = arith.minsi %add3A_545, %min3A_546 : i32
        %get3A_548 = arith.index_cast %while3A_457 : i32 to index
        %get3A_549 = arith.constant 64 : index
        %get3A_550 = tpu.vector_load %arg13[%get3A_548, %get3A_549] {strides = array<i32>} : memref<48x128xf32, #tpu.memory_space<vmem>>, vector<16xf32>,
        %ge3A_551 = vector.broadcast %reduce_max3A_285 : f32 to vector<16xf32>
        %ge3A_552 = arith.cmpf oge, %get3A_550, %ge3A_551 : vector<16xf32>
        %mul3A_553 = arith.constant 128 : i32
        %mul3A_554 = arith.muli %while3A_457, %mul3A_553 : i32
        %add3A_555 = arith.constant 64 : i32
        %add3A_556 = arith.addi %mul3A_554, %add3A_555 : i32
        %add3A_557 = vector.broadcast %add3A_556 : i32 to vector<16xi32>
        %add3A_558 = arith.addi %iota3A, %add3A_557 : vector<16xi32>
        %swap3A_559 = arith.index_cast %min3A_547 : i32 to index
        %swap3A_560 = tpu.vector_load %arg14[%swap3A_559] masked %ge3A_552 {strides = array<i32>} : memref<272xf32, #tpu.memory_space<vmem>>, vector<16xf32>, vector<16xi1>
        tpu.vector_store %arg14[%swap3A_559], %get3A_550 masked %ge3A_552 {strides = array<i32>} : memref<272xf32, #tpu.memory_space<vmem>>, vector<16xf32>, vector<16xi1>
        %swap3A_561 = arith.index_cast %min3A_547 : i32 to index
        %swap3A_562 = tpu.vector_load %arg15[%swap3A_561] masked %ge3A_552 {strides = array<i32>} : memref<272xi32, #tpu.memory_space<vmem>>, vector<16xi32>, vector<16xi1>
        tpu.vector_store %arg15[%swap3A_561], %add3A_558 masked %ge3A_552 {strides = array<i32>} : memref<272xi32, #tpu.memory_space<vmem>>, vector<16xi32>, vector<16xi1>
        %convert_element_type3A_563 = arith.extui %ge3A_552 : vector<16xi1> to vector<16xi32>
        %reduce_sum3A_564 = arith.constant true
        %reduce_sum3A_565 = vector.broadcast %reduce_sum3A_564 : i1 to vector<16xi1>
        %reduce_sum3A_566 = tpu.scan <sum>, %convert_element_type3A_563 masked %reduce_sum3A_565 : vector<16xi32>, vector<16xi1> -> vector<16xi32>
        %reduce_sum3A_567 = vector.extract %reduce_sum3A_566[15] : i32 from vector<16xi32>
        %add3A_568 = arith.addi %min3A_547, %reduce_sum3A_567 : i32
        %min3A_569 = arith.constant 256 : i32
        %min3A_570 = arith.minsi %add3A_568, %min3A_569 : i32
        %get3A_571 = arith.index_cast %while3A_457 : i32 to index
        %get3A_572 = arith.constant 80 : index
        %get3A_573 = tpu.vector_load %arg13[%get3A_571, %get3A_572] {strides = array<i32>} : memref<48x128xf32, #tpu.memory_space<vmem>>, vector<16xf32>,
        %ge3A_574 = vector.broadcast %reduce_max3A_285 : f32 to vector<16xf32>
        %ge3A_575 = arith.cmpf oge, %get3A_573, %ge3A_574 : vector<16xf32>
        %mul3A_576 = arith.constant 128 : i32
        %mul3A_577 = arith.muli %while3A_457, %mul3A_576 : i32
        %add3A_578 = arith.constant 80 : i32
        %add3A_579 = arith.addi %mul3A_577, %add3A_578 : i32
        %add3A_580 = vector.broadcast %add3A_579 : i32 to vector<16xi32>
        %add3A_581 = arith.addi %iota3A, %add3A_580 : vector<16xi32>
        %swap3A_582 = arith.index_cast %min3A_570 : i32 to index
        %swap3A_583 = tpu.vector_load %arg14[%swap3A_582] masked %ge3A_575 {strides = array<i32>} : memref<272xf32, #tpu.memory_space<vmem>>, vector<16xf32>, vector<16xi1>
        tpu.vector_store %arg14[%swap3A_582], %get3A_573 masked %ge3A_575 {strides = array<i32>} : memref<272xf32, #tpu.memory_space<vmem>>, vector<16xf32>, vector<16xi1>
        %swap3A_584 = arith.index_cast %min3A_570 : i32 to index
        %swap3A_585 = tpu.vector_load %arg15[%swap3A_584] masked %ge3A_575 {strides = array<i32>} : memref<272xi32, #tpu.memory_space<vmem>>, vector<16xi32>, vector<16xi1>
        tpu.vector_store %arg15[%swap3A_584], %add3A_581 masked %ge3A_575 {strides = array<i32>} : memref<272xi32, #tpu.memory_space<vmem>>, vector<16xi32>, vector<16xi1>
        %convert_element_type3A_586 = arith.extui %ge3A_575 : vector<16xi1> to vector<16xi32>
        %reduce_sum3A_587 = arith.constant true
        %reduce_sum3A_588 = vector.broadcast %reduce_sum3A_587 : i1 to vector<16xi1>
        %reduce_sum3A_589 = tpu.scan <sum>, %convert_element_type3A_586 masked %reduce_sum3A_588 : vector<16xi32>, vector<16xi1> -> vector<16xi32>
        %reduce_sum3A_590 = vector.extract %reduce_sum3A_589[15] : i32 from vector<16xi32>
        %add3A_591 = arith.addi %min3A_570, %reduce_sum3A_590 : i32
        %min3A_592 = arith.constant 256 : i32
        %min3A_593 = arith.minsi %add3A_591, %min3A_592 : i32
        %get3A_594 = arith.index_cast %while3A_457 : i32 to index
        %get3A_595 = arith.constant 96 : index
        %get3A_596 = tpu.vector_load %arg13[%get3A_594, %get3A_595] {strides = array<i32>} : memref<48x128xf32, #tpu.memory_space<vmem>>, vector<16xf32>,
        %ge3A_597 = vector.broadcast %reduce_max3A_285 : f32 to vector<16xf32>
        %ge3A_598 = arith.cmpf oge, %get3A_596, %ge3A_597 : vector<16xf32>
        %mul3A_599 = arith.constant 128 : i32
        %mul3A_600 = arith.muli %while3A_457, %mul3A_599 : i32
        %add3A_601 = arith.constant 96 : i32
        %add3A_602 = arith.addi %mul3A_600, %add3A_601 : i32
        %add3A_603 = vector.broadcast %add3A_602 : i32 to vector<16xi32>
        %add3A_604 = arith.addi %iota3A, %add3A_603 : vector<16xi32>
        %swap3A_605 = arith.index_cast %min3A_593 : i32 to index
        %swap3A_606 = tpu.vector_load %arg14[%swap3A_605] masked %ge3A_598 {strides = array<i32>} : memref<272xf32, #tpu.memory_space<vmem>>, vector<16xf32>, vector<16xi1>
        tpu.vector_store %arg14[%swap3A_605], %get3A_596 masked %ge3A_598 {strides = array<i32>} : memref<272xf32, #tpu.memory_space<vmem>>, vector<16xf32>, vector<16xi1>
        %swap3A_607 = arith.index_cast %min3A_593 : i32 to index
        %swap3A_608 = tpu.vector_load %arg15[%swap3A_607] masked %ge3A_598 {strides = array<i32>} : memref<272xi32, #tpu.memory_space<vmem>>, vector<16xi32>, vector<16xi1>
        tpu.vector_store %arg15[%swap3A_607], %add3A_604 masked %ge3A_598 {strides = array<i32>} : memref<272xi32, #tpu.memory_space<vmem>>, vector<16xi32>, vector<16xi1>
        %convert_element_type3A_609 = arith.extui %ge3A_598 : vector<16xi1> to vector<16xi32>
        %reduce_sum3A_610 = arith.constant true
        %reduce_sum3A_611 = vector.broadcast %reduce_sum3A_610 : i1 to vector<16xi1>
        %reduce_sum3A_612 = tpu.scan <sum>, %convert_element_type3A_609 masked %reduce_sum3A_611 : vector<16xi32>, vector<16xi1> -> vector<16xi32>
        %reduce_sum3A_613 = vector.extract %reduce_sum3A_612[15] : i32 from vector<16xi32>
        %add3A_614 = arith.addi %min3A_593, %reduce_sum3A_613 : i32
        %min3A_615 = arith.constant 256 : i32
        %min3A_616 = arith.minsi %add3A_614, %min3A_615 : i32
        %get3A_617 = arith.index_cast %while3A_457 : i32 to index
        %get3A_618 = arith.constant 112 : index
        %get3A_619 = tpu.vector_load %arg13[%get3A_617, %get3A_618] {strides = array<i32>} : memref<48x128xf32, #tpu.memory_space<vmem>>, vector<16xf32>,
        %ge3A_620 = vector.broadcast %reduce_max3A_285 : f32 to vector<16xf32>
        %ge3A_621 = arith.cmpf oge, %get3A_619, %ge3A_620 : vector<16xf32>
        %mul3A_622 = arith.constant 128 : i32
        %mul3A_623 = arith.muli %while3A_457, %mul3A_622 : i32
        %add3A_624 = arith.constant 112 : i32
        %add3A_625 = arith.addi %mul3A_623, %add3A_624 : i32
        %add3A_626 = vector.broadcast %add3A_625 : i32 to vector<16xi32>
        %add3A_627 = arith.addi %iota3A, %add3A_626 : vector<16xi32>
        %swap3A_628 = arith.index_cast %min3A_616 : i32 to index
        %swap3A_629 = tpu.vector_load %arg14[%swap3A_628] masked %ge3A_621 {strides = array<i32>} : memref<272xf32, #tpu.memory_space<vmem>>, vector<16xf32>, vector<16xi1>
        tpu.vector_store %arg14[%swap3A_628], %get3A_619 masked %ge3A_621 {strides = array<i32>} : memref<272xf32, #tpu.memory_space<vmem>>, vector<16xf32>, vector<16xi1>
        %swap3A_630 = arith.index_cast %min3A_616 : i32 to index
        %swap3A_631 = tpu.vector_load %arg15[%swap3A_630] masked %ge3A_621 {strides = array<i32>} : memref<272xi32, #tpu.memory_space<vmem>>, vector<16xi32>, vector<16xi1>
        tpu.vector_store %arg15[%swap3A_630], %add3A_627 masked %ge3A_621 {strides = array<i32>} : memref<272xi32, #tpu.memory_space<vmem>>, vector<16xi32>, vector<16xi1>
        %convert_element_type3A_632 = arith.extui %ge3A_621 : vector<16xi1> to vector<16xi32>
        %reduce_sum3A_633 = arith.constant true
        %reduce_sum3A_634 = vector.broadcast %reduce_sum3A_633 : i1 to vector<16xi1>
        %reduce_sum3A_635 = tpu.scan <sum>, %convert_element_type3A_632 masked %reduce_sum3A_634 : vector<16xi32>, vector<16xi1> -> vector<16xi32>
        %reduce_sum3A_636 = vector.extract %reduce_sum3A_635[15] : i32 from vector<16xi32>
        %add3A_637 = arith.addi %min3A_616, %reduce_sum3A_636 : i32
        %min3A_638 = arith.constant 256 : i32
        %min3A_639 = arith.minsi %add3A_637, %min3A_638 : i32
        scf.yield %min3A_639 : i32
      }
      %broadcast_in_dim3A_298 = arith.constant -3.000000e+38 : f32
      %broadcast_in_dim3A_299 = vector.broadcast %broadcast_in_dim3A_298 : f32 to vector<16xf32>
      %swap3A_300 = arith.index_cast %while3A_297 : i32 to index
      %swap3A_301 = tpu.vector_load %arg14[%swap3A_300] {strides = array<i32>} : memref<272xf32, #tpu.memory_space<vmem>>, vector<16xf32>,
      tpu.vector_store %arg14[%swap3A_300], %broadcast_in_dim3A_299 {strides = array<i32>} : memref<272xf32, #tpu.memory_space<vmem>>, vector<16xf32>,
      %broadcast_in_dim3A_302 = arith.constant 0 : i32
      %broadcast_in_dim3A_303 = vector.broadcast %broadcast_in_dim3A_302 : i32 to vector<16xi32>
      %swap3A_304 = arith.index_cast %while3A_297 : i32 to index
      %swap3A_305 = tpu.vector_load %arg15[%swap3A_304] {strides = array<i32>} : memref<272xi32, #tpu.memory_space<vmem>>, vector<16xi32>,
      tpu.vector_store %arg15[%swap3A_304], %broadcast_in_dim3A_303 {strides = array<i32>} : memref<272xi32, #tpu.memory_space<vmem>>, vector<16xi32>,
      %add3A_306 = arith.constant 15 : i32
      %add3A_307 = arith.addi %while3A_297, %add3A_306 : i32
      %shift_right_arithmetic3A_308 = arith.constant 4 : i32
      %shift_right_arithmetic3A_309 = arith.shrsi %add3A_307, %shift_right_arithmetic3A_308 : i32
      %scan3A_310 = arith.constant 0 : i32
      %scan3A_311 = arith.constant 0 : i32
      %scan3A_312 = arith.constant 32 : i32
      %scan3A_313 = arith.addi %scan3A_311, %scan3A_312 : i32
      %scan3A_314 = arith.constant 1 : i32
      %scan3A_315 = scf.for %scan3A_457 = %scan3A_311 to %scan3A_313 step %scan3A_314 iter_args(%scan3A_458 = %scan3A_310) -> (i32)  : i32 {
        %broadcast_in_dim3A_459 = arith.constant 0 : i32
        %broadcast_in_dim3A_460 = vector.broadcast %broadcast_in_dim3A_459 : i32 to vector<16xi32>
        %broadcast_in_dim3A_461 = arith.constant -3.000000e+38 : f32
        %broadcast_in_dim3A_462 = vector.broadcast %broadcast_in_dim3A_461 : f32 to vector<16xf32>
        %while3A_463 = arith.constant 0 : i32
        %while3A_464 = arith.subi %shift_right_arithmetic3A_309, %while3A_463 : i32
        %while3A_465 = arith.addi %while3A_463, %while3A_464 : i32
        %while3A_466 = arith.constant 1 : i32
        %while3A_467 = arith.divsi %while3A_464, %while3A_466 : i32
        %while3A_468 = arith.muli %while3A_467, %while3A_466 : i32
        %while3A_469 = arith.addi %while3A_463, %while3A_468 : i32
        %while3A_470 = arith.constant 1 : i32
        %while3A_471:3 = scf.for %while3A_508 = %while3A_463 to %while3A_469 step %while3A_470 iter_args(%while3A_509 = %broadcast_in_dim3A_462, %while3A_510 = %broadcast_in_dim3A_460, %while3A_511 = %broadcast_in_dim3A_460) -> (vector<16xf32>, vector<16xi32>, vector<16xi32>)  : i32 {
          %mul3A_512 = arith.constant 16 : i32
          %mul3A_513 = arith.muli %while3A_508, %mul3A_512 : i32
          %get3A_514 = arith.index_cast %mul3A_513 : i32 to index
          %get3A_515 = tpu.vector_load %arg14[%get3A_514] {strides = array<i32>} : memref<272xf32, #tpu.memory_space<vmem>>, vector<16xf32>,
          %mul3A_516 = arith.constant 16 : i32
          %mul3A_517 = arith.muli %while3A_508, %mul3A_516 : i32
          %get3A_518 = arith.index_cast %mul3A_517 : i32 to index
          %get3A_519 = tpu.vector_load %arg15[%get3A_518] {strides = array<i32>} : memref<272xi32, #tpu.memory_space<vmem>>, vector<16xi32>,
          %mul3A_520 = arith.constant 16 : i32
          %mul3A_521 = arith.muli %while3A_508, %mul3A_520 : i32
          %add3A_522 = vector.broadcast %mul3A_521 : i32 to vector<16xi32>
          %add3A_523 = arith.addi %iota3A, %add3A_522 : vector<16xi32>
          %gt3A = arith.cmpf ogt, %get3A_515, %while3A_509 : vector<16xf32>
          %select_n3A_524 = arith.select %gt3A, %get3A_515, %while3A_509 : vector<16xi1>, vector<16xf32>
          %select_n3A_525 = arith.select %gt3A, %get3A_519, %while3A_510 : vector<16xi1>, vector<16xi32>
          %select_n3A_526 = arith.select %gt3A, %add3A_523, %while3A_511 : vector<16xi1>, vector<16xi32>
          scf.yield %select_n3A_524, %select_n3A_525, %select_n3A_526 : vector<16xf32>, vector<16xi32>, vector<16xi32>
        }
        %while3A_472 = arith.constant 1 : i32
        %while3A_473:3 = scf.for %while3A_508 = %while3A_469 to %while3A_465 step %while3A_472 iter_args(%while3A_509 = %while3A_471#0, %while3A_510 = %while3A_471#1, %while3A_511 = %while3A_471#2) -> (vector<16xf32>, vector<16xi32>, vector<16xi32>)  : i32 {
          %mul3A_512 = arith.constant 16 : i32
          %mul3A_513 = arith.muli %while3A_508, %mul3A_512 : i32
          %get3A_514 = arith.index_cast %mul3A_513 : i32 to index
          %get3A_515 = tpu.vector_load %arg14[%get3A_514] {strides = array<i32>} : memref<272xf32, #tpu.memory_space<vmem>>, vector<16xf32>,
          %mul3A_516 = arith.constant 16 : i32
          %mul3A_517 = arith.muli %while3A_508, %mul3A_516 : i32
          %get3A_518 = arith.index_cast %mul3A_517 : i32 to index
          %get3A_519 = tpu.vector_load %arg15[%get3A_518] {strides = array<i32>} : memref<272xi32, #tpu.memory_space<vmem>>, vector<16xi32>,
          %mul3A_520 = arith.constant 16 : i32
          %mul3A_521 = arith.muli %while3A_508, %mul3A_520 : i32
          %add3A_522 = vector.broadcast %mul3A_521 : i32 to vector<16xi32>
          %add3A_523 = arith.addi %iota3A, %add3A_522 : vector<16xi32>
          %gt3A = arith.cmpf ogt, %get3A_515, %while3A_509 : vector<16xf32>
          %select_n3A_524 = arith.select %gt3A, %get3A_515, %while3A_509 : vector<16xi1>, vector<16xf32>
          %select_n3A_525 = arith.select %gt3A, %get3A_519, %while3A_510 : vector<16xi1>, vector<16xi32>
          %select_n3A_526 = arith.select %gt3A, %add3A_523, %while3A_511 : vector<16xi1>, vector<16xi32>
          scf.yield %select_n3A_524, %select_n3A_525, %select_n3A_526 : vector<16xf32>, vector<16xi32>, vector<16xi32>
        }
        %reduce_max3A_474 = arith.constant true
        %reduce_max3A_475 = vector.broadcast %reduce_max3A_474 : i1 to vector<16xi1>
        %reduce_max3A_476 = tpu.scan <max>, %while3A_473#0 masked %reduce_max3A_475 : vector<16xf32>, vector<16xi1> -> vector<16xf32>
        %reduce_max3A_477 = vector.extract %reduce_max3A_476[15] : f32 from vector<16xf32>
        %eq3A = vector.broadcast %reduce_max3A_477 : f32 to vector<16xf32>
        %eq3A_478 = arith.cmpf oeq, %while3A_473#0, %eq3A : vector<16xf32>
        %jit3A = arith.constant 1073741824 : i32
        %broadcast_in_dim3A_479 = vector.broadcast %jit3A : i32 to vector<16xi32>
        %select_n3A = arith.select %eq3A_478, %while3A_473#1, %broadcast_in_dim3A_479 : vector<16xi1>, vector<16xi32>
        %reduce_min3A = arith.constant true
        %reduce_min3A_480 = vector.broadcast %reduce_min3A : i1 to vector<16xi1>
        %reduce_min3A_481 = arith.constant -2147483648 : i32
        %reduce_min3A_482 = vector.broadcast %reduce_min3A_481 : i32 to vector<16xi32>
        %reduce_min3A_483 = arith.xori %select_n3A, %reduce_min3A_482 : vector<16xi32>
        %reduce_min3A_484 = tpu.scan <min>, %reduce_min3A_483 masked %reduce_min3A_480 : vector<16xi32>, vector<16xi1> -> vector<16xi32>
        %reduce_min3A_485 = arith.xori %reduce_min3A_484, %reduce_min3A_482 : vector<16xi32>
        %reduce_min3A_486 = vector.extract %reduce_min3A_485[15] : i32 from vector<16xi32>
        %jit3A_487 = arith.constant 1073741824 : i32
        %broadcast_in_dim3A_488 = vector.broadcast %jit3A_487 : i32 to vector<16xi32>
        %select_n3A_489 = arith.select %eq3A_478, %while3A_473#2, %broadcast_in_dim3A_488 : vector<16xi1>, vector<16xi32>
        %reduce_min3A_490 = arith.constant true
        %reduce_min3A_491 = vector.broadcast %reduce_min3A_490 : i1 to vector<16xi1>
        %reduce_min3A_492 = arith.constant -2147483648 : i32
        %reduce_min3A_493 = vector.broadcast %reduce_min3A_492 : i32 to vector<16xi32>
        %reduce_min3A_494 = arith.xori %select_n3A_489, %reduce_min3A_493 : vector<16xi32>
        %reduce_min3A_495 = tpu.scan <min>, %reduce_min3A_494 masked %reduce_min3A_491 : vector<16xi32>, vector<16xi1> -> vector<16xi32>
        %reduce_min3A_496 = arith.xori %reduce_min3A_495, %reduce_min3A_493 : vector<16xi32>
        %reduce_min3A_497 = vector.extract %reduce_min3A_496[15] : i32 from vector<16xi32>
        %eq3A_498 = arith.constant 0 : i32
        %eq3A_499 = vector.broadcast %eq3A_498 : i32 to vector<16xi32>
        %eq3A_500 = arith.cmpi eq, %iota3A, %eq3A_499 : vector<16xi32>
        %broadcast_in_dim3A_501 = vector.broadcast %scan3A_457 : i32 to vector<16xi32>
        %broadcast_in_dim3A_502 = vector.broadcast %reduce_max3A_477 : f32 to vector<16xf32>
        tpu.vector_store_idx %arg16[%broadcast_in_dim3A_501], %broadcast_in_dim3A_502 masked %eq3A_500 : memref<32xf32, #tpu.memory_space<vmem>>[vector<16xi32>], vector<16xf32>, vector<16xi1>
        %broadcast_in_dim3A_503 = vector.broadcast %reduce_min3A_486 : i32 to vector<16xi32>
        tpu.vector_store_idx %arg17[%broadcast_in_dim3A_501], %broadcast_in_dim3A_503 masked %eq3A_500 : memref<32xi32, #tpu.memory_space<vmem>>[vector<16xi32>], vector<16xi32>, vector<16xi1>
        %broadcast_in_dim3A_504 = vector.broadcast %reduce_min3A_497 : i32 to vector<16xi32>
        %broadcast_in_dim3A_505 = arith.constant -3.000000e+38 : f32
        %broadcast_in_dim3A_506 = vector.broadcast %broadcast_in_dim3A_505 : f32 to vector<16xf32>
        tpu.vector_store_idx %arg14[%broadcast_in_dim3A_504], %broadcast_in_dim3A_506 masked %eq3A_500 : memref<272xf32, #tpu.memory_space<vmem>>[vector<16xi32>], vector<16xf32>, vector<16xi1>
        %scan3A_507 = arith.constant 0 : i32
        scf.yield %scan3A_507 : i32
      }
      %scan3A_316 = arith.constant 32 : i32
      %get3A_317 = arith.constant 0 : index
      %get3A_318 = tpu.vector_load %arg16[%get3A_317] {strides = array<i32>} : memref<32xf32, #tpu.memory_space<vmem>>, vector<16xf32>,
      %get3A_319 = arith.constant 16 : index
      %get3A_320 = tpu.vector_load %arg16[%get3A_319] {strides = array<i32>} : memref<32xf32, #tpu.memory_space<vmem>>, vector<16xf32>,
      %reduce_sum3A_321 = arith.constant true
      %reduce_sum3A_322 = vector.broadcast %reduce_sum3A_321 : i1 to vector<16xi1>
      %reduce_sum3A_323 = tpu.scan <sum>, %get3A_318 masked %reduce_sum3A_322 : vector<16xf32>, vector<16xi1> -> vector<16xf32>
      %reduce_sum3A_324 = vector.extract %reduce_sum3A_323[15] : f32 from vector<16xf32>
      %reduce_sum3A_325 = arith.constant true
      %reduce_sum3A_326 = vector.broadcast %reduce_sum3A_325 : i1 to vector<16xi1>
      %reduce_sum3A_327 = tpu.scan <sum>, %get3A_320 masked %reduce_sum3A_326 : vector<16xf32>, vector<16xi1> -> vector<16xf32>
      %reduce_sum3A_328 = vector.extract %reduce_sum3A_327[15] : f32 from vector<16xf32>
      %add3A_329 = arith.addf %reduce_sum3A_324, %reduce_sum3A_328 : f32
      %add3A_330 = arith.constant 9.99999993E-9 : f32
      %add3A_331 = arith.addf %add3A_329, %add3A_330 : f32
      %div3A_332 = vector.broadcast %add3A_331 : f32 to vector<16xf32>
      %div3A_333 = arith.divf %get3A_318, %div3A_332 : vector<16xf32>
      %swap3A_334 = arith.constant 0 : index
      %swap3A_335 = tpu.vector_load %arg16[%swap3A_334] {strides = array<i32>} : memref<32xf32, #tpu.memory_space<vmem>>, vector<16xf32>,
      tpu.vector_store %arg16[%swap3A_334], %div3A_333 {strides = array<i32>} : memref<32xf32, #tpu.memory_space<vmem>>, vector<16xf32>,
      %div3A_336 = vector.broadcast %add3A_331 : f32 to vector<16xf32>
      %div3A_337 = arith.divf %get3A_320, %div3A_336 : vector<16xf32>
      %swap3A_338 = arith.constant 16 : index
      %swap3A_339 = tpu.vector_load %arg16[%swap3A_338] {strides = array<i32>} : memref<32xf32, #tpu.memory_space<vmem>>, vector<16xf32>,
      tpu.vector_store %arg16[%swap3A_338], %div3A_337 {strides = array<i32>} : memref<32xf32, #tpu.memory_space<vmem>>, vector<16xf32>,
      %get3A_340 = arith.constant 0 : index
      %get3A_341 = tpu.vector_load %arg17[%get3A_340] {strides = array<i32>} : memref<32xi32, #tpu.memory_space<vmem>>, vector<16xi32>,
      %get3A_342 = arith.constant 16 : index
      %get3A_343 = tpu.vector_load %arg17[%get3A_342] {strides = array<i32>} : memref<32xi32, #tpu.memory_space<vmem>>, vector<16xi32>,
      %shift_right_arithmetic3A_344 = arith.constant 7 : i32
      %shift_right_arithmetic3A_345 = vector.broadcast %shift_right_arithmetic3A_344 : i32 to vector<16xi32>
      %shift_right_arithmetic3A_346 = arith.shrsi %get3A_341, %shift_right_arithmetic3A_345 : vector<16xi32>
      %gather3A_347 = tpu.vector_load_idx %arg11[%shift_right_arithmetic3A_346] : memref<48xi32, #tpu.memory_space<vmem>>[vector<16xi32>], vector<16xi32>,
      %sub3A_348 = vector.broadcast %mul3A_279 : i32 to vector<16xi32>
      %sub3A_349 = arith.subi %gather3A_347, %sub3A_348 : vector<16xi32>
      %mul3A_350 = arith.constant 128 : i32
      %mul3A_351 = vector.broadcast %mul3A_350 : i32 to vector<16xi32>
      %mul3A_352 = arith.muli %sub3A_349, %mul3A_351 : vector<16xi32>
      %and3A_353 = arith.constant 127 : i32
      %and3A_354 = vector.broadcast %and3A_353 : i32 to vector<16xi32>
      %and3A_355 = arith.andi %get3A_341, %and3A_354 : vector<16xi32>
      %add3A_356 = arith.addi %mul3A_352, %and3A_355 : vector<16xi32>
      %shift_right_arithmetic3A_357 = arith.constant 7 : i32
      %shift_right_arithmetic3A_358 = vector.broadcast %shift_right_arithmetic3A_357 : i32 to vector<16xi32>
      %shift_right_arithmetic3A_359 = arith.shrsi %get3A_343, %shift_right_arithmetic3A_358 : vector<16xi32>
      %gather3A_360 = tpu.vector_load_idx %arg11[%shift_right_arithmetic3A_359] : memref<48xi32, #tpu.memory_space<vmem>>[vector<16xi32>], vector<16xi32>,
      %sub3A_361 = vector.broadcast %mul3A_279 : i32 to vector<16xi32>
      %sub3A_362 = arith.subi %gather3A_360, %sub3A_361 : vector<16xi32>
      %mul3A_363 = arith.constant 128 : i32
      %mul3A_364 = vector.broadcast %mul3A_363 : i32 to vector<16xi32>
      %mul3A_365 = arith.muli %sub3A_362, %mul3A_364 : vector<16xi32>
      %and3A_366 = arith.constant 127 : i32
      %and3A_367 = vector.broadcast %and3A_366 : i32 to vector<16xi32>
      %and3A_368 = arith.andi %get3A_343, %and3A_367 : vector<16xi32>
      %add3A_369 = arith.addi %mul3A_365, %and3A_368 : vector<16xi32>
      %swap3A_370 = arith.constant 0 : index
      %swap3A_371 = tpu.vector_load %arg18[%swap3A_370] {strides = array<i32>} : memref<32xi32, #tpu.memory_space<vmem>>, vector<16xi32>,
      tpu.vector_store %arg18[%swap3A_370], %add3A_356 {strides = array<i32>} : memref<32xi32, #tpu.memory_space<vmem>>, vector<16xi32>,
      %swap3A_372 = arith.constant 16 : index
      %swap3A_373 = tpu.vector_load %arg18[%swap3A_372] {strides = array<i32>} : memref<32xi32, #tpu.memory_space<vmem>>, vector<16xi32>,
      tpu.vector_store %arg18[%swap3A_372], %add3A_369 {strides = array<i32>} : memref<32xi32, #tpu.memory_space<vmem>>, vector<16xi32>,
      %dma_start3A_374 = arith.constant 0 : i32
      %dma_start3A_375 = arith.constant 0 : i32
      %dma_start3A_376 = tpu.memref_slice %arg5[%dma_start3A_374, %dma_start3A_375] : memref<65536x256xf32, #tpu.memory_space<hbm>> -> memref<65536x256xf32, #tpu.memory_space<hbm>>
      tpu.enqueue_indirect_dma source(%dma_start3A_376 : memref<65536x256xf32, #tpu.memory_space<hbm>>) target(%arg19 : memref<32x256xf32, #tpu.memory_space<vmem>>) offsets(%arg18 : memref<32xi32, #tpu.memory_space<vmem>>) semaphore(%arg21 : memref<!tpu.dma_semaphore, #tpu.memory_space<semaphore_mem>>)
      %dma_wait3A_377 = arith.constant 0 : i32
      %dma_wait3A_378 = arith.constant 0 : i32
      %dma_wait3A_379 = tpu.memref_slice %arg5[%dma_wait3A_377, %dma_wait3A_378] : memref<65536x256xf32, #tpu.memory_space<hbm>> -> memref<65536x256xf32, #tpu.memory_space<hbm>>
      tpu.wait_indirect_dma semaphore(%arg21 : memref<!tpu.dma_semaphore, #tpu.memory_space<semaphore_mem>>) src(%dma_wait3A_379 : memref<65536x256xf32, #tpu.memory_space<hbm>>) dst(%arg19 : memref<32x256xf32, #tpu.memory_space<vmem>>)
      %add3A_380 = arith.constant 1 : i32
      %add3A_381 = arith.addi %mul3A_16, %add3A_380 : i32
      %broadcast_in_dim3A_382 = arith.constant 0.000000e+00 : f32
      %broadcast_in_dim3A_383 = vector.broadcast %broadcast_in_dim3A_382 : f32 to vector<16xf32>
      %scan3A_384 = arith.constant 0 : i32
      %scan3A_385 = arith.constant 32 : i32
      %scan3A_386 = arith.addi %scan3A_384, %scan3A_385 : i32
      %scan3A_387 = arith.constant 1 : i32
      %scan3A_388:16 = scf.for %scan3A_457 = %scan3A_384 to %scan3A_386 step %scan3A_387 iter_args(%scan3A_458 = %broadcast_in_dim3A_383, %scan3A_459 = %broadcast_in_dim3A_383, %scan3A_460 = %broadcast_in_dim3A_383, %scan3A_461 = %broadcast_in_dim3A_383, %scan3A_462 = %broadcast_in_dim3A_383, %scan3A_463 = %broadcast_in_dim3A_383, %scan3A_464 = %broadcast_in_dim3A_383, %scan3A_465 = %broadcast_in_dim3A_383, %scan3A_466 = %broadcast_in_dim3A_383, %scan3A_467 = %broadcast_in_dim3A_383, %scan3A_468 = %broadcast_in_dim3A_383, %scan3A_469 = %broadcast_in_dim3A_383, %scan3A_470 = %broadcast_in_dim3A_383, %scan3A_471 = %broadcast_in_dim3A_383, %scan3A_472 = %broadcast_in_dim3A_383, %scan3A_473 = %broadcast_in_dim3A_383) -> (vector<16xf32>, vector<16xf32>, vector<16xf32>, vector<16xf32>, vector<16xf32>, vector<16xf32>, vector<16xf32>, vector<16xf32>, vector<16xf32>, vector<16xf32>, vector<16xf32>, vector<16xf32>, vector<16xf32>, vector<16xf32>, vector<16xf32>, vector<16xf32>)  : i32 {
        %broadcast_in_dim3A_474 = vector.broadcast %scan3A_457 : i32 to vector<16xi32>
        %gather3A_475 = tpu.vector_load_idx %arg16[%broadcast_in_dim3A_474] : memref<32xf32, #tpu.memory_space<vmem>>[vector<16xi32>], vector<16xf32>,
        %reduce_max3A_476 = arith.constant true
        %reduce_max3A_477 = vector.broadcast %reduce_max3A_476 : i1 to vector<16xi1>
        %reduce_max3A_478 = tpu.scan <max>, %gather3A_475 masked %reduce_max3A_477 : vector<16xf32>, vector<16xi1> -> vector<16xf32>
        %reduce_max3A_479 = vector.extract %reduce_max3A_478[15] : f32 from vector<16xf32>
        %get3A_480 = arith.index_cast %scan3A_457 : i32 to index
        %get3A_481 = arith.constant 0 : index
        %get3A_482 = tpu.vector_load %arg19[%get3A_480, %get3A_481] {strides = array<i32>} : memref<32x256xf32, #tpu.memory_space<vmem>>, vector<16xf32>,
        %mul3A_483 = vector.broadcast %reduce_max3A_479 : f32 to vector<16xf32>
        %mul3A_484 = arith.mulf %mul3A_483, %get3A_482 : vector<16xf32>
        %add3A_485 = arith.addf %scan3A_458, %mul3A_484 : vector<16xf32>
        %get3A_486 = arith.index_cast %scan3A_457 : i32 to index
        %get3A_487 = arith.constant 16 : index
        %get3A_488 = tpu.vector_load %arg19[%get3A_486, %get3A_487] {strides = array<i32>} : memref<32x256xf32, #tpu.memory_space<vmem>>, vector<16xf32>,
        %mul3A_489 = vector.broadcast %reduce_max3A_479 : f32 to vector<16xf32>
        %mul3A_490 = arith.mulf %mul3A_489, %get3A_488 : vector<16xf32>
        %add3A_491 = arith.addf %scan3A_459, %mul3A_490 : vector<16xf32>
        %get3A_492 = arith.index_cast %scan3A_457 : i32 to index
        %get3A_493 = arith.constant 32 : index
        %get3A_494 = tpu.vector_load %arg19[%get3A_492, %get3A_493] {strides = array<i32>} : memref<32x256xf32, #tpu.memory_space<vmem>>, vector<16xf32>,
        %mul3A_495 = vector.broadcast %reduce_max3A_479 : f32 to vector<16xf32>
        %mul3A_496 = arith.mulf %mul3A_495, %get3A_494 : vector<16xf32>
        %add3A_497 = arith.addf %scan3A_460, %mul3A_496 : vector<16xf32>
        %get3A_498 = arith.index_cast %scan3A_457 : i32 to index
        %get3A_499 = arith.constant 48 : index
        %get3A_500 = tpu.vector_load %arg19[%get3A_498, %get3A_499] {strides = array<i32>} : memref<32x256xf32, #tpu.memory_space<vmem>>, vector<16xf32>,
        %mul3A_501 = vector.broadcast %reduce_max3A_479 : f32 to vector<16xf32>
        %mul3A_502 = arith.mulf %mul3A_501, %get3A_500 : vector<16xf32>
        %add3A_503 = arith.addf %scan3A_461, %mul3A_502 : vector<16xf32>
        %get3A_504 = arith.index_cast %scan3A_457 : i32 to index
        %get3A_505 = arith.constant 64 : index
        %get3A_506 = tpu.vector_load %arg19[%get3A_504, %get3A_505] {strides = array<i32>} : memref<32x256xf32, #tpu.memory_space<vmem>>, vector<16xf32>,
        %mul3A_507 = vector.broadcast %reduce_max3A_479 : f32 to vector<16xf32>
        %mul3A_508 = arith.mulf %mul3A_507, %get3A_506 : vector<16xf32>
        %add3A_509 = arith.addf %scan3A_462, %mul3A_508 : vector<16xf32>
        %get3A_510 = arith.index_cast %scan3A_457 : i32 to index
        %get3A_511 = arith.constant 80 : index
        %get3A_512 = tpu.vector_load %arg19[%get3A_510, %get3A_511] {strides = array<i32>} : memref<32x256xf32, #tpu.memory_space<vmem>>, vector<16xf32>,
        %mul3A_513 = vector.broadcast %reduce_max3A_479 : f32 to vector<16xf32>
        %mul3A_514 = arith.mulf %mul3A_513, %get3A_512 : vector<16xf32>
        %add3A_515 = arith.addf %scan3A_463, %mul3A_514 : vector<16xf32>
        %get3A_516 = arith.index_cast %scan3A_457 : i32 to index
        %get3A_517 = arith.constant 96 : index
        %get3A_518 = tpu.vector_load %arg19[%get3A_516, %get3A_517] {strides = array<i32>} : memref<32x256xf32, #tpu.memory_space<vmem>>, vector<16xf32>,
        %mul3A_519 = vector.broadcast %reduce_max3A_479 : f32 to vector<16xf32>
        %mul3A_520 = arith.mulf %mul3A_519, %get3A_518 : vector<16xf32>
        %add3A_521 = arith.addf %scan3A_464, %mul3A_520 : vector<16xf32>
        %get3A_522 = arith.index_cast %scan3A_457 : i32 to index
        %get3A_523 = arith.constant 112 : index
        %get3A_524 = tpu.vector_load %arg19[%get3A_522, %get3A_523] {strides = array<i32>} : memref<32x256xf32, #tpu.memory_space<vmem>>, vector<16xf32>,
        %mul3A_525 = vector.broadcast %reduce_max3A_479 : f32 to vector<16xf32>
        %mul3A_526 = arith.mulf %mul3A_525, %get3A_524 : vector<16xf32>
        %add3A_527 = arith.addf %scan3A_465, %mul3A_526 : vector<16xf32>
        %get3A_528 = arith.index_cast %scan3A_457 : i32 to index
        %get3A_529 = arith.constant 128 : index
        %get3A_530 = tpu.vector_load %arg19[%get3A_528, %get3A_529] {strides = array<i32>} : memref<32x256xf32, #tpu.memory_space<vmem>>, vector<16xf32>,
        %mul3A_531 = vector.broadcast %reduce_max3A_479 : f32 to vector<16xf32>
        %mul3A_532 = arith.mulf %mul3A_531, %get3A_530 : vector<16xf32>
        %add3A_533 = arith.addf %scan3A_466, %mul3A_532 : vector<16xf32>
        %get3A_534 = arith.index_cast %scan3A_457 : i32 to index
        %get3A_535 = arith.constant 144 : index
        %get3A_536 = tpu.vector_load %arg19[%get3A_534, %get3A_535] {strides = array<i32>} : memref<32x256xf32, #tpu.memory_space<vmem>>, vector<16xf32>,
        %mul3A_537 = vector.broadcast %reduce_max3A_479 : f32 to vector<16xf32>
        %mul3A_538 = arith.mulf %mul3A_537, %get3A_536 : vector<16xf32>
        %add3A_539 = arith.addf %scan3A_467, %mul3A_538 : vector<16xf32>
        %get3A_540 = arith.index_cast %scan3A_457 : i32 to index
        %get3A_541 = arith.constant 160 : index
        %get3A_542 = tpu.vector_load %arg19[%get3A_540, %get3A_541] {strides = array<i32>} : memref<32x256xf32, #tpu.memory_space<vmem>>, vector<16xf32>,
        %mul3A_543 = vector.broadcast %reduce_max3A_479 : f32 to vector<16xf32>
        %mul3A_544 = arith.mulf %mul3A_543, %get3A_542 : vector<16xf32>
        %add3A_545 = arith.addf %scan3A_468, %mul3A_544 : vector<16xf32>
        %get3A_546 = arith.index_cast %scan3A_457 : i32 to index
        %get3A_547 = arith.constant 176 : index
        %get3A_548 = tpu.vector_load %arg19[%get3A_546, %get3A_547] {strides = array<i32>} : memref<32x256xf32, #tpu.memory_space<vmem>>, vector<16xf32>,
        %mul3A_549 = vector.broadcast %reduce_max3A_479 : f32 to vector<16xf32>
        %mul3A_550 = arith.mulf %mul3A_549, %get3A_548 : vector<16xf32>
        %add3A_551 = arith.addf %scan3A_469, %mul3A_550 : vector<16xf32>
        %get3A_552 = arith.index_cast %scan3A_457 : i32 to index
        %get3A_553 = arith.constant 192 : index
        %get3A_554 = tpu.vector_load %arg19[%get3A_552, %get3A_553] {strides = array<i32>} : memref<32x256xf32, #tpu.memory_space<vmem>>, vector<16xf32>,
        %mul3A_555 = vector.broadcast %reduce_max3A_479 : f32 to vector<16xf32>
        %mul3A_556 = arith.mulf %mul3A_555, %get3A_554 : vector<16xf32>
        %add3A_557 = arith.addf %scan3A_470, %mul3A_556 : vector<16xf32>
        %get3A_558 = arith.index_cast %scan3A_457 : i32 to index
        %get3A_559 = arith.constant 208 : index
        %get3A_560 = tpu.vector_load %arg19[%get3A_558, %get3A_559] {strides = array<i32>} : memref<32x256xf32, #tpu.memory_space<vmem>>, vector<16xf32>,
        %mul3A_561 = vector.broadcast %reduce_max3A_479 : f32 to vector<16xf32>
        %mul3A_562 = arith.mulf %mul3A_561, %get3A_560 : vector<16xf32>
        %add3A_563 = arith.addf %scan3A_471, %mul3A_562 : vector<16xf32>
        %get3A_564 = arith.index_cast %scan3A_457 : i32 to index
        %get3A_565 = arith.constant 224 : index
        %get3A_566 = tpu.vector_load %arg19[%get3A_564, %get3A_565] {strides = array<i32>} : memref<32x256xf32, #tpu.memory_space<vmem>>, vector<16xf32>,
        %mul3A_567 = vector.broadcast %reduce_max3A_479 : f32 to vector<16xf32>
        %mul3A_568 = arith.mulf %mul3A_567, %get3A_566 : vector<16xf32>
        %add3A_569 = arith.addf %scan3A_472, %mul3A_568 : vector<16xf32>
        %get3A_570 = arith.index_cast %scan3A_457 : i32 to index
        %get3A_571 = arith.constant 240 : index
        %get3A_572 = tpu.vector_load %arg19[%get3A_570, %get3A_571] {strides = array<i32>} : memref<32x256xf32, #tpu.memory_space<vmem>>, vector<16xf32>,
        %mul3A_573 = vector.broadcast %reduce_max3A_479 : f32 to vector<16xf32>
        %mul3A_574 = arith.mulf %mul3A_573, %get3A_572 : vector<16xf32>
        %add3A_575 = arith.addf %scan3A_473, %mul3A_574 : vector<16xf32>
        scf.yield %add3A_485, %add3A_491, %add3A_497, %add3A_503, %add3A_509, %add3A_515, %add3A_521, %add3A_527, %add3A_533, %add3A_539, %add3A_545, %add3A_551, %add3A_557, %add3A_563, %add3A_569, %add3A_575 : vector<16xf32>, vector<16xf32>, vector<16xf32>, vector<16xf32>, vector<16xf32>, vector<16xf32>, vector<16xf32>, vector<16xf32>, vector<16xf32>, vector<16xf32>, vector<16xf32>, vector<16xf32>, vector<16xf32>, vector<16xf32>, vector<16xf32>, vector<16xf32>
      }
      %scan3A_389 = arith.constant 32 : i32
      %mul3A_390 = arith.constant 256 : i32
      %mul3A_391 = arith.muli %add3A_381, %mul3A_390 : i32
      %add3A_392 = arith.constant 0 : i32
      %add3A_393 = arith.addi %mul3A_391, %add3A_392 : i32
      %swap3A_394 = arith.index_cast %add3A_393 : i32 to index
      %swap3A_395 = tpu.vector_load %arg20[%swap3A_394] {strides = array<i32>} : memref<8192xf32, #tpu.memory_space<vmem>>, vector<16xf32>,
      tpu.vector_store %arg20[%swap3A_394], %scan3A_388#0 {strides = array<i32>} : memref<8192xf32, #tpu.memory_space<vmem>>, vector<16xf32>,
      %add3A_396 = arith.constant 16 : i32
      %add3A_397 = arith.addi %mul3A_391, %add3A_396 : i32
      %swap3A_398 = arith.index_cast %add3A_397 : i32 to index
      %swap3A_399 = tpu.vector_load %arg20[%swap3A_398] {strides = array<i32>} : memref<8192xf32, #tpu.memory_space<vmem>>, vector<16xf32>,
      tpu.vector_store %arg20[%swap3A_398], %scan3A_388#1 {strides = array<i32>} : memref<8192xf32, #tpu.memory_space<vmem>>, vector<16xf32>,
      %add3A_400 = arith.constant 32 : i32
      %add3A_401 = arith.addi %mul3A_391, %add3A_400 : i32
      %swap3A_402 = arith.index_cast %add3A_401 : i32 to index
      %swap3A_403 = tpu.vector_load %arg20[%swap3A_402] {strides = array<i32>} : memref<8192xf32, #tpu.memory_space<vmem>>, vector<16xf32>,
      tpu.vector_store %arg20[%swap3A_402], %scan3A_388#2 {strides = array<i32>} : memref<8192xf32, #tpu.memory_space<vmem>>, vector<16xf32>,
      %add3A_404 = arith.constant 48 : i32
      %add3A_405 = arith.addi %mul3A_391, %add3A_404 : i32
      %swap3A_406 = arith.index_cast %add3A_405 : i32 to index
      %swap3A_407 = tpu.vector_load %arg20[%swap3A_406] {strides = array<i32>} : memref<8192xf32, #tpu.memory_space<vmem>>, vector<16xf32>,
      tpu.vector_store %arg20[%swap3A_406], %scan3A_388#3 {strides = array<i32>} : memref<8192xf32, #tpu.memory_space<vmem>>, vector<16xf32>,
      %add3A_408 = arith.constant 64 : i32
      %add3A_409 = arith.addi %mul3A_391, %add3A_408 : i32
      %swap3A_410 = arith.index_cast %add3A_409 : i32 to index
      %swap3A_411 = tpu.vector_load %arg20[%swap3A_410] {strides = array<i32>} : memref<8192xf32, #tpu.memory_space<vmem>>, vector<16xf32>,
      tpu.vector_store %arg20[%swap3A_410], %scan3A_388#4 {strides = array<i32>} : memref<8192xf32, #tpu.memory_space<vmem>>, vector<16xf32>,
      %add3A_412 = arith.constant 80 : i32
      %add3A_413 = arith.addi %mul3A_391, %add3A_412 : i32
      %swap3A_414 = arith.index_cast %add3A_413 : i32 to index
      %swap3A_415 = tpu.vector_load %arg20[%swap3A_414] {strides = array<i32>} : memref<8192xf32, #tpu.memory_space<vmem>>, vector<16xf32>,
      tpu.vector_store %arg20[%swap3A_414], %scan3A_388#5 {strides = array<i32>} : memref<8192xf32, #tpu.memory_space<vmem>>, vector<16xf32>,
      %add3A_416 = arith.constant 96 : i32
      %add3A_417 = arith.addi %mul3A_391, %add3A_416 : i32
      %swap3A_418 = arith.index_cast %add3A_417 : i32 to index
      %swap3A_419 = tpu.vector_load %arg20[%swap3A_418] {strides = array<i32>} : memref<8192xf32, #tpu.memory_space<vmem>>, vector<16xf32>,
      tpu.vector_store %arg20[%swap3A_418], %scan3A_388#6 {strides = array<i32>} : memref<8192xf32, #tpu.memory_space<vmem>>, vector<16xf32>,
      %add3A_420 = arith.constant 112 : i32
      %add3A_421 = arith.addi %mul3A_391, %add3A_420 : i32
      %swap3A_422 = arith.index_cast %add3A_421 : i32 to index
      %swap3A_423 = tpu.vector_load %arg20[%swap3A_422] {strides = array<i32>} : memref<8192xf32, #tpu.memory_space<vmem>>, vector<16xf32>,
      tpu.vector_store %arg20[%swap3A_422], %scan3A_388#7 {strides = array<i32>} : memref<8192xf32, #tpu.memory_space<vmem>>, vector<16xf32>,
      %add3A_424 = arith.constant 128 : i32
      %add3A_425 = arith.addi %mul3A_391, %add3A_424 : i32
      %swap3A_426 = arith.index_cast %add3A_425 : i32 to index
      %swap3A_427 = tpu.vector_load %arg20[%swap3A_426] {strides = array<i32>} : memref<8192xf32, #tpu.memory_space<vmem>>, vector<16xf32>,
      tpu.vector_store %arg20[%swap3A_426], %scan3A_388#8 {strides = array<i32>} : memref<8192xf32, #tpu.memory_space<vmem>>, vector<16xf32>,
      %add3A_428 = arith.constant 144 : i32
      %add3A_429 = arith.addi %mul3A_391, %add3A_428 : i32
      %swap3A_430 = arith.index_cast %add3A_429 : i32 to index
      %swap3A_431 = tpu.vector_load %arg20[%swap3A_430] {strides = array<i32>} : memref<8192xf32, #tpu.memory_space<vmem>>, vector<16xf32>,
      tpu.vector_store %arg20[%swap3A_430], %scan3A_388#9 {strides = array<i32>} : memref<8192xf32, #tpu.memory_space<vmem>>, vector<16xf32>,
      %add3A_432 = arith.constant 160 : i32
      %add3A_433 = arith.addi %mul3A_391, %add3A_432 : i32
      %swap3A_434 = arith.index_cast %add3A_433 : i32 to index
      %swap3A_435 = tpu.vector_load %arg20[%swap3A_434] {strides = array<i32>} : memref<8192xf32, #tpu.memory_space<vmem>>, vector<16xf32>,
      tpu.vector_store %arg20[%swap3A_434], %scan3A_388#10 {strides = array<i32>} : memref<8192xf32, #tpu.memory_space<vmem>>, vector<16xf32>,
      %add3A_436 = arith.constant 176 : i32
      %add3A_437 = arith.addi %mul3A_391, %add3A_436 : i32
      %swap3A_438 = arith.index_cast %add3A_437 : i32 to index
      %swap3A_439 = tpu.vector_load %arg20[%swap3A_438] {strides = array<i32>} : memref<8192xf32, #tpu.memory_space<vmem>>, vector<16xf32>,
      tpu.vector_store %arg20[%swap3A_438], %scan3A_388#11 {strides = array<i32>} : memref<8192xf32, #tpu.memory_space<vmem>>, vector<16xf32>,
      %add3A_440 = arith.constant 192 : i32
      %add3A_441 = arith.addi %mul3A_391, %add3A_440 : i32
      %swap3A_442 = arith.index_cast %add3A_441 : i32 to index
      %swap3A_443 = tpu.vector_load %arg20[%swap3A_442] {strides = array<i32>} : memref<8192xf32, #tpu.memory_space<vmem>>, vector<16xf32>,
      tpu.vector_store %arg20[%swap3A_442], %scan3A_388#12 {strides = array<i32>} : memref<8192xf32, #tpu.memory_space<vmem>>, vector<16xf32>,
      %add3A_444 = arith.constant 208 : i32
      %add3A_445 = arith.addi %mul3A_391, %add3A_444 : i32
      %swap3A_446 = arith.index_cast %add3A_445 : i32 to index
      %swap3A_447 = tpu.vector_load %arg20[%swap3A_446] {strides = array<i32>} : memref<8192xf32, #tpu.memory_space<vmem>>, vector<16xf32>,
      tpu.vector_store %arg20[%swap3A_446], %scan3A_388#13 {strides = array<i32>} : memref<8192xf32, #tpu.memory_space<vmem>>, vector<16xf32>,
      %add3A_448 = arith.constant 224 : i32
      %add3A_449 = arith.addi %mul3A_391, %add3A_448 : i32
      %swap3A_450 = arith.index_cast %add3A_449 : i32 to index
      %swap3A_451 = tpu.vector_load %arg20[%swap3A_450] {strides = array<i32>} : memref<8192xf32, #tpu.memory_space<vmem>>, vector<16xf32>,
      tpu.vector_store %arg20[%swap3A_450], %scan3A_388#14 {strides = array<i32>} : memref<8192xf32, #tpu.memory_space<vmem>>, vector<16xf32>,
      %add3A_452 = arith.constant 240 : i32
      %add3A_453 = arith.addi %mul3A_391, %add3A_452 : i32
      %swap3A_454 = arith.index_cast %add3A_453 : i32 to index
      %swap3A_455 = tpu.vector_load %arg20[%swap3A_454] {strides = array<i32>} : memref<8192xf32, #tpu.memory_space<vmem>>, vector<16xf32>,
      tpu.vector_store %arg20[%swap3A_454], %scan3A_388#15 {strides = array<i32>} : memref<8192xf32, #tpu.memory_space<vmem>>, vector<16xf32>,
      %scan3A_456 = arith.constant 0 : i32
      scf.yield %scan3A_456 : i32
    }
    %scan3A_10 = arith.constant 16 : i32
    %mul3A_11 = arith.constant 256 : i32
    %mul3A_12 = arith.muli %mul3A_2, %mul3A_11 : i32
    "tpu.region"() ({
      %run_scoped3A = tpu.sem_alloc : memref<!tpu.dma_semaphore, #tpu.memory_space<semaphore_mem>>
      %dma_start3A = tpu.memref_slice %arg6[%mul3A_12] : memref<262144xf32, #tpu.memory_space<hbm>> -> memref<8192xf32, #tpu.memory_space<hbm>>
      %dma_start3A_13 = tpu.memref_slice %arg6[%mul3A_12] : memref<262144xf32, #tpu.memory_space<hbm>> -> memref<8192xf32, #tpu.memory_space<hbm>>
      tpu.enqueue_dma source(%arg20 : memref<8192xf32, #tpu.memory_space<vmem>>) target(%dma_start3A_13 : memref<8192xf32, #tpu.memory_space<hbm>>) target_semaphore(%run_scoped3A : memref<!tpu.dma_semaphore, #tpu.memory_space<semaphore_mem>>)
      %dma_wait3A = tpu.memref_slice %arg6[%mul3A_12] : memref<262144xf32, #tpu.memory_space<hbm>> -> memref<8192xf32, #tpu.memory_space<hbm>>
      %dma_wait3A_14 = tpu.memref_slice %arg6[%mul3A_12] : memref<262144xf32, #tpu.memory_space<hbm>> -> memref<8192xf32, #tpu.memory_space<hbm>>
      tpu.wait_dma2 semaphore(%run_scoped3A : memref<!tpu.dma_semaphore, #tpu.memory_space<semaphore_mem>>) src(%arg20 : memref<8192xf32, #tpu.memory_space<vmem>>) dst(%dma_wait3A_14 : memref<8192xf32, #tpu.memory_space<hbm>>)
      tpu.yield
    }) : () -> ()
    return
  }
}

module attributes {stable_mosaic.version = 14 : i64} {
  func.func @_scores_body(%arg0: i32, %arg1: memref<1024x512xf32, #tpu.memory_space<vmem>>, %arg2: memref<512x256xf32, #tpu.memory_space<vmem>>, %arg3: memref<1x256xf32, #tpu.memory_space<vmem>>, %arg4: memref<2048x256xf32, #tpu.memory_space<vmem>>, %arg5: memref<1x2048xf32, #tpu.memory_space<vmem>>, %arg6: memref<1x2048xf32, #tpu.memory_space<vmem>>, %arg7: memref<1x2048xi32, #tpu.memory_space<vmem>>, %arg8: memref<1024x2048xf32, #tpu.memory_space<vmem>>, %arg9: memref<1x1024x16xf32, #tpu.memory_space<vmem>>, %arg10: memref<1024x256xf32, #tpu.memory_space<vmem>>, %arg11: memref<1024x256xf32, #tpu.memory_space<vmem>>) attributes {dimension_semantics = [#tpu.dimension_semantics<arbitrary>], iteration_bounds = array<i64: 32>, scalar_prefetch = 0 : i64, scratch_operands = 1 : i64, tpu.core_type = #tpu.core_type<tc>, window_params = [{pipeline_mode = #tpu.pipeline_mode<synchronous>, transform_indices = @transform_0, window_bounds = array<i64: 1024, 512>}, {pipeline_mode = #tpu.pipeline_mode<synchronous>, transform_indices = @transform_1, window_bounds = array<i64: 512, 256>}, {pipeline_mode = #tpu.pipeline_mode<synchronous>, transform_indices = @transform_2, window_bounds = array<i64: 1, 256>}, {transform_indices = @transform_3, window_bounds = array<i64: 2048, 256>}, {transform_indices = @transform_4, window_bounds = array<i64: 1, 2048>}, {transform_indices = @transform_5, window_bounds = array<i64: 1, 2048>}, {transform_indices = @transform_6, window_bounds = array<i64: 1, 2048>}, {transform_indices = @transform_7, window_bounds = array<i64: 1024, 2048>}, {transform_indices = @transform_8, window_bounds = array<i64: 1, 1024, 16>}, {pipeline_mode = #tpu.pipeline_mode<synchronous>, transform_indices = @transform_9, window_bounds = array<i64: 1024, 256>}]} {
    %eq3A = arith.constant 0 : i32
    %eq3A_0 = arith.cmpi eq, %arg0, %eq3A : i32
    %convert_element_type3A = arith.extui %eq3A_0 : i1 to i32
    %cond3A = arith.constant 0 : i32
    %cond3A_1 = arith.cmpi ne, %convert_element_type3A, %cond3A : i32
    scf.if %cond3A_1 {
      %get3A_41 = arith.constant 0 : index
      %get3A_42 = arith.constant 0 : index
      %get3A_43 = vector.load %arg1[%get3A_41, %get3A_42] : memref<1024x512xf32, #tpu.memory_space<vmem>>, vector<1024x512xf32>
      %get3A_44 = arith.constant 0 : index
      %get3A_45 = arith.constant 0 : index
      %get3A_46 = vector.load %arg2[%get3A_44, %get3A_45] : memref<512x256xf32, #tpu.memory_space<vmem>>, vector<512x256xf32>
      %dot_general3A_47 = arith.constant dense<0.000000e+00> : vector<1024x256xf32>
      %dot_general3A_48 = tpu.matmul %get3A_43, %get3A_46, %dot_general3A_47 {dimension_numbers = #tpu.dot_dimension_numbers<[1], [0], [0], [1], [0, 0, 1, 1], [], []>, transpose_lhs_hint = false} : vector<1024x512xf32>, vector<512x256xf32>, vector<1024x256xf32> -> vector<1024x256xf32>
      %get3A_49 = arith.constant 0 : index
      %get3A_50 = arith.constant 0 : index
      %get3A_51 = vector.load %arg3[%get3A_49, %get3A_50] : memref<1x256xf32, #tpu.memory_space<vmem>>, vector<1x256xf32>
      %add3A = vector.broadcast %get3A_51 : vector<1x256xf32> to vector<1024x256xf32>
      %add3A_52 = arith.addf %dot_general3A_48, %add3A : vector<1024x256xf32>
      %max3A_53 = arith.constant 0.000000e+00 : f32
      %max3A_54 = vector.broadcast %max3A_53 : f32 to vector<1024x256xf32>
      %max3A_55 = arith.maximumf %add3A_52, %max3A_54 : vector<1024x256xf32>
      %swap3A_56 = arith.constant 0 : index
      %swap3A_57 = arith.constant 0 : index
      %swap3A_58 = vector.load %arg10[%swap3A_56, %swap3A_57] : memref<1024x256xf32, #tpu.memory_space<vmem>>, vector<1024x256xf32>
      tpu.vector_store %arg10[%swap3A_56, %swap3A_57], %max3A_55 {strides = array<i32>} : memref<1024x256xf32, #tpu.memory_space<vmem>>, vector<1024x256xf32>,
      %mul3A_59 = arith.mulf %max3A_55, %max3A_55 : vector<1024x256xf32>
      %reduce_sum3A_60 = arith.constant dense<0.000000e+00> : vector<1024xf32>
      %reduce_sum3A_61 = vector.multi_reduction <add>, %mul3A_59, %reduce_sum3A_60 [1] : vector<1024x256xf32> to vector<1024xf32>
      %broadcast_in_dim3A_62 = vector.shape_cast %reduce_sum3A_61 : vector<1024xf32> to vector<1024x1xf32>
      %sqrt3A_63 = math.sqrt %broadcast_in_dim3A_62 : vector<1024x1xf32>
      %max3A_64 = arith.constant 9.99999993E-9 : f32
      %max3A_65 = vector.broadcast %max3A_64 : f32 to vector<1024x1xf32>
      %max3A_66 = arith.maximumf %sqrt3A_63, %max3A_65 : vector<1024x1xf32>
      %div3A_67 = vector.broadcast %max3A_66 : vector<1024x1xf32> to vector<1024x256xf32>
      %div3A_68 = arith.divf %max3A_55, %div3A_67 : vector<1024x256xf32>
      %swap3A_69 = arith.constant 0 : index
      %swap3A_70 = arith.constant 0 : index
      %swap3A_71 = vector.load %arg11[%swap3A_69, %swap3A_70] : memref<1024x256xf32, #tpu.memory_space<vmem>>, vector<1024x256xf32>
      tpu.vector_store %arg11[%swap3A_69, %swap3A_70], %div3A_68 {strides = array<i32>} : memref<1024x256xf32, #tpu.memory_space<vmem>>, vector<1024x256xf32>,
    } else {
    }
    %get3A = arith.constant 0 : index
    %get3A_2 = arith.constant 0 : index
    %get3A_3 = vector.load %arg4[%get3A, %get3A_2] : memref<2048x256xf32, #tpu.memory_space<vmem>>, vector<2048x256xf32>
    %mul3A = arith.mulf %get3A_3, %get3A_3 : vector<2048x256xf32>
    %reduce_sum3A = arith.constant dense<0.000000e+00> : vector<2048xf32>
    %reduce_sum3A_4 = vector.multi_reduction <add>, %mul3A, %reduce_sum3A [1] : vector<2048x256xf32> to vector<2048xf32>
    %broadcast_in_dim3A = vector.shape_cast %reduce_sum3A_4 : vector<2048xf32> to vector<2048x1xf32>
    %sqrt3A = math.sqrt %broadcast_in_dim3A : vector<2048x1xf32>
    %max3A = arith.constant 9.99999993E-9 : f32
    %max3A_5 = vector.broadcast %max3A : f32 to vector<2048x1xf32>
    %max3A_6 = arith.maximumf %sqrt3A, %max3A_5 : vector<2048x1xf32>
    %div3A = vector.broadcast %max3A_6 : vector<2048x1xf32> to vector<2048x256xf32>
    %div3A_7 = arith.divf %get3A_3, %div3A : vector<2048x256xf32>
    %get3A_8 = arith.constant 0 : index
    %get3A_9 = arith.constant 0 : index
    %get3A_10 = vector.load %arg11[%get3A_8, %get3A_9] : memref<1024x256xf32, #tpu.memory_space<vmem>>, vector<1024x256xf32>
    %dot_general3A = arith.constant dense<0.000000e+00> : vector<1024x2048xf32>
    %dot_general3A_11 = tpu.matmul %get3A_10, %div3A_7, %dot_general3A {dimension_numbers = #tpu.dot_dimension_numbers<[1], [1], [0], [0], [0, 0, 1, 0], [], []>, transpose_lhs_hint = false} : vector<1024x256xf32>, vector<2048x256xf32>, vector<1024x2048xf32> -> vector<1024x2048xf32>
    %get3A_12 = arith.constant 0 : index
    %get3A_13 = arith.constant 0 : index
    %get3A_14 = vector.load %arg5[%get3A_12, %get3A_13] : memref<1x2048xf32, #tpu.memory_space<vmem>>, vector<1x2048xf32>
    %get3A_15 = arith.constant 0 : index
    %get3A_16 = arith.constant 0 : index
    %get3A_17 = vector.load %arg6[%get3A_15, %get3A_16] : memref<1x2048xf32, #tpu.memory_space<vmem>>, vector<1x2048xf32>
    %mul3A_18 = arith.constant -0.00999999977 : f32
    %mul3A_19 = vector.broadcast %mul3A_18 : f32 to vector<1x2048xf32>
    %mul3A_20 = arith.mulf %mul3A_19, %get3A_17 : vector<1x2048xf32>
    %exp3A = math.exp %mul3A_20 : vector<1x2048xf32>
    %mul3A_21 = arith.mulf %get3A_14, %exp3A : vector<1x2048xf32>
    %get3A_22 = arith.constant 0 : index
    %get3A_23 = arith.constant 0 : index
    %get3A_24 = vector.load %arg7[%get3A_22, %get3A_23] : memref<1x2048xi32, #tpu.memory_space<vmem>>, vector<1x2048xi32>
    %ne3A = arith.constant 0 : i32
    %ne3A_25 = vector.broadcast %ne3A : i32 to vector<1x2048xi32>
    %ne3A_26 = arith.cmpi ne, %get3A_24, %ne3A_25 : vector<1x2048xi32>
    %convert_element_type3A_27 = arith.extui %ne3A_26 : vector<1x2048xi1> to vector<1x2048xi32>
    %convert_element_type3A_28 = arith.sitofp %convert_element_type3A_27 : vector<1x2048xi32> to vector<1x2048xf32>
    %mul3A_29 = arith.mulf %mul3A_21, %convert_element_type3A_28 : vector<1x2048xf32>
    %mul3A_30 = vector.broadcast %mul3A_29 : vector<1x2048xf32> to vector<1024x2048xf32>
    %mul3A_31 = arith.mulf %dot_general3A_11, %mul3A_30 : vector<1024x2048xf32>
    %swap3A = arith.constant 0 : index
    %swap3A_32 = arith.constant 0 : index
    %swap3A_33 = vector.load %arg8[%swap3A, %swap3A_32] : memref<1024x2048xf32, #tpu.memory_space<vmem>>, vector<1024x2048xf32>
    tpu.vector_store %arg8[%swap3A, %swap3A_32], %mul3A_31 {strides = array<i32>} : memref<1024x2048xf32, #tpu.memory_space<vmem>>, vector<1024x2048xf32>,
    %reshape3A = vector.shape_cast %mul3A_31 : vector<1024x2048xf32> to vector<1024x16x128xf32>
    %reduce_max3A = arith.constant dense<0xFF800000> : vector<1024x16xf32>
    %reduce_max3A_34 = vector.multi_reduction <maximumf>, %reshape3A, %reduce_max3A [2] : vector<1024x16x128xf32> to vector<1024x16xf32>
    %swap3A_35 = arith.constant 0 : index
    %swap3A_36 = arith.constant 0 : index
    %swap3A_37 = arith.constant 0 : index
    %swap3A_38 = vector.load %arg9[%swap3A_35, %swap3A_36, %swap3A_37] : memref<1x1024x16xf32, #tpu.memory_space<vmem>>, vector<1x1024x16xf32>
    %swap3A_39 = vector.shape_cast %swap3A_38 : vector<1x1024x16xf32> to vector<1024x16xf32>
    %swap3A_40 = vector.shape_cast %reduce_max3A_34 : vector<1024x16xf32> to vector<1x1024x16xf32>
    tpu.vector_store %arg9[%swap3A_35, %swap3A_36, %swap3A_37], %swap3A_40 {strides = array<i32>} : memref<1x1024x16xf32, #tpu.memory_space<vmem>>, vector<1x1024x16xf32>,
    return
  }
  func.func @transform_0(%arg0: i32) -> (i32, i32) {
    %c0_i32 = arith.constant 0 : i32
    %c0_i32_0 = arith.constant 0 : i32
    %c0_i32_1 = arith.constant 0 : i32
    return %c0_i32, %c0_i32_0 : i32, i32
  }
  func.func @transform_1(%arg0: i32) -> (i32, i32) {
    %c0_i32 = arith.constant 0 : i32
    %c0_i32_0 = arith.constant 0 : i32
    %c0_i32_1 = arith.constant 0 : i32
    return %c0_i32, %c0_i32_0 : i32, i32
  }
  func.func @transform_2(%arg0: i32) -> (i32, i32) {
    %c0_i32 = arith.constant 0 : i32
    %c0_i32_0 = arith.constant 0 : i32
    %c0_i32_1 = arith.constant 0 : i32
    return %c0_i32, %c0_i32_0 : i32, i32
  }
  func.func @transform_3(%arg0: i32) -> (i32, i32) {
    %c0_i32 = arith.constant 0 : i32
    %c0_i32_0 = arith.constant 0 : i32
    return %arg0, %c0_i32 : i32, i32
  }
  func.func @transform_4(%arg0: i32) -> (i32, i32) {
    %c0_i32 = arith.constant 0 : i32
    %c0_i32_0 = arith.constant 0 : i32
    return %c0_i32, %arg0 : i32, i32
  }
  func.func @transform_5(%arg0: i32) -> (i32, i32) {
    %c0_i32 = arith.constant 0 : i32
    %c0_i32_0 = arith.constant 0 : i32
    return %c0_i32, %arg0 : i32, i32
  }
  func.func @transform_6(%arg0: i32) -> (i32, i32) {
    %c0_i32 = arith.constant 0 : i32
    %c0_i32_0 = arith.constant 0 : i32
    return %c0_i32, %arg0 : i32, i32
  }
  func.func @transform_7(%arg0: i32) -> (i32, i32) {
    %c0_i32 = arith.constant 0 : i32
    %c0_i32_0 = arith.constant 0 : i32
    return %c0_i32, %arg0 : i32, i32
  }
  func.func @transform_8(%arg0: i32) -> (i32, i32, i32) {
    %c0_i32 = arith.constant 0 : i32
    %c0_i32_0 = arith.constant 0 : i32
    %c0_i32_1 = arith.constant 0 : i32
    return %arg0, %c0_i32, %c0_i32_0 : i32, i32, i32
  }
  func.func @transform_9(%arg0: i32) -> (i32, i32) {
    %c0_i32 = arith.constant 0 : i32
    %c0_i32_0 = arith.constant 0 : i32
    %c0_i32_1 = arith.constant 0 : i32
    return %c0_i32, %c0_i32_0 : i32, i32
  }
}

module attributes {stable_mosaic.version = 14 : i64} {
  func.func @_thresh_body(%arg0: memref<1024x512xf32, #tpu.memory_space<vmem>>, %arg1: memref<1024x1xf32, #tpu.memory_space<vmem>>) attributes {dimension_semantics = [], scalar_prefetch = 0 : i64, scratch_operands = 0 : i64, tpu.core_type = #tpu.core_type<tc>} {
    %get3A = arith.constant 0 : index
    %get3A_0 = arith.constant 0 : index
    %get3A_1 = vector.load %arg0[%get3A, %get3A_0] : memref<1024x512xf32, #tpu.memory_space<vmem>>, vector<1024x512xf32>
    %reduce_max3A = arith.constant dense<0xFF800000> : vector<1024xf32>
    %reduce_max3A_2 = vector.multi_reduction <maximumf>, %get3A_1, %reduce_max3A [1] : vector<1024x512xf32> to vector<1024xf32>
    %broadcast_in_dim3A = vector.shape_cast %reduce_max3A_2 : vector<1024xf32> to vector<1024x1xf32>
    %eq3A = vector.broadcast %broadcast_in_dim3A : vector<1024x1xf32> to vector<1024x512xf32>
    %eq3A_3 = arith.cmpf oeq, %get3A_1, %eq3A : vector<1024x512xf32>
    %jit3A = arith.constant -3.000000e+38 : f32
    %broadcast_in_dim3A_4 = vector.broadcast %jit3A : f32 to vector<1024x512xf32>
    %select_n3A = arith.select %eq3A_3, %broadcast_in_dim3A_4, %get3A_1 : vector<1024x512xi1>, vector<1024x512xf32>
    %reduce_max3A_5 = arith.constant dense<0xFF800000> : vector<1024xf32>
    %reduce_max3A_6 = vector.multi_reduction <maximumf>, %select_n3A, %reduce_max3A_5 [1] : vector<1024x512xf32> to vector<1024xf32>
    %broadcast_in_dim3A_7 = vector.shape_cast %reduce_max3A_6 : vector<1024xf32> to vector<1024x1xf32>
    %eq3A_8 = vector.broadcast %broadcast_in_dim3A_7 : vector<1024x1xf32> to vector<1024x512xf32>
    %eq3A_9 = arith.cmpf oeq, %select_n3A, %eq3A_8 : vector<1024x512xf32>
    %jit3A_10 = arith.constant -3.000000e+38 : f32
    %broadcast_in_dim3A_11 = vector.broadcast %jit3A_10 : f32 to vector<1024x512xf32>
    %select_n3A_12 = arith.select %eq3A_9, %broadcast_in_dim3A_11, %select_n3A : vector<1024x512xi1>, vector<1024x512xf32>
    %reduce_max3A_13 = arith.constant dense<0xFF800000> : vector<1024xf32>
    %reduce_max3A_14 = vector.multi_reduction <maximumf>, %select_n3A_12, %reduce_max3A_13 [1] : vector<1024x512xf32> to vector<1024xf32>
    %broadcast_in_dim3A_15 = vector.shape_cast %reduce_max3A_14 : vector<1024xf32> to vector<1024x1xf32>
    %eq3A_16 = vector.broadcast %broadcast_in_dim3A_15 : vector<1024x1xf32> to vector<1024x512xf32>
    %eq3A_17 = arith.cmpf oeq, %select_n3A_12, %eq3A_16 : vector<1024x512xf32>
    %jit3A_18 = arith.constant -3.000000e+38 : f32
    %broadcast_in_dim3A_19 = vector.broadcast %jit3A_18 : f32 to vector<1024x512xf32>
    %select_n3A_20 = arith.select %eq3A_17, %broadcast_in_dim3A_19, %select_n3A_12 : vector<1024x512xi1>, vector<1024x512xf32>
    %reduce_max3A_21 = arith.constant dense<0xFF800000> : vector<1024xf32>
    %reduce_max3A_22 = vector.multi_reduction <maximumf>, %select_n3A_20, %reduce_max3A_21 [1] : vector<1024x512xf32> to vector<1024xf32>
    %broadcast_in_dim3A_23 = vector.shape_cast %reduce_max3A_22 : vector<1024xf32> to vector<1024x1xf32>
    %eq3A_24 = vector.broadcast %broadcast_in_dim3A_23 : vector<1024x1xf32> to vector<1024x512xf32>
    %eq3A_25 = arith.cmpf oeq, %select_n3A_20, %eq3A_24 : vector<1024x512xf32>
    %jit3A_26 = arith.constant -3.000000e+38 : f32
    %broadcast_in_dim3A_27 = vector.broadcast %jit3A_26 : f32 to vector<1024x512xf32>
    %select_n3A_28 = arith.select %eq3A_25, %broadcast_in_dim3A_27, %select_n3A_20 : vector<1024x512xi1>, vector<1024x512xf32>
    %reduce_max3A_29 = arith.constant dense<0xFF800000> : vector<1024xf32>
    %reduce_max3A_30 = vector.multi_reduction <maximumf>, %select_n3A_28, %reduce_max3A_29 [1] : vector<1024x512xf32> to vector<1024xf32>
    %broadcast_in_dim3A_31 = vector.shape_cast %reduce_max3A_30 : vector<1024xf32> to vector<1024x1xf32>
    %eq3A_32 = vector.broadcast %broadcast_in_dim3A_31 : vector<1024x1xf32> to vector<1024x512xf32>
    %eq3A_33 = arith.cmpf oeq, %select_n3A_28, %eq3A_32 : vector<1024x512xf32>
    %jit3A_34 = arith.constant -3.000000e+38 : f32
    %broadcast_in_dim3A_35 = vector.broadcast %jit3A_34 : f32 to vector<1024x512xf32>
    %select_n3A_36 = arith.select %eq3A_33, %broadcast_in_dim3A_35, %select_n3A_28 : vector<1024x512xi1>, vector<1024x512xf32>
    %reduce_max3A_37 = arith.constant dense<0xFF800000> : vector<1024xf32>
    %reduce_max3A_38 = vector.multi_reduction <maximumf>, %select_n3A_36, %reduce_max3A_37 [1] : vector<1024x512xf32> to vector<1024xf32>
    %broadcast_in_dim3A_39 = vector.shape_cast %reduce_max3A_38 : vector<1024xf32> to vector<1024x1xf32>
    %eq3A_40 = vector.broadcast %broadcast_in_dim3A_39 : vector<1024x1xf32> to vector<1024x512xf32>
    %eq3A_41 = arith.cmpf oeq, %select_n3A_36, %eq3A_40 : vector<1024x512xf32>
    %jit3A_42 = arith.constant -3.000000e+38 : f32
    %broadcast_in_dim3A_43 = vector.broadcast %jit3A_42 : f32 to vector<1024x512xf32>
    %select_n3A_44 = arith.select %eq3A_41, %broadcast_in_dim3A_43, %select_n3A_36 : vector<1024x512xi1>, vector<1024x512xf32>
    %reduce_max3A_45 = arith.constant dense<0xFF800000> : vector<1024xf32>
    %reduce_max3A_46 = vector.multi_reduction <maximumf>, %select_n3A_44, %reduce_max3A_45 [1] : vector<1024x512xf32> to vector<1024xf32>
    %broadcast_in_dim3A_47 = vector.shape_cast %reduce_max3A_46 : vector<1024xf32> to vector<1024x1xf32>
    %eq3A_48 = vector.broadcast %broadcast_in_dim3A_47 : vector<1024x1xf32> to vector<1024x512xf32>
    %eq3A_49 = arith.cmpf oeq, %select_n3A_44, %eq3A_48 : vector<1024x512xf32>
    %jit3A_50 = arith.constant -3.000000e+38 : f32
    %broadcast_in_dim3A_51 = vector.broadcast %jit3A_50 : f32 to vector<1024x512xf32>
    %select_n3A_52 = arith.select %eq3A_49, %broadcast_in_dim3A_51, %select_n3A_44 : vector<1024x512xi1>, vector<1024x512xf32>
    %reduce_max3A_53 = arith.constant dense<0xFF800000> : vector<1024xf32>
    %reduce_max3A_54 = vector.multi_reduction <maximumf>, %select_n3A_52, %reduce_max3A_53 [1] : vector<1024x512xf32> to vector<1024xf32>
    %broadcast_in_dim3A_55 = vector.shape_cast %reduce_max3A_54 : vector<1024xf32> to vector<1024x1xf32>
    %eq3A_56 = vector.broadcast %broadcast_in_dim3A_55 : vector<1024x1xf32> to vector<1024x512xf32>
    %eq3A_57 = arith.cmpf oeq, %select_n3A_52, %eq3A_56 : vector<1024x512xf32>
    %jit3A_58 = arith.constant -3.000000e+38 : f32
    %broadcast_in_dim3A_59 = vector.broadcast %jit3A_58 : f32 to vector<1024x512xf32>
    %select_n3A_60 = arith.select %eq3A_57, %broadcast_in_dim3A_59, %select_n3A_52 : vector<1024x512xi1>, vector<1024x512xf32>
    %reduce_max3A_61 = arith.constant dense<0xFF800000> : vector<1024xf32>
    %reduce_max3A_62 = vector.multi_reduction <maximumf>, %select_n3A_60, %reduce_max3A_61 [1] : vector<1024x512xf32> to vector<1024xf32>
    %broadcast_in_dim3A_63 = vector.shape_cast %reduce_max3A_62 : vector<1024xf32> to vector<1024x1xf32>
    %eq3A_64 = vector.broadcast %broadcast_in_dim3A_63 : vector<1024x1xf32> to vector<1024x512xf32>
    %eq3A_65 = arith.cmpf oeq, %select_n3A_60, %eq3A_64 : vector<1024x512xf32>
    %jit3A_66 = arith.constant -3.000000e+38 : f32
    %broadcast_in_dim3A_67 = vector.broadcast %jit3A_66 : f32 to vector<1024x512xf32>
    %select_n3A_68 = arith.select %eq3A_65, %broadcast_in_dim3A_67, %select_n3A_60 : vector<1024x512xi1>, vector<1024x512xf32>
    %reduce_max3A_69 = arith.constant dense<0xFF800000> : vector<1024xf32>
    %reduce_max3A_70 = vector.multi_reduction <maximumf>, %select_n3A_68, %reduce_max3A_69 [1] : vector<1024x512xf32> to vector<1024xf32>
    %broadcast_in_dim3A_71 = vector.shape_cast %reduce_max3A_70 : vector<1024xf32> to vector<1024x1xf32>
    %eq3A_72 = vector.broadcast %broadcast_in_dim3A_71 : vector<1024x1xf32> to vector<1024x512xf32>
    %eq3A_73 = arith.cmpf oeq, %select_n3A_68, %eq3A_72 : vector<1024x512xf32>
    %jit3A_74 = arith.constant -3.000000e+38 : f32
    %broadcast_in_dim3A_75 = vector.broadcast %jit3A_74 : f32 to vector<1024x512xf32>
    %select_n3A_76 = arith.select %eq3A_73, %broadcast_in_dim3A_75, %select_n3A_68 : vector<1024x512xi1>, vector<1024x512xf32>
    %reduce_max3A_77 = arith.constant dense<0xFF800000> : vector<1024xf32>
    %reduce_max3A_78 = vector.multi_reduction <maximumf>, %select_n3A_76, %reduce_max3A_77 [1] : vector<1024x512xf32> to vector<1024xf32>
    %broadcast_in_dim3A_79 = vector.shape_cast %reduce_max3A_78 : vector<1024xf32> to vector<1024x1xf32>
    %eq3A_80 = vector.broadcast %broadcast_in_dim3A_79 : vector<1024x1xf32> to vector<1024x512xf32>
    %eq3A_81 = arith.cmpf oeq, %select_n3A_76, %eq3A_80 : vector<1024x512xf32>
    %jit3A_82 = arith.constant -3.000000e+38 : f32
    %broadcast_in_dim3A_83 = vector.broadcast %jit3A_82 : f32 to vector<1024x512xf32>
    %select_n3A_84 = arith.select %eq3A_81, %broadcast_in_dim3A_83, %select_n3A_76 : vector<1024x512xi1>, vector<1024x512xf32>
    %reduce_max3A_85 = arith.constant dense<0xFF800000> : vector<1024xf32>
    %reduce_max3A_86 = vector.multi_reduction <maximumf>, %select_n3A_84, %reduce_max3A_85 [1] : vector<1024x512xf32> to vector<1024xf32>
    %broadcast_in_dim3A_87 = vector.shape_cast %reduce_max3A_86 : vector<1024xf32> to vector<1024x1xf32>
    %eq3A_88 = vector.broadcast %broadcast_in_dim3A_87 : vector<1024x1xf32> to vector<1024x512xf32>
    %eq3A_89 = arith.cmpf oeq, %select_n3A_84, %eq3A_88 : vector<1024x512xf32>
    %jit3A_90 = arith.constant -3.000000e+38 : f32
    %broadcast_in_dim3A_91 = vector.broadcast %jit3A_90 : f32 to vector<1024x512xf32>
    %select_n3A_92 = arith.select %eq3A_89, %broadcast_in_dim3A_91, %select_n3A_84 : vector<1024x512xi1>, vector<1024x512xf32>
    %reduce_max3A_93 = arith.constant dense<0xFF800000> : vector<1024xf32>
    %reduce_max3A_94 = vector.multi_reduction <maximumf>, %select_n3A_92, %reduce_max3A_93 [1] : vector<1024x512xf32> to vector<1024xf32>
    %broadcast_in_dim3A_95 = vector.shape_cast %reduce_max3A_94 : vector<1024xf32> to vector<1024x1xf32>
    %eq3A_96 = vector.broadcast %broadcast_in_dim3A_95 : vector<1024x1xf32> to vector<1024x512xf32>
    %eq3A_97 = arith.cmpf oeq, %select_n3A_92, %eq3A_96 : vector<1024x512xf32>
    %jit3A_98 = arith.constant -3.000000e+38 : f32
    %broadcast_in_dim3A_99 = vector.broadcast %jit3A_98 : f32 to vector<1024x512xf32>
    %select_n3A_100 = arith.select %eq3A_97, %broadcast_in_dim3A_99, %select_n3A_92 : vector<1024x512xi1>, vector<1024x512xf32>
    %reduce_max3A_101 = arith.constant dense<0xFF800000> : vector<1024xf32>
    %reduce_max3A_102 = vector.multi_reduction <maximumf>, %select_n3A_100, %reduce_max3A_101 [1] : vector<1024x512xf32> to vector<1024xf32>
    %broadcast_in_dim3A_103 = vector.shape_cast %reduce_max3A_102 : vector<1024xf32> to vector<1024x1xf32>
    %eq3A_104 = vector.broadcast %broadcast_in_dim3A_103 : vector<1024x1xf32> to vector<1024x512xf32>
    %eq3A_105 = arith.cmpf oeq, %select_n3A_100, %eq3A_104 : vector<1024x512xf32>
    %jit3A_106 = arith.constant -3.000000e+38 : f32
    %broadcast_in_dim3A_107 = vector.broadcast %jit3A_106 : f32 to vector<1024x512xf32>
    %select_n3A_108 = arith.select %eq3A_105, %broadcast_in_dim3A_107, %select_n3A_100 : vector<1024x512xi1>, vector<1024x512xf32>
    %reduce_max3A_109 = arith.constant dense<0xFF800000> : vector<1024xf32>
    %reduce_max3A_110 = vector.multi_reduction <maximumf>, %select_n3A_108, %reduce_max3A_109 [1] : vector<1024x512xf32> to vector<1024xf32>
    %broadcast_in_dim3A_111 = vector.shape_cast %reduce_max3A_110 : vector<1024xf32> to vector<1024x1xf32>
    %eq3A_112 = vector.broadcast %broadcast_in_dim3A_111 : vector<1024x1xf32> to vector<1024x512xf32>
    %eq3A_113 = arith.cmpf oeq, %select_n3A_108, %eq3A_112 : vector<1024x512xf32>
    %jit3A_114 = arith.constant -3.000000e+38 : f32
    %broadcast_in_dim3A_115 = vector.broadcast %jit3A_114 : f32 to vector<1024x512xf32>
    %select_n3A_116 = arith.select %eq3A_113, %broadcast_in_dim3A_115, %select_n3A_108 : vector<1024x512xi1>, vector<1024x512xf32>
    %reduce_max3A_117 = arith.constant dense<0xFF800000> : vector<1024xf32>
    %reduce_max3A_118 = vector.multi_reduction <maximumf>, %select_n3A_116, %reduce_max3A_117 [1] : vector<1024x512xf32> to vector<1024xf32>
    %broadcast_in_dim3A_119 = vector.shape_cast %reduce_max3A_118 : vector<1024xf32> to vector<1024x1xf32>
    %eq3A_120 = vector.broadcast %broadcast_in_dim3A_119 : vector<1024x1xf32> to vector<1024x512xf32>
    %eq3A_121 = arith.cmpf oeq, %select_n3A_116, %eq3A_120 : vector<1024x512xf32>
    %jit3A_122 = arith.constant -3.000000e+38 : f32
    %broadcast_in_dim3A_123 = vector.broadcast %jit3A_122 : f32 to vector<1024x512xf32>
    %select_n3A_124 = arith.select %eq3A_121, %broadcast_in_dim3A_123, %select_n3A_116 : vector<1024x512xi1>, vector<1024x512xf32>
    %reduce_max3A_125 = arith.constant dense<0xFF800000> : vector<1024xf32>
    %reduce_max3A_126 = vector.multi_reduction <maximumf>, %select_n3A_124, %reduce_max3A_125 [1] : vector<1024x512xf32> to vector<1024xf32>
    %broadcast_in_dim3A_127 = vector.shape_cast %reduce_max3A_126 : vector<1024xf32> to vector<1024x1xf32>
    %eq3A_128 = vector.broadcast %broadcast_in_dim3A_127 : vector<1024x1xf32> to vector<1024x512xf32>
    %eq3A_129 = arith.cmpf oeq, %select_n3A_124, %eq3A_128 : vector<1024x512xf32>
    %jit3A_130 = arith.constant -3.000000e+38 : f32
    %broadcast_in_dim3A_131 = vector.broadcast %jit3A_130 : f32 to vector<1024x512xf32>
    %select_n3A_132 = arith.select %eq3A_129, %broadcast_in_dim3A_131, %select_n3A_124 : vector<1024x512xi1>, vector<1024x512xf32>
    %reduce_max3A_133 = arith.constant dense<0xFF800000> : vector<1024xf32>
    %reduce_max3A_134 = vector.multi_reduction <maximumf>, %select_n3A_132, %reduce_max3A_133 [1] : vector<1024x512xf32> to vector<1024xf32>
    %broadcast_in_dim3A_135 = vector.shape_cast %reduce_max3A_134 : vector<1024xf32> to vector<1024x1xf32>
    %eq3A_136 = vector.broadcast %broadcast_in_dim3A_135 : vector<1024x1xf32> to vector<1024x512xf32>
    %eq3A_137 = arith.cmpf oeq, %select_n3A_132, %eq3A_136 : vector<1024x512xf32>
    %jit3A_138 = arith.constant -3.000000e+38 : f32
    %broadcast_in_dim3A_139 = vector.broadcast %jit3A_138 : f32 to vector<1024x512xf32>
    %select_n3A_140 = arith.select %eq3A_137, %broadcast_in_dim3A_139, %select_n3A_132 : vector<1024x512xi1>, vector<1024x512xf32>
    %reduce_max3A_141 = arith.constant dense<0xFF800000> : vector<1024xf32>
    %reduce_max3A_142 = vector.multi_reduction <maximumf>, %select_n3A_140, %reduce_max3A_141 [1] : vector<1024x512xf32> to vector<1024xf32>
    %broadcast_in_dim3A_143 = vector.shape_cast %reduce_max3A_142 : vector<1024xf32> to vector<1024x1xf32>
    %eq3A_144 = vector.broadcast %broadcast_in_dim3A_143 : vector<1024x1xf32> to vector<1024x512xf32>
    %eq3A_145 = arith.cmpf oeq, %select_n3A_140, %eq3A_144 : vector<1024x512xf32>
    %jit3A_146 = arith.constant -3.000000e+38 : f32
    %broadcast_in_dim3A_147 = vector.broadcast %jit3A_146 : f32 to vector<1024x512xf32>
    %select_n3A_148 = arith.select %eq3A_145, %broadcast_in_dim3A_147, %select_n3A_140 : vector<1024x512xi1>, vector<1024x512xf32>
    %reduce_max3A_149 = arith.constant dense<0xFF800000> : vector<1024xf32>
    %reduce_max3A_150 = vector.multi_reduction <maximumf>, %select_n3A_148, %reduce_max3A_149 [1] : vector<1024x512xf32> to vector<1024xf32>
    %broadcast_in_dim3A_151 = vector.shape_cast %reduce_max3A_150 : vector<1024xf32> to vector<1024x1xf32>
    %eq3A_152 = vector.broadcast %broadcast_in_dim3A_151 : vector<1024x1xf32> to vector<1024x512xf32>
    %eq3A_153 = arith.cmpf oeq, %select_n3A_148, %eq3A_152 : vector<1024x512xf32>
    %jit3A_154 = arith.constant -3.000000e+38 : f32
    %broadcast_in_dim3A_155 = vector.broadcast %jit3A_154 : f32 to vector<1024x512xf32>
    %select_n3A_156 = arith.select %eq3A_153, %broadcast_in_dim3A_155, %select_n3A_148 : vector<1024x512xi1>, vector<1024x512xf32>
    %reduce_max3A_157 = arith.constant dense<0xFF800000> : vector<1024xf32>
    %reduce_max3A_158 = vector.multi_reduction <maximumf>, %select_n3A_156, %reduce_max3A_157 [1] : vector<1024x512xf32> to vector<1024xf32>
    %broadcast_in_dim3A_159 = vector.shape_cast %reduce_max3A_158 : vector<1024xf32> to vector<1024x1xf32>
    %eq3A_160 = vector.broadcast %broadcast_in_dim3A_159 : vector<1024x1xf32> to vector<1024x512xf32>
    %eq3A_161 = arith.cmpf oeq, %select_n3A_156, %eq3A_160 : vector<1024x512xf32>
    %jit3A_162 = arith.constant -3.000000e+38 : f32
    %broadcast_in_dim3A_163 = vector.broadcast %jit3A_162 : f32 to vector<1024x512xf32>
    %select_n3A_164 = arith.select %eq3A_161, %broadcast_in_dim3A_163, %select_n3A_156 : vector<1024x512xi1>, vector<1024x512xf32>
    %reduce_max3A_165 = arith.constant dense<0xFF800000> : vector<1024xf32>
    %reduce_max3A_166 = vector.multi_reduction <maximumf>, %select_n3A_164, %reduce_max3A_165 [1] : vector<1024x512xf32> to vector<1024xf32>
    %broadcast_in_dim3A_167 = vector.shape_cast %reduce_max3A_166 : vector<1024xf32> to vector<1024x1xf32>
    %eq3A_168 = vector.broadcast %broadcast_in_dim3A_167 : vector<1024x1xf32> to vector<1024x512xf32>
    %eq3A_169 = arith.cmpf oeq, %select_n3A_164, %eq3A_168 : vector<1024x512xf32>
    %jit3A_170 = arith.constant -3.000000e+38 : f32
    %broadcast_in_dim3A_171 = vector.broadcast %jit3A_170 : f32 to vector<1024x512xf32>
    %select_n3A_172 = arith.select %eq3A_169, %broadcast_in_dim3A_171, %select_n3A_164 : vector<1024x512xi1>, vector<1024x512xf32>
    %reduce_max3A_173 = arith.constant dense<0xFF800000> : vector<1024xf32>
    %reduce_max3A_174 = vector.multi_reduction <maximumf>, %select_n3A_172, %reduce_max3A_173 [1] : vector<1024x512xf32> to vector<1024xf32>
    %broadcast_in_dim3A_175 = vector.shape_cast %reduce_max3A_174 : vector<1024xf32> to vector<1024x1xf32>
    %eq3A_176 = vector.broadcast %broadcast_in_dim3A_175 : vector<1024x1xf32> to vector<1024x512xf32>
    %eq3A_177 = arith.cmpf oeq, %select_n3A_172, %eq3A_176 : vector<1024x512xf32>
    %jit3A_178 = arith.constant -3.000000e+38 : f32
    %broadcast_in_dim3A_179 = vector.broadcast %jit3A_178 : f32 to vector<1024x512xf32>
    %select_n3A_180 = arith.select %eq3A_177, %broadcast_in_dim3A_179, %select_n3A_172 : vector<1024x512xi1>, vector<1024x512xf32>
    %reduce_max3A_181 = arith.constant dense<0xFF800000> : vector<1024xf32>
    %reduce_max3A_182 = vector.multi_reduction <maximumf>, %select_n3A_180, %reduce_max3A_181 [1] : vector<1024x512xf32> to vector<1024xf32>
    %broadcast_in_dim3A_183 = vector.shape_cast %reduce_max3A_182 : vector<1024xf32> to vector<1024x1xf32>
    %eq3A_184 = vector.broadcast %broadcast_in_dim3A_183 : vector<1024x1xf32> to vector<1024x512xf32>
    %eq3A_185 = arith.cmpf oeq, %select_n3A_180, %eq3A_184 : vector<1024x512xf32>
    %jit3A_186 = arith.constant -3.000000e+38 : f32
    %broadcast_in_dim3A_187 = vector.broadcast %jit3A_186 : f32 to vector<1024x512xf32>
    %select_n3A_188 = arith.select %eq3A_185, %broadcast_in_dim3A_187, %select_n3A_180 : vector<1024x512xi1>, vector<1024x512xf32>
    %reduce_max3A_189 = arith.constant dense<0xFF800000> : vector<1024xf32>
    %reduce_max3A_190 = vector.multi_reduction <maximumf>, %select_n3A_188, %reduce_max3A_189 [1] : vector<1024x512xf32> to vector<1024xf32>
    %broadcast_in_dim3A_191 = vector.shape_cast %reduce_max3A_190 : vector<1024xf32> to vector<1024x1xf32>
    %eq3A_192 = vector.broadcast %broadcast_in_dim3A_191 : vector<1024x1xf32> to vector<1024x512xf32>
    %eq3A_193 = arith.cmpf oeq, %select_n3A_188, %eq3A_192 : vector<1024x512xf32>
    %jit3A_194 = arith.constant -3.000000e+38 : f32
    %broadcast_in_dim3A_195 = vector.broadcast %jit3A_194 : f32 to vector<1024x512xf32>
    %select_n3A_196 = arith.select %eq3A_193, %broadcast_in_dim3A_195, %select_n3A_188 : vector<1024x512xi1>, vector<1024x512xf32>
    %reduce_max3A_197 = arith.constant dense<0xFF800000> : vector<1024xf32>
    %reduce_max3A_198 = vector.multi_reduction <maximumf>, %select_n3A_196, %reduce_max3A_197 [1] : vector<1024x512xf32> to vector<1024xf32>
    %broadcast_in_dim3A_199 = vector.shape_cast %reduce_max3A_198 : vector<1024xf32> to vector<1024x1xf32>
    %eq3A_200 = vector.broadcast %broadcast_in_dim3A_199 : vector<1024x1xf32> to vector<1024x512xf32>
    %eq3A_201 = arith.cmpf oeq, %select_n3A_196, %eq3A_200 : vector<1024x512xf32>
    %jit3A_202 = arith.constant -3.000000e+38 : f32
    %broadcast_in_dim3A_203 = vector.broadcast %jit3A_202 : f32 to vector<1024x512xf32>
    %select_n3A_204 = arith.select %eq3A_201, %broadcast_in_dim3A_203, %select_n3A_196 : vector<1024x512xi1>, vector<1024x512xf32>
    %reduce_max3A_205 = arith.constant dense<0xFF800000> : vector<1024xf32>
    %reduce_max3A_206 = vector.multi_reduction <maximumf>, %select_n3A_204, %reduce_max3A_205 [1] : vector<1024x512xf32> to vector<1024xf32>
    %broadcast_in_dim3A_207 = vector.shape_cast %reduce_max3A_206 : vector<1024xf32> to vector<1024x1xf32>
    %eq3A_208 = vector.broadcast %broadcast_in_dim3A_207 : vector<1024x1xf32> to vector<1024x512xf32>
    %eq3A_209 = arith.cmpf oeq, %select_n3A_204, %eq3A_208 : vector<1024x512xf32>
    %jit3A_210 = arith.constant -3.000000e+38 : f32
    %broadcast_in_dim3A_211 = vector.broadcast %jit3A_210 : f32 to vector<1024x512xf32>
    %select_n3A_212 = arith.select %eq3A_209, %broadcast_in_dim3A_211, %select_n3A_204 : vector<1024x512xi1>, vector<1024x512xf32>
    %reduce_max3A_213 = arith.constant dense<0xFF800000> : vector<1024xf32>
    %reduce_max3A_214 = vector.multi_reduction <maximumf>, %select_n3A_212, %reduce_max3A_213 [1] : vector<1024x512xf32> to vector<1024xf32>
    %broadcast_in_dim3A_215 = vector.shape_cast %reduce_max3A_214 : vector<1024xf32> to vector<1024x1xf32>
    %eq3A_216 = vector.broadcast %broadcast_in_dim3A_215 : vector<1024x1xf32> to vector<1024x512xf32>
    %eq3A_217 = arith.cmpf oeq, %select_n3A_212, %eq3A_216 : vector<1024x512xf32>
    %jit3A_218 = arith.constant -3.000000e+38 : f32
    %broadcast_in_dim3A_219 = vector.broadcast %jit3A_218 : f32 to vector<1024x512xf32>
    %select_n3A_220 = arith.select %eq3A_217, %broadcast_in_dim3A_219, %select_n3A_212 : vector<1024x512xi1>, vector<1024x512xf32>
    %reduce_max3A_221 = arith.constant dense<0xFF800000> : vector<1024xf32>
    %reduce_max3A_222 = vector.multi_reduction <maximumf>, %select_n3A_220, %reduce_max3A_221 [1] : vector<1024x512xf32> to vector<1024xf32>
    %broadcast_in_dim3A_223 = vector.shape_cast %reduce_max3A_222 : vector<1024xf32> to vector<1024x1xf32>
    %eq3A_224 = vector.broadcast %broadcast_in_dim3A_223 : vector<1024x1xf32> to vector<1024x512xf32>
    %eq3A_225 = arith.cmpf oeq, %select_n3A_220, %eq3A_224 : vector<1024x512xf32>
    %jit3A_226 = arith.constant -3.000000e+38 : f32
    %broadcast_in_dim3A_227 = vector.broadcast %jit3A_226 : f32 to vector<1024x512xf32>
    %select_n3A_228 = arith.select %eq3A_225, %broadcast_in_dim3A_227, %select_n3A_220 : vector<1024x512xi1>, vector<1024x512xf32>
    %reduce_max3A_229 = arith.constant dense<0xFF800000> : vector<1024xf32>
    %reduce_max3A_230 = vector.multi_reduction <maximumf>, %select_n3A_228, %reduce_max3A_229 [1] : vector<1024x512xf32> to vector<1024xf32>
    %broadcast_in_dim3A_231 = vector.shape_cast %reduce_max3A_230 : vector<1024xf32> to vector<1024x1xf32>
    %eq3A_232 = vector.broadcast %broadcast_in_dim3A_231 : vector<1024x1xf32> to vector<1024x512xf32>
    %eq3A_233 = arith.cmpf oeq, %select_n3A_228, %eq3A_232 : vector<1024x512xf32>
    %jit3A_234 = arith.constant -3.000000e+38 : f32
    %broadcast_in_dim3A_235 = vector.broadcast %jit3A_234 : f32 to vector<1024x512xf32>
    %select_n3A_236 = arith.select %eq3A_233, %broadcast_in_dim3A_235, %select_n3A_228 : vector<1024x512xi1>, vector<1024x512xf32>
    %reduce_max3A_237 = arith.constant dense<0xFF800000> : vector<1024xf32>
    %reduce_max3A_238 = vector.multi_reduction <maximumf>, %select_n3A_236, %reduce_max3A_237 [1] : vector<1024x512xf32> to vector<1024xf32>
    %broadcast_in_dim3A_239 = vector.shape_cast %reduce_max3A_238 : vector<1024xf32> to vector<1024x1xf32>
    %eq3A_240 = vector.broadcast %broadcast_in_dim3A_239 : vector<1024x1xf32> to vector<1024x512xf32>
    %eq3A_241 = arith.cmpf oeq, %select_n3A_236, %eq3A_240 : vector<1024x512xf32>
    %jit3A_242 = arith.constant -3.000000e+38 : f32
    %broadcast_in_dim3A_243 = vector.broadcast %jit3A_242 : f32 to vector<1024x512xf32>
    %select_n3A_244 = arith.select %eq3A_241, %broadcast_in_dim3A_243, %select_n3A_236 : vector<1024x512xi1>, vector<1024x512xf32>
    %reduce_max3A_245 = arith.constant dense<0xFF800000> : vector<1024xf32>
    %reduce_max3A_246 = vector.multi_reduction <maximumf>, %select_n3A_244, %reduce_max3A_245 [1] : vector<1024x512xf32> to vector<1024xf32>
    %broadcast_in_dim3A_247 = vector.shape_cast %reduce_max3A_246 : vector<1024xf32> to vector<1024x1xf32>
    %swap3A = arith.constant 0 : index
    %swap3A_248 = arith.constant 0 : index
    %swap3A_249 = vector.load %arg1[%swap3A, %swap3A_248] : memref<1024x1xf32, #tpu.memory_space<vmem>>, vector<1024x1xf32>
    tpu.vector_store %arg1[%swap3A, %swap3A_248], %broadcast_in_dim3A_247 {strides = array<i32>} : memref<1024x1xf32, #tpu.memory_space<vmem>>, vector<1024x1xf32>,
    return
  }
}

module attributes {stable_mosaic.version = 14 : i64} {
  func.func @_dec_body(%arg0: memref<1024x256xf32, #tpu.memory_space<vmem>>, %arg1: memref<1024x256xf32, #tpu.memory_space<vmem>>, %arg2: memref<256x1024xf32, #tpu.memory_space<vmem>>, %arg3: memref<256x1024xf32, #tpu.memory_space<vmem>>, %arg4: memref<1x1024xf32, #tpu.memory_space<vmem>>, %arg5: memref<1024x1000xf32, #tpu.memory_space<vmem>>, %arg6: memref<1x1000xf32, #tpu.memory_space<vmem>>, %arg7: memref<1024x1000xf32, #tpu.memory_space<vmem>>) attributes {dimension_semantics = [], scalar_prefetch = 0 : i64, scratch_operands = 0 : i64, tpu.core_type = #tpu.core_type<tc>} {
    %get3A = arith.constant 0 : index
    %get3A_0 = arith.constant 0 : index
    %get3A_1 = vector.load %arg0[%get3A, %get3A_0] : memref<1024x256xf32, #tpu.memory_space<vmem>>, vector<1024x256xf32>
    %get3A_2 = arith.constant 0 : index
    %get3A_3 = arith.constant 0 : index
    %get3A_4 = vector.load %arg2[%get3A_2, %get3A_3] : memref<256x1024xf32, #tpu.memory_space<vmem>>, vector<256x1024xf32>
    %dot_general3A = arith.constant dense<0.000000e+00> : vector<1024x1024xf32>
    %dot_general3A_5 = tpu.matmul %get3A_1, %get3A_4, %dot_general3A {dimension_numbers = #tpu.dot_dimension_numbers<[1], [0], [0], [1], [0, 0, 1, 1], [], []>, transpose_lhs_hint = false} : vector<1024x256xf32>, vector<256x1024xf32>, vector<1024x1024xf32> -> vector<1024x1024xf32>
    %get3A_6 = arith.constant 0 : index
    %get3A_7 = arith.constant 0 : index
    %get3A_8 = vector.load %arg1[%get3A_6, %get3A_7] : memref<1024x256xf32, #tpu.memory_space<vmem>>, vector<1024x256xf32>
    %get3A_9 = arith.constant 0 : index
    %get3A_10 = arith.constant 0 : index
    %get3A_11 = vector.load %arg3[%get3A_9, %get3A_10] : memref<256x1024xf32, #tpu.memory_space<vmem>>, vector<256x1024xf32>
    %dot_general3A_12 = arith.constant dense<0.000000e+00> : vector<1024x1024xf32>
    %dot_general3A_13 = tpu.matmul %get3A_8, %get3A_11, %dot_general3A_12 {dimension_numbers = #tpu.dot_dimension_numbers<[1], [0], [0], [1], [0, 0, 1, 1], [], []>, transpose_lhs_hint = false} : vector<1024x256xf32>, vector<256x1024xf32>, vector<1024x1024xf32> -> vector<1024x1024xf32>
    %add3A = arith.addf %dot_general3A_5, %dot_general3A_13 : vector<1024x1024xf32>
    %get3A_14 = arith.constant 0 : index
    %get3A_15 = arith.constant 0 : index
    %get3A_16 = vector.load %arg4[%get3A_14, %get3A_15] : memref<1x1024xf32, #tpu.memory_space<vmem>>, vector<1x1024xf32>
    %add3A_17 = vector.broadcast %get3A_16 : vector<1x1024xf32> to vector<1024x1024xf32>
    %add3A_18 = arith.addf %add3A, %add3A_17 : vector<1024x1024xf32>
    %max3A = arith.constant 0.000000e+00 : f32
    %max3A_19 = vector.broadcast %max3A : f32 to vector<1024x1024xf32>
    %max3A_20 = arith.maximumf %add3A_18, %max3A_19 : vector<1024x1024xf32>
    %get3A_21 = arith.constant 0 : index
    %get3A_22 = arith.constant 0 : index
    %get3A_23 = vector.load %arg5[%get3A_21, %get3A_22] : memref<1024x1000xf32, #tpu.memory_space<vmem>>, vector<1024x1000xf32>
    %dot_general3A_24 = arith.constant dense<0.000000e+00> : vector<1024x1000xf32>
    %dot_general3A_25 = tpu.matmul %max3A_20, %get3A_23, %dot_general3A_24 {dimension_numbers = #tpu.dot_dimension_numbers<[1], [0], [0], [1], [0, 0, 1, 1], [], []>, transpose_lhs_hint = false} : vector<1024x1024xf32>, vector<1024x1000xf32>, vector<1024x1000xf32> -> vector<1024x1000xf32>
    %get3A_26 = arith.constant 0 : index
    %get3A_27 = arith.constant 0 : index
    %get3A_28 = vector.load %arg6[%get3A_26, %get3A_27] : memref<1x1000xf32, #tpu.memory_space<vmem>>, vector<1x1000xf32>
    %add3A_29 = vector.broadcast %get3A_28 : vector<1x1000xf32> to vector<1024x1000xf32>
    %add3A_30 = arith.addf %dot_general3A_25, %add3A_29 : vector<1024x1000xf32>
    %swap3A = arith.constant 0 : index
    %swap3A_31 = arith.constant 0 : index
    %swap3A_32 = vector.load %arg7[%swap3A, %swap3A_31] : memref<1024x1000xf32, #tpu.memory_space<vmem>>, vector<1024x1000xf32>
    tpu.vector_store %arg7[%swap3A, %swap3A_31], %add3A_30 {strides = array<i32>} : memref<1024x1000xf32, #tpu.memory_space<vmem>>, vector<1024x1000xf32>,
    return
  }
}

</mosaic_0001>

<sc_bundles>
// kernel: kernel.6.cloned.1.call-start
scs
__scs_entry_jumppad:
0x0: {  	(pc) =	sbr.rel $0x88, $3  }
0x1: {  	(tag) =	ssettag $0x0;
	lr =	simm.s32 $0x1  }
0x2: {  	[smem:$0x3F95] =	sst lr;
	_ =	strace $0xD0000000  }
0x3: {  	_ = 	snop  }
0x4: {  	_ = 	snop  }
0x5: {  	_ = 	snop  }
0x6: {  	_ = 	snop  }
0x7: {  	_ = 	snop  }
__scs_overlays_trampoline_lowered:
0x8: {  	[smem:$0x3FA4] =	sst s0  }
0x9: {  	[smem:$0x3FA5] =	sst s1  }
0xa: {  	[smem:$0x3FA6] =	sst s2  }
0xb: {  	[smem:$0x3FA7] =	sst s3  }
0xc: {  	[smem:$0x3FA8] =	sst s4  }
0xd: {  	[smem:$0x3FA9] =	sst s5  }
0xe: {  	[smem:$0x3FAA] =	sst s6  }
0xf: {  	[smem:$0x3FAB] =	sst s7  }
0x10: {  	[smem:$0x3FAC] =	sst s8  }
0x11: {  	[smem:$0x3FAD] =	sst s9;
	s0 =	simm.s32 @!p0 $0x0  }
0x12: {  	s1 =	sld [smem:$0x3F93];
	s0 =	simm.s32 @p0 $0x1  }
0x13: {  	[smem:$0x3FAE] =	sst s0;
	s0 =	simm.s32 @!p1 $0x0  }
0x14: {  	s2 =	sld [smem:$0x3F92];
	s0 =	simm.s32 @p1 $0x1  }
0x15: {  	[smem:$0x3FAF] =	sst s0;
	s0 =	simm.s32 @!p2 $0x0  }
0x16: {  	s3 =	sld [smem:$0x3FDB];
	s0 =	simm.s32 @p2 $0x1  }
0x17: {  	s4 =	simm.s32 $0x1BF5;
	[smem:$0x3FB1] =	sst s0  }
0x18: {  	s0 =	sld [smem:$0x3F94];
	_ =	swait.ge [sflag:s4], $0x0  }
0x19: {  	s7 =	sld [smem:$0x3F95]  }
0x1a: {  	s8 =	sadd.s32 $0xFFFFE003, lr  }
0x1b: {  	s9 =	sadd.s32 $0xFFFFFEF7, lr;
	s5 =	simm.s32 $0xFFFFFFFF;
	p2 =	slt.u32 s8, $0xFFFFF086  }
0x1c: {  	p1 =	slt.u32 s9, $0xF7A;
	s5 =	simm.s32 @!p2 $0x0  }
0x1d: {  	s5 =	simm.s32 @p1 $0x1;
	p0 =	seq.s32 s7, s2  }
0x1e: {  	s7 =	smul.u32 @!p0 $0xF7A, s2;
	p2 =	seq.s32 @!p0 s5, $0x0  }
0x1f: {  	s9 =	smul.u32 $0xF7A, s1;
	s8 =	simm.s32 @!p0 $0x1BF5;
	p2 =	por !p2, p0  }
0x20: {  	[sflag:s8] =	ssyncset.s32 @!p0 $0xFFFFF086;
	s6 =	sadd.s32 @!p0 s3, s7;
	s7 =	simm.s32 @!p0 $0x108  }
0x21: {  	s3 =	sadd.s32 s3, s9;
	s6 =	sadd.s32 @!p0 $0x88, s6;
	s7 =	simm.s32 @p2 $0x1082  }
0x22: {  	[simem:s7], [sflag:s8] =	dma.local @!p0 [hbm:s6], $0xF7A  }
0x23: {  	s9 =	sor.u32 $0xD0000000, s2;
	s6 =	simm.s32 $0x108;
	_ =	swait.ge @!p0 [sflag:s8], $0x0  }
0x24: {  	s3 =	sadd.s32 $0x88, s3;
	s6 =	simm.s32 @!p1 $0x1082;
	[sflag:s4] =	ssyncset.s32 $0xFFFFF086  }
0x25: {  	[simem:s6], [sflag:s4] =	dma.local [hbm:s3], $0xF7A  }
0x26: {  	[smem:$0x3F95] =	sst s1;
	(tag) =	ssettag s2;
	_ =	strace s9  }
0x27: {  	s1 =	sld [smem:$0x3FA5]  }
0x28: {  	s2 =	sld [smem:$0x3FA6]  }
0x29: {  	s4 =	sld [smem:$0x3FA8]  }
0x2a: {  	p0 =	seq.s32 s5, $0x0;
	s5 =	sld [smem:$0x3FA9]  }
0x2b: {  	s6 =	sld [smem:$0x3FAA]  }
0x2c: {  	s7 =	sld [smem:$0x3FAB]  }
0x2d: {  	s3 =	simm.s32 $0x108;
	s8 =	sld [smem:$0x3FAC]  }
0x2e: {  	s3 =	simm.s32 @!p0 $0x1082;
	s9 =	sld [smem:$0x3FAD]  }
0x2f: {  	lr =	sadd.s32 s0, s3;
	s0 =	sld [smem:$0x3FA4]  }
0x30: {  	s3 =	sld [smem:$0x3FA7]  }
0x31: {  	[smem:$0x3FB0] =	sst s10  }
0x32: {  	s10 =	sld [smem:$0x3FAE];
	_ =	sdelay $0x3  }
0x33: {  	p0 =	seq.s32 s10, $0x1;
	s10 =	sld [smem:$0x3FB0];
	_ =	sdelay $0x3  }
0x34: {  	[smem:$0x3FB0] =	sst s10  }
0x35: {  	s10 =	sld [smem:$0x3FAF];
	_ =	sdelay $0x3  }
0x36: {  	p1 =	seq.s32 s10, $0x1;
	s10 =	sld [smem:$0x3FB0];
	_ =	sdelay $0x3  }
0x37: {  	[smem:$0x3FB0] =	sst s10  }
0x38: {  	s10 =	sld [smem:$0x3FB1]  }
0x39: {  	_ = 	snop;
	(pc) =	sbr.ind lr, $3  }
0x3a: {  	_ = 	snop  }
0x3b: {  	_ = 	snop  }
0x3c: {  	p2 =	seq.s32 s10, $0x1;
	s10 =	sld [smem:$0x3FB0]  }
0x3d: {  	_ =	shalt  }
0x3e: {  	_ =	shalt  }
0x3f: {  	_ =	shalt  }
0x40: {  	_ =	shalt  }
0x41: {  	_ =	shalt  }
0x42: {  	_ =	shalt  }
0x43: {  	_ =	shalt  }
0x44: {  	_ =	shalt  }
0x45: {  	_ =	shalt  }
0x46: {  	_ =	shalt  }
0x47: {  	_ =	shalt  }
0x48: {  	_ =	shalt  }
0x49: {  	_ =	shalt  }
0x4a: {  	_ =	shalt  }
0x4b: {  	_ =	shalt  }
0x4c: {  	_ =	shalt  }
0x4d: {  	_ =	shalt  }
0x4e: {  	_ =	shalt  }
0x4f: {  	_ =	shalt  }
0x50: {  	_ =	shalt  }
0x51: {  	_ =	shalt  }
0x52: {  	_ =	shalt  }
0x53: {  	_ =	shalt  }
0x54: {  	_ =	shalt  }
0x55: {  	_ =	shalt  }
0x56: {  	_ =	shalt  }
0x57: {  	_ =	shalt  }
0x58: {  	_ =	shalt  }
0x59: {  	_ =	shalt  }
0x5a: {  	_ =	shalt  }
0x5b: {  	_ =	shalt  }
0x5c: {  	_ =	shalt  }
0x5d: {  	_ =	shalt  }
0x5e: {  	_ =	shalt  }
0x5f: {  	_ =	shalt  }
0x60: {  	_ =	shalt  }
0x61: {  	_ =	shalt  }
0x62: {  	_ =	shalt  }
0x63: {  	_ =	shalt  }
0x64: {  	_ =	shalt  }
0x65: {  	_ =	shalt  }
0x66: {  	_ =	shalt  }
0x67: {  	_ =	shalt  }
0x68: {  	_ =	shalt  }
0x69: {  	_ =	shalt  }
0x6a: {  	_ =	shalt  }
0x6b: {  	_ =	shalt  }
0x6c: {  	_ =	shalt  }
0x6d: {  	_ =	shalt  }
0x6e: {  	_ =	shalt  }
0x6f: {  	_ =	shalt  }
0x70: {  	_ =	shalt  }
0x71: {  	_ =	shalt  }
0x72: {  	_ =	shalt  }
0x73: {  	_ =	shalt  }
0x74: {  	_ =	shalt  }
0x75: {  	_ =	shalt  }
0x76: {  	_ =	shalt  }
0x77: {  	_ =	shalt  }
0x78: {  	_ =	shalt  }
0x79: {  	_ =	shalt  }
0x7a: {  	_ =	shalt  }
0x7b: {  	_ =	shalt  }
0x7c: {  	_ =	shalt  }
0x7d: {  	_ =	shalt  }
0x7e: {  	_ =	shalt  }
0x7f: {  	_ =	shalt  }
0x80: {  	_ =	shalt  }
0x81: {  	_ =	shalt  }
0x82: {  	_ =	shalt  }
0x83: {  	_ =	shalt  }
0x84: {  	_ =	shalt  }
0x85: {  	_ =	shalt  }
0x86: {  	_ =	shalt  }
0x87: {  	_ =	shalt  }
.Lfunc_end0:
.L_simem_size_0:
called_computation_lowered:
.L_overlay_start_0:
0x88: {  	s2 =	sld [smem:$0x3FD9]  }
0x89: {  	s3 =	sld [smem:$0x3FFE];
	_ =	sdelay $0x1  }
0x8a: {  	s1 =	srdreg.scid  }
0x8b: {  	s0 =	sand.u32 $0x1, s1  }
0x8c: {  	s17 =	sshll.u32 s0, $0xA;
	s2 =	sadd.s32 s3, s2  }
0x8d: {  	s2 =	sadd.s32 s2, s17  }
0x8e: {  	[smem:$0x3FBC] =	sst s2  }
0x8f: {  	_ = 	snop  }
0x90: {  	s2 =	sld [smem:$0x3FC5]  }
0x91: {  	s18 =	sld [smem:$0x3FD0];
	(tm) =	ssettm $0x1  }
0x92: {  	s4 =	sld [smem:$0x3FFB];
	_ =	sdelay $0x3  }
0x93: {  	_ =	strace s4  }
0x94: {  	s4 =	sld [smem:$0x3FFC];
	_ =	sdelay $0x3  }
0x95: {  	_ =	strace s4  }
0x96: {  	s4 =	sld [smem:$0x3FFD];
	_ =	sdelay $0x3  }
0x97: {  	_ =	strace s4  }
0x98: {  	_ =	strace $0x8FFFFFFF  }
0x99: {  	s19 =	sld [smem:$0x3FDB];
	_ =	sdelay $0x1  }
0x9a: {  	s5 =	simm.s32 $_scs_section_size  }
0x9b: {  	s6 =	simm.s32 $_size__tile_overlayer_lowered;
	s7 =	simm.s32 $_tile_overlayer_lowered  }
0x9c: {  	s22 =	simm.s32 $0x1BFF;
	s21 =	sshll.u32 s7, $0x1;
	s4 =	sadd.s32 s5, s19  }
0x9d: {  	s8 =	simm.s32 $0x0;
	s20 =	sshll.u32 s6, $0x1;
	s6 =	sadd.s32 s21, s4  }
0x9e: {  	[timem:s8], [sflag:s22] =	dma.local [hbm:s6], s20  }
0x9f: {  	_ =	swait.ge [sflag:s22], s20  }
0xa0: {  	s5 =	ssub.s32 $0x0, s20;
	[sflag:s22] =	ssyncset.done $0x0  }
0xa1: {  	[sflag:s22] =	ssyncadd.s32 s5;
	_ =	sdelay $0x1  }
0xa2: {  	s23 =	simm.s32 $0x1B8B  }
0xa3: {  	_ =	swait.ge [sflag:s23], $0x1  }
0xa4: {  	[sflag:s23] =	ssyncset.done $0x0  }
0xa5: {  	s25 =	simm.s32 $0x1B8E;
	s24 =	sld [smem:$0x3FFE];
	[sflag:s23] =	ssyncadd.s32 $0xFFFFFFFF  }
0xa6: {  	s26 =	simm.s32 $execute0_lowered;
	[smem:$0x3FD2] =	sst s25  }
0xa7: {  	s6 =	sshll.u32 s26, $0x1;
	_ =	strace $0x80000046;
	[dreg:$0x1] =	wrdreg $0xFFFFFFFF  }
0xa8: {  	s28 =	simm.s32 $_size_execute0_lowered;
	s4 =	sadd.s32 s4, s6;
	[dreg:$0x0] =	wrdreg $0x0  }
0xa9: {  	s6 =	sshll.u32 s28, $0x1;
	[dreg:$0x2] =	wrdreg s4  }
0xaa: {  	[dreg:$0x3] =	wrdreg s6  }
0xab: {  	[dreg:$0x4] =	wrdreg $0xC0  }
0xac: {  	_ =	task [dreg:s8], $0x5FFFF  }
0xad: {  	[dreg:$0x1] =	wrdreg $0xFFFFFFFF  }
0xae: {  	[dreg:$0x0] =	wrdreg $0x60  }
0xaf: {  	[dreg:$0x2] =	wrdreg s24  }
0xb0: {  	[dreg:$0x3] =	wrdreg s18  }
0xb1: {  	[dreg:$0x4] =	wrdreg s2  }
0xb2: {  	[dreg:$0x5] =	wrdreg $0x9  }
0xb3: {  	_ =	task.clear_ibuf [dreg:s8], $0x6FFFF;
	_ =	strace $0x90000046  }
0xb4: {  	s29 =	simm.s32 $0x9;
	_ =	strace $0x80000048  }
0xb5: {  	_ =	swait.ge [sflag:s29], $0x1  }
0xb6: {  	[sflag:s29] =	ssyncadd.s32 $0xFFFFFFFF  }
0xb7: {  	_ =	strace $0x90000048  }
0xb8: {  	_ =	sfence  }
0xb9: {  	s30 =	sld [smem:$0x0];
	_ =	sdelay $0x2  }
0xba: {  	s31 =	sshll.u32 s1, $0xD;
	s1 =	sshrl.u32 s1, $0x2  }
0xbb: {  	s3 =	sand.u32 $0x4000, s31;
	s1 =	sadd.s32 s1, s30  }
0xbc: {  	s0 =	sor.u32 s3, s0;
	s1 =	sshll.u32 s1, $0x11  }
0xbd: {  	s0 =	sor.u32 s1, s0  }
0xbe: {  	s0 =	sadd.s32 $0x8F2B, s0  }
0xbf: {  	[sflag:s0] =	ssyncadd.remote.s32 $0x1  }
0xc0: {  	_ =	sfence.sel $0xFFFF  }
0xc1: {  	[dreg:$0x0] =	wrdreg $0xFFFFFFFF;
	(pc) =	sbr.abs _section_cstart, $3  }
0xc2: {  	[dreg:$0x1] =	wrdreg $0xFFFFFFFF  }
0xc3: {  	_ =	task.clear_ibuf [dreg:s8], $0x2FFFF;
	_ =	strace $0x9FFFFFFF  }
0xc4: {  	(tm) =	ssettm $0x7FFFFFFF  }
0xc5: {  	_ =	shalt  }
tec
execute0_lowered:
.L_overlay_start_1:
0x0: {  	(tag) =	ssettag $0x1  }
0x1: {  	s0 =	rddreg [dreg:$0x0]  }
0x2: {  	s1 =	rddreg [dreg:$0x1]  }
0x3: {  	s2 =	rddreg [dreg:$0x2];
	s4 =	srdreg.scid  }
0x4: {  	s11 =	stileid.u32;
	s3 =	simm.s32 $0x0;
	s12 =	simm.s32 $0x2  }
0x5: {  	s13 =	simm.s32 $0x4000;
	s14 =	simm.s32 $0x30;
	s15 =	simm.s32 $0x4100  }
0x6: {  	s16 =	simm.s32 $0x4200;
	s17 =	simm.s32 $0x1;
	s18 =	simm.s32 $0x7500  }
0x7: {  	s19 =	simm.s32 $0x7580;
	s20 =	simm.s32 $0x7200;
	s21 =	simm.s32 $0x7680  }
0x8: {  	s22 =	simm.s32 $0x7E80;
	s23 =	simm.s32 $0x8680;
	s29 =	simm.s32 $0x0  }
0x9: {  	s6 =	sand.u32 $0x1, s4;
	s24 =	sshll.u32 s11, $0x1;
	[smem:$0x7FF] =	sst s3  }
0xa: {  	s4 =	sadd.s32 $0x80DE00, s0;
	s28 =	sshll.u32 s11, $0xF;
	s5 =	sor.u32 s6, s24  }
0xb: {  	_ =	strace $0x80000047;
	s9 =	ssub.s32 $0x2, s6;
	s6 =	sshll.u32 s6, $0xE  }
0xc: {  	s7 =	sshll.u32 s5, $0x2;
	s8 =	sshll.u32 s5, $0xA;
	s25 =	sshrl.u32 s9, $0x1  }
0xd: {  	s10 =	sshll.u32 s5, $0xB;
	s31 =	sor.u32 s6, s28;
	s7 =	sadd.s32 s7, s0  }
0xe: {  	s0 =	sadd.s32 s8, s0;
	s1 =	sadd.s32 s1, s10;
	[dreg:$0x8] =	wrdreg s31  }
.Ltmp0:
0xf: {  	[dreg:$0x4] =	wrdreg s1;
	s26 =	sadd.s32 $0x1E00, s7;
	(pc) =	sbr.rel .LBB2_1-.Ltmp0, $4  }
0x10: {  	s8 =	ssub.s32 s9, s25;
	s0 =	sadd.s32 $0x2000, s0;
	[dreg:$0x5] =	wrdreg s26  }
0x11: {  	v0 =	vlaneseq.u32;
	v1 =	vimm.s32 $0x0;
	s24 =	simm.s32 $0x8E80;
	s30 =	smax.u32 s8, $0x1;
	[dreg:$0x6] =	wrdreg s0  }
0x12: {  	v2 =	vimm.f32 $-3.000000010e+38;
	vm0 =	vmmov $0xffff;
	v4 =	vshrl.u32 v0, $0x3;
	s5 =	sshll.u32 s5, $0x5;
	[dreg:$0x7] =	wrdreg s30;
	s0 =	sor.u32 $0x200, s31  }
0x13: {  	v3 =	vand.u32 $0x7, v0;
	v5 =	vor.u32 $0x8, v0;
	v4 =	vmul.u32 $0x8, v4;
	s25 =	simm.s32 $0x4180;
	s26 =	simm.s32 $0x5A00;
	[dreg:$0x9] =	wrdreg s0  }
.LBB2_39:
0x14: {  	s0 =	rddreg [dreg:$0x6];
	s1 =	simm.s32 $0x9680  }
0x15: {  	[hbm4b:s0+s3] =	stream.linear.scatter [tilespmem:s1], [sflag:$0x2], $0x2000, $0x38;
	[tilespmem:$0xB680] =	vst v63  }
0x16: {  	_ =	swait.ge [sflag:s12], $0x2000  }
0x17: {  	s29 =	sadd.s32 $0x1, s29;
	s31 =	rddreg [dreg:$0x7]  }
0x18: {  	p0 =	sne.s32 s29, s31  }
.Ltmp1:
0x19: {  	_ = 	snop;
	(pc) =	sbr.rel @!p0 .LBB2_40-.Ltmp1, $3  }
0x1a: {  	_ =	sdelay $0x1  }
0x1b: {  	[sflag:s12] =	ssyncset.done $0x0  }
0x1c: {  	[sflag:s12] =	ssyncadd.s32 $0xFFFFE000  }
.LBB2_1:
0x1d: {  	s0 =	rddreg [dreg:$0x4]  }
0x1e: {  	[tilespmem:s3], [sflag:$0x2] =	stream.linear.gather [hbm4b:s0+s3], $0x4000, $0x38;
	[tilespmem:$0xB680] =	vst v63  }
0x1f: {  	_ =	swait.ge [sflag:s12], $0x4000  }
0x20: {  	[sflag:s12] =	ssyncset.done $0x0  }
0x21: {  	s28 =	rddreg [dreg:$0x5];
	[sflag:s12] =	ssyncadd.s32 $0xFFFFC000  }
0x22: {  	[tilespmem:s13], [sflag:$0x2] =	stream.linear.gather [hbm4b:s28+s3], $0x20, $0x38;
	[tilespmem:$0xB680] =	vst v63  }
0x23: {  	_ =	swait.ge [sflag:s12], $0x20  }
0x24: {  	[sflag:s12] =	ssyncset.done $0x0;
	s30 =	rddreg [dreg:$0x9]  }
0x25: {  	s0 =	simm.s32 $0x0;
	s31 =	rddreg [dreg:$0x8];
	[sflag:s12] =	ssyncadd.s32 $0xFFFFFFE0  }
.LBB2_2:
0x26: {  	s1 =	sshll.u32 s0, $0x1  }
0x27: {  	v6 =	vmov s1  }
0x28: {  	v7 =	vbroadcast v6, $0x0;
	_ =	sdelay $0x5  }
0x29: {  	v8 =	vld.idx.msk [tilespmem:v7+s13+$0x0], $0xffff;
	_ =	sdelay $0x1  }
0x2a: {  	s6 =	sor.u32 s5, s1  }
0x2b: {  	s6 =	sshll.u32 s6, $0x9  }
0x2c: {  	v6 =	vmov s6  }
0x2d: {  	s8 =	sshll.u32 s0, $0xA;
	s7 =	simm.s32 $0x0;
	[tilespmem:$0x4080] =	vst v6;
	(xrf0) =	vmax.scan.msk.f32 $0xffff, v8  }
0x2e: {  	s6 =	sand.u32 $0x3FFFFC00, s8;
	s8 =	sand.u32 $0x180, s7;
	[tilespmem:$0x4090] =	vst v6  }
0x2f: {  	s9 =	sand.u32 $0x70, s7;
	s8 =	sadd.s32 s8, s6;
	[tilespmem:$0x40A0] =	vst v6  }
0x30: {  	s8 =	sadd.s32 s9, s8;
	[tilespmem:$0x40B0] =	vst v6  }
0x31: {  	v9 =	vld [tilespmem:s8+$0x0];
	_ =	sdelay $0x1  }
0x32: {  	v8, _, _ =	vpop (xrf0)  }
0x33: {  	v8 =	vbroadcast v8, $0xF;
	_ =	sdelay $0x1  }
0x34: {  	vm1 =	vge.f32 v9, v8  }
0x35: {  	v9 =	vsel vm1, $0x1, v1  }
0x36: {  	(xrf0) =	vadd.scan.msk.s32 $0xffff, v9;
	_ =	sdelay $0x5  }
0x37: {  	s9 =	simm.s32 $0x10;
	v9, _, _ =	vpop (xrf0)  }
0x38: {  	s11 =	sadd.s32 $0x0, s31;
	s10 =	sand.u32 $0x180, s9;
	(v2sf) =	vpush v9, $0xF  }
0x39: {  	s10 =	sadd.s32 s10, s6;
	s8 =	sand.u32 $0x70, s9;
	v9 =	vor.u32 s11, v0  }
0x3a: {  	s8 =	sadd.s32 s8, s10;
	[tilespmem:s7+$0x4080] =	vst.msk vm1, v9  }
0x3b: {  	v9 =	vld [tilespmem:s8+$0x0];
	_ =	sdelay $0x4  }
0x3c: {  	vm1 =	vge.f32 v9, v8  }
0x3d: {  	v9 =	vsel vm1, $0x1, v1  }
0x3e: {  	(xrf0) =	vadd.scan.msk.s32 $0xffff, v9;
	_ =	sdelay $0x4  }
0x3f: {  	s28 =	sadd.s32 $0x10, s31;
	s10 =	spop (v2sf)  }
0x40: {  	s9 =	simm.s32 $0x30;
	s7 =	simm.s32 $0x20;
	v9, _, _ =	vpop (xrf0);
	s8 =	sadd.s32 $0x0, s10  }
0x41: {  	s11 =	sand.u32 $0x70, s7;
	s10 =	sand.u32 $0x180, s7;
	(v2sf) =	vpush v9, $0xF;
	p1 =	slt.s32 s8, $0x30  }
.LBB2_3:
0x42: {  	p0 =	sne.s32 s9, $0x1F0;
	s10 =	sadd.s32 s10, s6;
	v9 =	vor.u32 s28, v0;
	s8 =	simm.s32 @!p1 $0x30  }
0x43: {  	s28 =	smov.u32 s7;
	s7 =	smov.u32 s9;
	s10 =	sadd.s32 s11, s10;
	[tilespmem:s8+$0x4080] =	vst.msk vm1, v9  }
0x44: {  	v9 =	vld [tilespmem:s10+$0x0];
	_ =	sdelay $0x4  }
0x45: {  	vm1 =	vge.f32 v9, v8  }
0x46: {  	v9 =	vsel vm1, $0x1, v1  }
0x47: {  	(xrf0) =	vadd.scan.msk.s32 $0xffff, v9;
	_ =	sdelay $0x2  }
.Ltmp2:
0x48: {  	(pc) =	sbr.rel @p0 .LBB2_3-.Ltmp2, $4  }
0x49: {  	_ = 	snop  }
0x4a: {  	s10 =	spop (v2sf)  }
0x4b: {  	s11 =	sand.u32 $0x70, s9;
	s28 =	sadd.s32 s28, s31;
	v9, _, _ =	vpop (xrf0);
	s8 =	sadd.s32 s8, s10  }
0x4c: {  	s9 =	sadd.s32 $0x10, s9;
	s10 =	sand.u32 $0x180, s7;
	(v2sf) =	vpush v9, $0xF;
	p1 =	slt.s32 s8, $0x30  }
0x4d: {  	s6 =	sadd.s32 s10, s6;
	v9 =	vor.u32 s28, v0;
	s8 =	simm.s32 @!p1 $0x30  }
0x4e: {  	s6 =	sadd.s32 s11, s6;
	[tilespmem:s8+$0x4080] =	vst.msk vm1, v9  }
0x4f: {  	v9 =	vld [tilespmem:s6+$0x0];
	_ =	sdelay $0x4  }
0x50: {  	vm1 =	vge.f32 v9, v8  }
0x51: {  	v8 =	vsel vm1, $0x1, v1  }
0x52: {  	(xrf0) =	vadd.scan.msk.s32 $0xffff, v8;
	_ =	sdelay $0x5  }
0x53: {  	v8, _, _ =	vpop (xrf0)  }
0x54: {  	(v2sf) =	vpush v8, $0xF;
	_ =	sdelay $0x6  }
0x55: {  	s10 =	spop (v2sf)  }
0x56: {  	s6 =	sadd.s32 s8, s10  }
0x57: {  	s7 =	sadd.s32 s7, s31;
	p0 =	slt.s32 s6, $0x30  }
0x58: {  	v8 =	vor.u32 s7, v0;
	s6 =	simm.s32 @!p0 $0x30  }
0x59: {  	[tilespmem:s6+$0x4080] =	vst.msk vm1, v8  }
0x5a: {  	v8 =	vld [tilespmem:$0x4080]  }
0x5b: {  	v63 =	vld [tilespmem:$0x4090]  }
0x5c: {  	v10 =	vld [tilespmem:$0x40A0]  }
0x5d: {  	s11 =	spop (v2sf)  }
0x5e: {  	s6 =	sadd.s32 s6, s11  }
0x5f: {  	[tilespmem:$0x4100] =	vst v8;
	p0 =	slt.s32 s6, $0x30;
	s8 =	smov.u32 s6  }
0x60: {  	[tilespmem:$0x4110] =	vst v63;
	s8 =	simm.s32 @!p0 $0x30;
	p0 =	slt.s32 s6, $0x1  }
.Ltmp3:
0x61: {  	[tilespmem:$0x4120] =	vst v10;
	(pc) =	sbr.rel @p0 .LBB2_11-.Ltmp3, $4  }
0x62: {  	[tilespmem:s16], [sflag:$0x1] =	stream.indirect.gather [hbm4b:s4+s14], $0x80, s15, s14, $0xb8;
	[tilespmem:$0xB680] =	vst v63  }
0x63: {  	_ =	swait.ge [sflag:s17], $0x1800  }
0x64: {  	[sflag:s17] =	ssyncset.done $0x0  }
0x65: {  	s28 =	simm.s32 $0x0;
	s7 =	simm.s32 $0x0;
	[sflag:s17] =	ssyncadd.s32 $0xFFFFE800  }
0x66: {  	_ =	sdelay $0x3  }
0x67: {  	v7 =	vld.idx.msk [tilespmem:v7+s13+$0x0], $0xffff;
	_ =	sdelay $0x4  }
0x68: {  	(xrf0) =	vmax.scan.msk.f32 $0xffff, v7;
	_ =	sdelay $0x2  }
0x69: {  	p1 =	sne.s32 s8, $0x1  }
.Ltmp4:
0x6a: {  	_ = 	snop;
	(pc) =	sbr.rel @!p1 .LBB2_6-.Ltmp4, $4  }
0x6b: {  	_ = 	snop  }
0x6c: {  	v7, _, _ =	vpop (xrf0)  }
0x6d: {  	s6 =	simm.s32 $0x4240;
	v7 =	vbroadcast v7, $0xF  }
0x6e: {  	s7 =	simm.s32 $0x0;
	s8 =	sadd.s32 $0xFFFFFFFF, s8;
	p0 =	por $0x0, $0x0;
	v8 =	vld [tilespmem:s6+$0xFFFFFFC0]  }
0x6f: {  	_ =	sdelay $0x3  }
0x70: {  	vm1 =	vge.f32 v8, v7  }
0x71: {  	v9 =	vor.u32 s7, v0;
	[tilespmem:s7+$0x7200] =	vst.msk vm1, v8;
	v8 =	vsel vm1, $0x1, v1  }
0x72: {  	[tilespmem:s7+$0x7380] =	vst.msk vm1, v9;
	(xrf0) =	vadd.scan.msk.s32 $0xffff, v8  }
0x73: {  	v8 =	vld [tilespmem:s6+$0xFFFFFFD0];
	_ =	sdelay $0x4  }
0x74: {  	vm1 =	vge.f32 v8, v7;
	v9, _, _ =	vpop (xrf0)  }
0x75: {  	v10 =	vsel vm1, $0x1, v1;
	(v2sf) =	vpush v9, $0xF  }
0x76: {  	(xrf0) =	vadd.scan.msk.s32 $0xffff, v10;
	_ =	sdelay $0x5  }
0x77: {  	v9, _, _ =	vpop (xrf0)  }
0x78: {  	(v2sf) =	vpush v9, $0xF;
	_ =	sdelay $0x6  }
0x79: {  	s9 =	spop (v2sf)  }
0x7a: {  	s9 =	sadd.s32 $0x0, s9  }
0x7b: {  	p0 =	slt.s32 s9, $0x100  }
0x7c: {  	s10 =	simm.s32 $0x10;
	s9 =	simm.s32 @!p0 $0x100  }
0x7d: {  	v9 =	vor.u32 s10, v0;
	[tilespmem:s9+$0x7200] =	vst.msk vm1, v8  }
0x7e: {  	[tilespmem:s9+$0x7380] =	vst.msk vm1, v9  }
0x7f: {  	v8 =	vld [tilespmem:s6+$0xFFFFFFE0];
	_ =	sdelay $0x1  }
0x80: {  	s11 =	spop (v2sf)  }
0x81: {  	s9 =	sadd.s32 s9, s11  }
0x82: {  	p0 =	slt.s32 s9, $0x100  }
0x83: {  	s11 =	simm.s32 $0x20;
	s9 =	simm.s32 @!p0 $0x100;
	vm1 =	vge.f32 v8, v7  }
0x84: {  	v9 =	vor.u32 s11, v0;
	[tilespmem:s9+$0x7200] =	vst.msk vm1, v8;
	v8 =	vsel vm1, $0x1, v1  }
0x85: {  	[tilespmem:s9+$0x7380] =	vst.msk vm1, v9;
	(xrf0) =	vadd.scan.msk.s32 $0xffff, v8  }
0x86: {  	v8 =	vld [tilespmem:s6+$0xFFFFFFF0];
	_ =	sdelay $0x4  }
0x87: {  	vm1 =	vge.f32 v8, v7;
	v9, _, _ =	vpop (xrf0)  }
0x88: {  	v10 =	vsel vm1, $0x1, v1;
	(v2sf) =	vpush v9, $0xF  }
0x89: {  	(xrf0) =	vadd.scan.msk.s32 $0xffff, v10;
	_ =	sdelay $0x5  }
0x8a: {  	v9, _, _ =	vpop (xrf0)  }
0x8b: {  	(v2sf) =	vpush v9, $0xF;
	_ =	sdelay $0x6  }
0x8c: {  	s11 =	spop (v2sf)  }
0x8d: {  	s9 =	sadd.s32 s9, s11  }
0x8e: {  	p0 =	slt.s32 s9, $0x100  }
0x8f: {  	s11 =	simm.s32 $0x30;
	s9 =	simm.s32 @!p0 $0x100  }
0x90: {  	v9 =	vor.u32 s11, v0;
	[tilespmem:s9+$0x7200] =	vst.msk vm1, v8  }
0x91: {  	[tilespmem:s9+$0x7380] =	vst.msk vm1, v9  }
0x92: {  	v8 =	vld [tilespmem:s6+$0x0];
	_ =	sdelay $0x1  }
0x93: {  	s11 =	spop (v2sf)  }
0x94: {  	s9 =	sadd.s32 s9, s11  }
0x95: {  	p0 =	slt.s32 s9, $0x100  }
0x96: {  	s11 =	simm.s32 $0x40;
	s9 =	simm.s32 @!p0 $0x100;
	vm1 =	vge.f32 v8, v7  }
0x97: {  	v9 =	vor.u32 s11, v0;
	[tilespmem:s9+$0x7200] =	vst.msk vm1, v8;
	v8 =	vsel vm1, $0x1, v1  }
0x98: {  	[tilespmem:s9+$0x7380] =	vst.msk vm1, v9;
	(xrf0) =	vadd.scan.msk.s32 $0xffff, v8  }
0x99: {  	v8 =	vld [tilespmem:s6+$0x10];
	_ =	sdelay $0x4  }
0x9a: {  	vm1 =	vge.f32 v8, v7;
	v9, _, _ =	vpop (xrf0)  }
0x9b: {  	v10 =	vsel vm1, $0x1, v1;
	(v2sf) =	vpush v9, $0xF  }
0x9c: {  	(xrf0) =	vadd.scan.msk.s32 $0xffff, v10;
	_ =	sdelay $0x5  }
0x9d: {  	v9, _, _ =	vpop (xrf0)  }
0x9e: {  	(v2sf) =	vpush v9, $0xF;
	_ =	sdelay $0x6  }
0x9f: {  	s11 =	spop (v2sf)  }
0xa0: {  	s9 =	sadd.s32 s9, s11  }
0xa1: {  	p0 =	slt.s32 s9, $0x100  }
0xa2: {  	s11 =	simm.s32 $0x50;
	s9 =	simm.s32 @!p0 $0x100  }
0xa3: {  	v9 =	vor.u32 s11, v0;
	[tilespmem:s9+$0x7200] =	vst.msk vm1, v8  }
0xa4: {  	[tilespmem:s9+$0x7380] =	vst.msk vm1, v9  }
0xa5: {  	v8 =	vld [tilespmem:s6+$0x20];
	_ =	sdelay $0x1  }
0xa6: {  	s11 =	spop (v2sf)  }
0xa7: {  	s9 =	sadd.s32 s9, s11  }
0xa8: {  	p0 =	slt.s32 s9, $0x100  }
0xa9: {  	s11 =	simm.s32 $0x60;
	s9 =	simm.s32 @!p0 $0x100;
	vm1 =	vge.f32 v8, v7  }
0xaa: {  	v9 =	vor.u32 s11, v0;
	[tilespmem:s9+$0x7200] =	vst.msk vm1, v8  }
0xab: {  	[tilespmem:s9+$0x7380] =	vst.msk vm1, v9  }
0xac: {  	v8 =	vld [tilespmem:s6+$0x30];
	_ =	sdelay $0x1  }
0xad: {  	v9 =	vsel vm1, $0x1, v1  }
0xae: {  	(xrf0) =	vadd.scan.msk.s32 $0xffff, v9;
	_ =	sdelay $0x1  }
0xaf: {  	vm1 =	vge.f32 v8, v7  }
0xb0: {  	v9 =	vsel vm1, $0x1, v1;
	_ =	sdelay $0x2  }
0xb1: {  	(xrf0) =	vadd.scan.msk.s32 $0xffff, v9;
	v9, _, _ =	vpop (xrf0)  }
0xb2: {  	(v2sf) =	vpush v9, $0xF;
	_ =	sdelay $0x6  }
0xb3: {  	v9, _, _ =	vpop (xrf0)  }
0xb4: {  	(v2sf) =	vpush v9, $0xF;
	_ =	sdelay $0x6  }
0xb5: {  	s10 =	spop (v2sf)  }
0xb6: {  	s10 =	sadd.s32 s9, s10  }
0xb7: {  	p0 =	slt.s32 s10, $0x100  }
0xb8: {  	s11 =	simm.s32 $0x70;
	s10 =	simm.s32 @!p0 $0x100  }
0xb9: {  	v9 =	vor.u32 s11, v0;
	[tilespmem:s10+$0x7200] =	vst.msk vm1, v8  }
0xba: {  	p1 =	sne.s32 s8, $0x1;
	s6 =	simm.s32 $0x42C0;
	[tilespmem:s10+$0x7380] =	vst.msk vm1, v9  }
.Ltmp5:
0xbb: {  	v8 =	vld [tilespmem:s6+$0xFFFFFFC0];
	(pc) =	sbr.rel @!p1 .LBB2_8-.Ltmp5, $4  }
0xbc: {  	_ = 	snop  }
0xbd: {  	s11 =	spop (v2sf)  }
0xbe: {  	s9 =	sadd.s32 $0xFFFFFFFF, s8;
	s11 =	sadd.s32 s10, s11  }
0xbf: {  	s8 =	simm.s32 $0x0;
	p0 =	por $0x1, $0x1;
	p2 =	slt.s32 s11, $0x100  }
.LBB2_9:
0xc0: {  	p1 =	sne.s32 s9, $0x1;
	vm1 =	vge.f32 v8, v7;
	s11 =	simm.s32 @!p2 $0x100;
	s8 =	sadd.s32 $0x80, s8  }
0xc1: {  	s9 =	sadd.s32 $0xFFFFFFFF, s9;
	v9 =	vor.u32 s8, v0;
	[tilespmem:s11+$0x7200] =	vst.msk vm1, v8;
	v8 =	vsel vm1, $0x1, v1  }
0xc2: {  	[tilespmem:s11+$0x7380] =	vst.msk vm1, v9;
	(xrf0) =	vadd.scan.msk.s32 $0xffff, v8  }
0xc3: {  	v8 =	vld [tilespmem:s6+$0xFFFFFFD0];
	_ =	sdelay $0x4  }
0xc4: {  	vm1 =	vge.f32 v8, v7;
	v9, _, _ =	vpop (xrf0)  }
0xc5: {  	v10 =	vsel vm1, $0x1, v1;
	(v2sf) =	vpush v9, $0xF  }
0xc6: {  	(xrf0) =	vadd.scan.msk.s32 $0xffff, v10;
	_ =	sdelay $0x5  }
0xc7: {  	v9, _, _ =	vpop (xrf0)  }
0xc8: {  	(v2sf) =	vpush v9, $0xF;
	_ =	sdelay $0x6  }
0xc9: {  	s10 =	spop (v2sf)  }
0xca: {  	s10 =	sadd.s32 s11, s10  }
0xcb: {  	p2 =	slt.s32 s10, $0x100  }
0xcc: {  	s11 =	sadd.s32 $0x10, s8;
	s10 =	simm.s32 @!p2 $0x100  }
0xcd: {  	v9 =	vor.u32 s11, v0;
	[tilespmem:s10+$0x7200] =	vst.msk vm1, v8  }
0xce: {  	[tilespmem:s10+$0x7380] =	vst.msk vm1, v9  }
0xcf: {  	v8 =	vld [tilespmem:s6+$0xFFFFFFE0];
	_ =	sdelay $0x1  }
0xd0: {  	s11 =	spop (v2sf)  }
0xd1: {  	s10 =	sadd.s32 s10, s11  }
0xd2: {  	p2 =	slt.s32 s10, $0x100  }
0xd3: {  	s11 =	sadd.s32 $0x20, s8;
	s10 =	simm.s32 @!p2 $0x100;
	vm1 =	vge.f32 v8, v7  }
0xd4: {  	v9 =	vor.u32 s11, v0;
	[tilespmem:s10+$0x7200] =	vst.msk vm1, v8;
	v8 =	vsel vm1, $0x1, v1  }
0xd5: {  	[tilespmem:s10+$0x7380] =	vst.msk vm1, v9;
	(xrf0) =	vadd.scan.msk.s32 $0xffff, v8  }
0xd6: {  	v8 =	vld [tilespmem:s6+$0xFFFFFFF0];
	_ =	sdelay $0x4  }
0xd7: {  	vm1 =	vge.f32 v8, v7;
	v9, _, _ =	vpop (xrf0)  }
0xd8: {  	v10 =	vsel vm1, $0x1, v1;
	(v2sf) =	vpush v9, $0xF  }
0xd9: {  	(xrf0) =	vadd.scan.msk.s32 $0xffff, v10;
	_ =	sdelay $0x5  }
0xda: {  	v9, _, _ =	vpop (xrf0)  }
0xdb: {  	(v2sf) =	vpush v9, $0xF;
	_ =	sdelay $0x6  }
0xdc: {  	s11 =	spop (v2sf)  }
0xdd: {  	s10 =	sadd.s32 s10, s11  }
0xde: {  	p2 =	slt.s32 s10, $0x100  }
0xdf: {  	s11 =	sadd.s32 $0x30, s8;
	s10 =	simm.s32 @!p2 $0x100  }
0xe0: {  	v9 =	vor.u32 s11, v0;
	[tilespmem:s10+$0x7200] =	vst.msk vm1, v8  }
0xe1: {  	[tilespmem:s10+$0x7380] =	vst.msk vm1, v9  }
0xe2: {  	v8 =	vld [tilespmem:s6+$0x0];
	_ =	sdelay $0x1  }
0xe3: {  	s11 =	spop (v2sf)  }
0xe4: {  	s10 =	sadd.s32 s10, s11  }
0xe5: {  	p2 =	slt.s32 s10, $0x100  }
0xe6: {  	s11 =	sadd.s32 $0x40, s8;
	s10 =	simm.s32 @!p2 $0x100;
	vm1 =	vge.f32 v8, v7  }
0xe7: {  	v9 =	vor.u32 s11, v0;
	[tilespmem:s10+$0x7200] =	vst.msk vm1, v8;
	v8 =	vsel vm1, $0x1, v1  }
0xe8: {  	[tilespmem:s10+$0x7380] =	vst.msk vm1, v9;
	(xrf0) =	vadd.scan.msk.s32 $0xffff, v8  }
0xe9: {  	v8 =	vld [tilespmem:s6+$0x10];
	_ =	sdelay $0x4  }
0xea: {  	vm1 =	vge.f32 v8, v7;
	v9, _, _ =	vpop (xrf0)  }
0xeb: {  	v10 =	vsel vm1, $0x1, v1;
	(v2sf) =	vpush v9, $0xF  }
0xec: {  	(xrf0) =	vadd.scan.msk.s32 $0xffff, v10;
	_ =	sdelay $0x5  }
0xed: {  	v9, _, _ =	vpop (xrf0)  }
0xee: {  	(v2sf) =	vpush v9, $0xF;
	_ =	sdelay $0x6  }
0xef: {  	s11 =	spop (v2sf)  }
0xf0: {  	s10 =	sadd.s32 s10, s11  }
0xf1: {  	p2 =	slt.s32 s10, $0x100  }
0xf2: {  	s11 =	sadd.s32 $0x50, s8;
	s10 =	simm.s32 @!p2 $0x100  }
0xf3: {  	v9 =	vor.u32 s11, v0;
	[tilespmem:s10+$0x7200] =	vst.msk vm1, v8  }
0xf4: {  	[tilespmem:s10+$0x7380] =	vst.msk vm1, v9  }
0xf5: {  	v8 =	vld [tilespmem:s6+$0x20];
	_ =	sdelay $0x1  }
0xf6: {  	s11 =	spop (v2sf)  }
0xf7: {  	s10 =	sadd.s32 s10, s11  }
0xf8: {  	p2 =	slt.s32 s10, $0x100  }
0xf9: {  	s11 =	sadd.s32 $0x60, s8;
	s10 =	simm.s32 @!p2 $0x100;
	vm1 =	vge.f32 v8, v7  }
0xfa: {  	v9 =	vor.u32 s11, v0;
	[tilespmem:s10+$0x7200] =	vst.msk vm1, v8;
	v8 =	vsel vm1, $0x1, v1  }
0xfb: {  	[tilespmem:s10+$0x7380] =	vst.msk vm1, v9;
	(xrf0) =	vadd.scan.msk.s32 $0xffff, v8  }
0xfc: {  	v8 =	vld [tilespmem:s6+$0x30];
	_ =	sdelay $0x4  }
0xfd: {  	vm1 =	vge.f32 v8, v7;
	v9, _, _ =	vpop (xrf0)  }
0xfe: {  	v10 =	vsel vm1, $0x1, v1;
	(v2sf) =	vpush v9, $0xF  }
0xff: {  	(xrf0) =	vadd.scan.msk.s32 $0xffff, v10;
	_ =	sdelay $0x5  }
0x100: {  	v9, _, _ =	vpop (xrf0)  }
0x101: {  	(v2sf) =	vpush v9, $0xF;
	_ =	sdelay $0x6  }
0x102: {  	s11 =	spop (v2sf)  }
0x103: {  	s10 =	sadd.s32 s10, s11  }
0x104: {  	p2 =	slt.s32 s10, $0x100  }
0x105: {  	s11 =	sadd.s32 $0x70, s8;
	s10 =	simm.s32 @!p2 $0x100  }
0x106: {  	v9 =	vor.u32 s11, v0;
	[tilespmem:s10+$0x7200] =	vst.msk vm1, v8  }
0x107: {  	s6 =	sadd.s32 $0x80, s6;
	[tilespmem:s10+$0x7380] =	vst.msk vm1, v9  }
.Ltmp6:
0x108: {  	v8 =	vld [tilespmem:s6+$0xFFFFFFC0];
	(pc) =	sbr.rel @p1 .LBB2_9-.Ltmp6, $4  }
0x109: {  	_ = 	snop  }
0x10a: {  	s11 =	spop (v2sf)  }
0x10b: {  	s11 =	sadd.s32 s10, s11  }
0x10c: {  	p2 =	slt.s32 s11, $0x100  }
.LBB2_10:
0x10d: {  	p1 =	por !p2, !p0  }
0x10e: {  	s9 =	sadd.s32 @p0 $0x80, s8;
	s8 =	simm.s32 $0x0;
	s11 =	simm.s32 @p1 $0x100  }
0x10f: {  	vm1 =	vge.f32 v8, v7;
	s8 =	smov.u32 @p0 s9;
	s7 =	smov.u32 @p0 s11  }
0x110: {  	v9 =	vor.u32 s8, v0;
	[tilespmem:s7+$0x7200] =	vst.msk vm1, v8;
	v8 =	vsel vm1, $0x1, v1  }
0x111: {  	[tilespmem:s7+$0x7380] =	vst.msk vm1, v9;
	(xrf0) =	vadd.scan.msk.s32 $0xffff, v8  }
0x112: {  	v8 =	vld [tilespmem:s6+$0xFFFFFFD0];
	_ =	sdelay $0x4  }
0x113: {  	vm1 =	vge.f32 v8, v7;
	v49, _, _ =	vpop (xrf0)  }
0x114: {  	v10 =	vsel vm1, $0x1, v1;
	(v2sf) =	vpush v49, $0xF  }
0x115: {  	(xrf0) =	vadd.scan.msk.s32 $0xffff, v10;
	_ =	sdelay $0x5  }
0x116: {  	v50, _, _ =	vpop (xrf0)  }
0x117: {  	(v2sf) =	vpush v50, $0xF;
	_ =	sdelay $0x6  }
0x118: {  	s10 =	spop (v2sf)  }
0x119: {  	s7 =	sadd.s32 s7, s10  }
0x11a: {  	p0 =	slt.s32 s7, $0x100  }
0x11b: {  	s11 =	sadd.s32 $0x10, s8;
	s7 =	simm.s32 @!p0 $0x100  }
0x11c: {  	v51 =	vor.u32 s11, v0;
	[tilespmem:s7+$0x7200] =	vst.msk vm1, v8  }
0x11d: {  	[tilespmem:s7+$0x7380] =	vst.msk vm1, v51  }
0x11e: {  	v8 =	vld [tilespmem:s6+$0xFFFFFFE0];
	_ =	sdelay $0x1  }
0x11f: {  	s10 =	spop (v2sf)  }
0x120: {  	s7 =	sadd.s32 s7, s10  }
0x121: {  	p0 =	slt.s32 s7, $0x100  }
0x122: {  	s11 =	sadd.s32 $0x20, s8;
	s7 =	simm.s32 @!p0 $0x100;
	vm1 =	vge.f32 v8, v7  }
0x123: {  	v52 =	vor.u32 s11, v0;
	[tilespmem:s7+$0x7200] =	vst.msk vm1, v8;
	v8 =	vsel vm1, $0x1, v1  }
0x124: {  	[tilespmem:s7+$0x7380] =	vst.msk vm1, v52;
	(xrf0) =	vadd.scan.msk.s32 $0xffff, v8  }
0x125: {  	v8 =	vld [tilespmem:s6+$0xFFFFFFF0];
	_ =	sdelay $0x4  }
0x126: {  	vm1 =	vge.f32 v8, v7;
	v53, _, _ =	vpop (xrf0)  }
0x127: {  	v54 =	vsel vm1, $0x1, v1;
	(v2sf) =	vpush v53, $0xF  }
0x128: {  	(xrf0) =	vadd.scan.msk.s32 $0xffff, v54;
	_ =	sdelay $0x5  }
0x129: {  	v55, _, _ =	vpop (xrf0)  }
0x12a: {  	(v2sf) =	vpush v55, $0xF;
	_ =	sdelay $0x6  }
0x12b: {  	s10 =	spop (v2sf)  }
0x12c: {  	s7 =	sadd.s32 s7, s10  }
0x12d: {  	p0 =	slt.s32 s7, $0x100  }
0x12e: {  	s11 =	sadd.s32 $0x30, s8;
	s7 =	simm.s32 @!p0 $0x100  }
0x12f: {  	v56 =	vor.u32 s11, v0;
	[tilespmem:s7+$0x7200] =	vst.msk vm1, v8  }
0x130: {  	[tilespmem:s7+$0x7380] =	vst.msk vm1, v56  }
0x131: {  	v8 =	vld [tilespmem:s6+$0x0];
	_ =	sdelay $0x1  }
0x132: {  	s10 =	spop (v2sf)  }
0x133: {  	s7 =	sadd.s32 s7, s10  }
0x134: {  	p0 =	slt.s32 s7, $0x100  }
0x135: {  	s11 =	sadd.s32 $0x40, s8;
	s7 =	simm.s32 @!p0 $0x100;
	vm1 =	vge.f32 v8, v7  }
0x136: {  	v57 =	vor.u32 s11, v0;
	[tilespmem:s7+$0x7200] =	vst.msk vm1, v8;
	v8 =	vsel vm1, $0x1, v1  }
0x137: {  	[tilespmem:s7+$0x7380] =	vst.msk vm1, v57;
	(xrf0) =	vadd.scan.msk.s32 $0xffff, v8  }
0x138: {  	v8 =	vld [tilespmem:s6+$0x10];
	_ =	sdelay $0x4  }
0x139: {  	vm1 =	vge.f32 v8, v7;
	v58, _, _ =	vpop (xrf0)  }
0x13a: {  	v59 =	vsel vm1, $0x1, v1;
	(v2sf) =	vpush v58, $0xF  }
0x13b: {  	(xrf0) =	vadd.scan.msk.s32 $0xffff, v59;
	_ =	sdelay $0x5  }
0x13c: {  	v60, _, _ =	vpop (xrf0)  }
0x13d: {  	(v2sf) =	vpush v60, $0xF;
	_ =	sdelay $0x6  }
0x13e: {  	s10 =	spop (v2sf)  }
0x13f: {  	s7 =	sadd.s32 s7, s10  }
0x140: {  	p0 =	slt.s32 s7, $0x100  }
0x141: {  	s11 =	sadd.s32 $0x50, s8;
	s7 =	simm.s32 @!p0 $0x100  }
0x142: {  	v61 =	vor.u32 s11, v0;
	[tilespmem:s7+$0x7200] =	vst.msk vm1, v8  }
0x143: {  	[tilespmem:s7+$0x7380] =	vst.msk vm1, v61  }
0x144: {  	v8 =	vld [tilespmem:s6+$0x20];
	_ =	sdelay $0x1  }
0x145: {  	s10 =	spop (v2sf)  }
0x146: {  	s7 =	sadd.s32 s7, s10  }
0x147: {  	p0 =	slt.s32 s7, $0x100  }
0x148: {  	s11 =	sadd.s32 $0x60, s8;
	s7 =	simm.s32 @!p0 $0x100;
	vm1 =	vge.f32 v8, v7  }
0x149: {  	v62 =	vor.u32 s11, v0;
	[tilespmem:s7+$0x7200] =	vst.msk vm1, v8  }
0x14a: {  	[tilespmem:s7+$0x7380] =	vst.msk vm1, v62  }
0x14b: {  	v8 =	vld [tilespmem:s6+$0x30];
	_ =	sdelay $0x2  }
0x14c: {  	v63 =	vsel vm1, $0x1, v1  }
0x14d: {  	(xrf0) =	vadd.scan.msk.s32 $0xffff, v63  }
0x14e: {  	vm1 =	vge.f32 v8, v7  }
0x14f: {  	v7 =	vsel vm1, $0x1, v1  }
0x150: {  	(xrf0) =	vadd.scan.msk.s32 $0xffff, v7;
	_ =	sdelay $0x2  }
0x151: {  	v7, _, _ =	vpop (xrf0)  }
0x152: {  	(v2sf) =	vpush v7, $0xF;
	_ =	sdelay $0x1  }
0x153: {  	v7, _, _ =	vpop (xrf0)  }
0x154: {  	(v2sf) =	vpush v7, $0xF;
	_ =	sdelay $0xb  }
0x155: {  	s10 =	spop (v2sf)  }
0x156: {  	s6 =	sadd.s32 s7, s10  }
0x157: {  	p0 =	slt.s32 s6, $0x100  }
0x158: {  	s6 =	simm.s32 @!p0 $0x100;
	s11 =	spop (v2sf)  }
0x159: {  	s8 =	sadd.s32 $0x70, s8;
	s7 =	sadd.s32 s6, s11  }
0x15a: {  	v7 =	vor.u32 s8, v0;
	[tilespmem:s6+$0x7200] =	vst.msk vm1, v8;
	p0 =	slt.s32 s7, $0x100  }
0x15b: {  	[tilespmem:s6+$0x7380] =	vst.msk vm1, v7;
	s7 =	simm.s32 @!p0 $0x100  }
.LBB2_11:
.Ltmp7:
0x15c: {  	(pc) =	sbr.rel .LBB2_12-.Ltmp7, $4  }
0x15d: {  	_ = 	snop  }
0x15e: {  	s6 =	sadd.s32 $0xF, s7  }
0x15f: {  	[tilespmem:s7+$0x7200] =	vst v2;
	s6 =	sshra.s32 s6, $0x4  }
0x160: {  	[tilespmem:s7+$0x7380] =	vst v1;
	p0 =	slt.s32 s6, $0x1  }
.LBB2_13:
0x161: {  	v8 =	vimm.s32 $0x80000000;
	v9 =	vimm.s32 $0x80000000  }
.LBB2_17:
0x162: {  	(xrf0) =	vmax.scan.msk.f32 $0xffff, v7;
	_ =	sdelay $0x5  }
0x163: {  	v10, _, _ =	vpop (xrf0)  }
0x164: {  	v10 =	vbroadcast v10, $0xF;
	_ =	sdelay $0x1  }
0x165: {  	vm1 =	veq.f32 v7, v10  }
0x166: {  	v7 =	vnsel vm1, $0xC0000000, v8  }
0x167: {  	(xrf0) =	vmin.scan.msk.u32 $0xffff, v7;
	v7 =	vnsel vm1, $0xC0000000, v9  }
0x168: {  	(xrf0) =	vmin.scan.msk.u32 $0xffff, v7;
	_ =	sdelay $0x4  }
0x169: {  	v7, _, _ =	vpop (xrf0)  }
0x16a: {  	(v2sf) =	vpush v7, $0xF;
	v7, _, _ =	vpop (xrf0)  }
0x16b: {  	(v2sf) =	vpush v7, $0xF;
	_ =	sdelay $0xd  }
0x16c: {  	s7 =	spop (v2sf)  }
0x16d: {  	v7 =	vmov s28;
	s8 =	spop (v2sf)  }
0x16e: {  	s28 =	sadd.s32 $0x1, s28;
	s8 =	sxor.u32 $0x80000000, s8  }
0x16f: {  	p1 =	sne.s32 s28, $0x20;
	v8 =	vmov s8  }
.Ltmp8:
0x170: {  	_ = 	snop;
	(pc) =	sbr.rel @!p1 .LBB2_18-.Ltmp8, $4  }
0x171: {  	s7 =	sxor.u32 $0x80000000, s7  }
0x172: {  	[tilespmem:v7+s18+$0x0] =	vst.idx.msk $0x1, v10;
	v63 =	vmov s7  }
0x173: {  	[tilespmem:v7+s19+$0x0] =	vst.idx.msk $0x1, v63  }
0x174: {  	[tilespmem:v8+s20+$0x0] =	vst.idx.msk $0x1, v2  }
.LBB2_12:
.Ltmp9:
0x175: {  	(pc) =	sbr.rel @p0 .LBB2_13-.Ltmp9, $2  }
0x176: {  	_ =	sdelay $0x2  }
0x177: {  	v7 =	vimm.f32 $-3.000000010e+38  }
0x178: {  	s7 =	simm.s32 $0x7200  }
0x179: {  	p1 =	sne.s32 s6, $0x1;
	v8 =	vld [tilespmem:s7+$0x0];
	s7 =	simm.s32 $0x7380  }
.Ltmp10:
0x17a: {  	v11 =	vld [tilespmem:s7+$0x0];
	(pc) =	sbr.rel @!p1 .LBB2_16-.Ltmp10, $3  }
0x17b: {  	_ =	sdelay $0x1  }
0x17c: {  	v9 =	vimm.s32 $0x0;
	s8 =	simm.s32 $0x0  }
0x17d: {  	s9 =	sadd.s32 $0xFFFFFFFF, s6;
	s11 =	simm.s32 $0x7210;
	v10 =	vimm.s32 $0x0;
	v12 =	vor.u32 s8, v0;
	vm1 =	vgt.f32 v8, v7  }
.LBB2_15:
0x17e: {  	p1 =	sne.s32 s9, $0x1;
	s9 =	sadd.s32 $0xFFFFFFFF, s9;
	v7 =	vsel vm1, v8, v7;
	v8 =	vld [tilespmem:s11+$0x0];
	v9 =	vsel vm1, v11, v9;
	v10 =	vsel vm1, v12, v10;
	s7 =	sadd.s32 $0x10, s7  }
.Ltmp11:
0x17f: {  	v11 =	vld [tilespmem:s7+$0x0];
	(pc) =	sbr.rel @p1 .LBB2_15-.Ltmp11, $3  }
0x180: {  	_ =	sdelay $0x1  }
0x181: {  	s8 =	sadd.s32 $0x10, s8  }
0x182: {  	s11 =	sadd.s32 $0x10, s11;
	v12 =	vor.u32 s8, v0;
	vm1 =	vgt.f32 v8, v7  }
.LBB2_16:
.Ltmp12:
0x183: {  	(pc) =	sbr.rel .LBB2_17-.Ltmp12, $3  }
0x184: {  	_ =	sdelay $0x1  }
0x185: {  	v9 =	vsel vm1, v11, v9;
	v10 =	vsel vm1, v12, v10  }
0x186: {  	v7 =	vsel vm1, v8, v7;
	v8 =	vxor.u32 $0x80000000, v9;
	v9 =	vxor.u32 $0x80000000, v10  }
.LBB2_18:
0x187: {  	v7 =	vld [tilespmem:$0x7500]  }
0x188: {  	v8 =	vld [tilespmem:$0x7510];
	_ =	sdelay $0x3  }
0x189: {  	(xrf2) =	vadd.scan.msk.f32 $0xffff, v7  }
0x18a: {  	(xrf2) =	vadd.scan.msk.f32 $0xffff, v8;
	_ =	sdelay $0x8  }
0x18b: {  	v9, _, _ =	vpop (xrf2)  }
0x18c: {  	(v2sf) =	vpush v9, $0xF;
	v9, _, _ =	vpop (xrf2)  }
0x18d: {  	(v2sf) =	vpush v9, $0xF;
	_ =	sdelay $0xd  }
0x18e: {  	s6 =	spop (v2sf)  }
0x18f: {  	s7 =	spop (v2sf)  }
0x190: {  	s6 =	sadd.f32 s7, s6;
	_ =	sdelay $0x1  }
0x191: {  	s6 =	sadd.f32 $9.999999930e-09, s6;
	_ =	sdelay $0x1  }
0x192: {  	v9 =	vmov s6  }
0x193: {  	(erf) = vrcp.f32 v9;
	_ =	sdelay $0x3  }
0x194: {  	v9 =	vld [tilespmem:$0x7580];
	_ =	sdelay $0x4  }
0x195: {  	v11 =	vshra.s32 v9, $0x7;
	v10 =	vpop (erf)  }
0x196: {  	v7 =	vmul.f32 v10, v7  }
0x197: {  	v8 =	vmul.f32 v10, v8  }
0x198: {  	[tilespmem:$0x7500] =	vst v7  }
0x199: {  	[tilespmem:$0x7510] =	vst v8;
	v7 =	vld [tilespmem:$0x7590]  }
0x19a: {  	v8 =	vld.idx.msk [tilespmem:v11+s15+$0x0], $0xffff;
	_ =	sdelay $0x3  }
0x19b: {  	v10 =	vshra.s32 v7, $0x7  }
0x19c: {  	v8 =	vsub.s32 v8, v6  }
0x19d: {  	v11 =	vand.u32 $0x7F, v9;
	v8 =	vshll.u32 v8, $0x7  }
0x19e: {  	v8 =	vor.u32 v11, v8  }
0x19f: {  	v11 =	vshll.u32 v8, $0x1  }
0x1a0: {  	v9 =	vand.u32 $0x7, v9;
	v10 =	vld.idx.msk [tilespmem:v10+s15+$0x0], $0xffff;
	v11 =	vand.u32 $0xFFFFFFF0, v11  }
0x1a1: {  	v9 =	vor.u32 v9, v11  }
0x1a2: {  	v11 =	vperm.xlane v9, v3;
	_ =	sdelay $0x1  }
0x1a3: {  	v9 =	vperm.xlane v9, v5;
	v11 =	vadd.s32 v4, v11  }
0x1a4: {  	v6 =	vsub.s32 v10, v6  }
0x1a5: {  	v7 =	vand.u32 $0x7F, v7;
	v9 =	vadd.s32 v4, v9;
	v6 =	vshll.u32 v6, $0x7  }
0x1a6: {  	[tilespmem:$0x7600] =	vst v8;
	v6 =	vor.u32 v7, v6  }
0x1a7: {  	s9 =	simm.s32 $0x0;
	[tilespmem:$0x7610] =	vst v6  }
0x1a8: {  	[tilespmem:s21], [sflag:$0x1] =	stream.indirect_vreg.gather [hbm4b:s2+s9], $0x80, v11, vm0, $0xb8;
	[tilespmem:$0xB680] =	vst v63  }
0x1a9: {  	_ = 	snop  }
0x1aa: {  	[tilespmem:s22], [sflag:$0x1] =	stream.indirect_vreg.gather [hbm4b:s2+s9], $0x80, v9, vm0, $0xb8;
	[tilespmem:$0xB680] =	vst v63  }
0x1ab: {  	v6 =	vld [tilespmem:$0x7610];
	_ =	sdelay $0x4  }
0x1ac: {  	v7 =	vshll.u32 v6, $0x1  }
0x1ad: {  	v6 =	vand.u32 $0x7, v6;
	v7 =	vand.u32 $0xFFFFFFF0, v7  }
0x1ae: {  	v6 =	vor.u32 v6, v7  }
0x1af: {  	v7 =	vperm.xlane v6, v3;
	_ =	sdelay $0x1  }
0x1b0: {  	v6 =	vperm.xlane v6, v5;
	v7 =	vadd.s32 v4, v7;
	_ =	sdelay $0x1  }
0x1b1: {  	v6 =	vadd.s32 v4, v6;
	_ =	sdelay $0x2  }
0x1b2: {  	[tilespmem:s23], [sflag:$0x1] =	stream.indirect_vreg.gather [hbm4b:s2+s9], $0x80, v7, vm0, $0xb8;
	[tilespmem:$0xB680] =	vst v63  }
0x1b3: {  	v7 =	vmov s9  }
0x1b4: {  	[tilespmem:s24], [sflag:$0x1] =	stream.indirect_vreg.gather [hbm4b:s2+s9], $0x80, v6, vm0, $0xb8;
	[tilespmem:$0xB680] =	vst v63  }
0x1b5: {  	_ =	swait.ge [sflag:s17], $0x2000  }
0x1b6: {  	[sflag:s17] =	ssyncset.done $0x0  }
0x1b7: {  	[sflag:s17] =	ssyncadd.s32 $0xFFFFE000  }
0x1b8: {  	v6 =	vld.idx.msk [tilespmem:v7+s18+$0x0], $0xffff  }
0x1b9: {  	s11 =	simm.s32 $0x1;
	s10 =	sand.u32 $0x1800, s9;
	s6 =	sand.u32 $0x380, s9  }
0x1ba: {  	v8 =	vmov s11;
	s9 =	sor.u32 s6, s10  }
0x1bb: {  	v7 =	vld [tilespmem:s9+$0x7AF0]  }
0x1bc: {  	v9 =	vld [tilespmem:s9+$0x7690]  }
0x1bd: {  	v10 =	vld [tilespmem:s9+$0x76A0];
	(xrf0) =	vmax.scan.msk.f32 $0xffff, v6  }
0x1be: {  	v11 =	vld [tilespmem:s9+$0x76B0]  }
0x1bf: {  	v16 =	vld.idx.msk [tilespmem:v8+s18+$0x0], $0xffff  }
0x1c0: {  	v20 =	vld [tilespmem:s9+$0x76F0]  }
0x1c1: {  	v22 =	vld [tilespmem:s9+$0x7A90]  }
0x1c2: {  	v6 =	vld [tilespmem:s9+$0x7680]  }
0x1c3: {  	v26 =	vld [tilespmem:s9+$0x7AB0];
	v13, _, _ =	vpop (xrf0)  }
0x1c4: {  	v27 =	vld [tilespmem:s9+$0x7AC0];
	v17 =	vbroadcast v13, $0xF  }
0x1c5: {  	v12 =	vld [tilespmem:s9+$0x76C0]  }
0x1c6: {  	v15 =	vld [tilespmem:s9+$0x76D0];
	v7 =	vmul.f32 v7, v17  }
0x1c7: {  	v19 =	vimm.f32 $0.0e+00;
	s28 =	simm.s32 $0x2;
	v18 =	vld [tilespmem:s9+$0x76E0];
	v6 =	vmul.f32 v17, v6;
	v9 =	vmul.f32 v17, v9  }
0x1c8: {  	v30 =	vmov s28;
	v21 =	vld [tilespmem:s9+$0x7A80];
	(xrf0) =	vmax.scan.msk.f32 $0xffff, v16;
	v16 =	vmul.f32 v20, v17;
	v20 =	vmul.f32 v22, v17  }
0x1c9: {  	v25 =	vld [tilespmem:s9+$0x7AA0];
	v28 =	vmul.f32 v26, v17;
	v29 =	vmul.f32 v27, v17;
	v22 =	vimm.f32 $0.0e+00  }
0x1ca: {  	v8 =	vadd.f32 v7, v19;
	v7 =	vmul.f32 v10, v17;
	v10 =	vmul.f32 v11, v17  }
0x1cb: {  	s7 =	simm.s32 $0x100;
	s6 =	simm.s32 $0x80;
	v13 =	vadd.f32 v6, v19;
	v11 =	vadd.f32 v9, v19;
	v6 =	vmul.f32 v12, v17  }
0x1cc: {  	s8 =	sand.u32 $0x1800, s7;
	s10 =	sand.u32 $0x380, s6;
	v23 =	vld [tilespmem:s9+$0x7AD0];
	v16 =	vadd.f32 v16, v19;
	v14 =	vadd.f32 v7, v19;
	v7 =	vmul.f32 v15, v17  }
0x1cd: {  	s8 =	sor.u32 s10, s8;
	v24 =	vld [tilespmem:s9+$0x7AE0];
	v9 =	vadd.f32 v10, v19;
	v10 =	vadd.f32 v6, v19;
	v6 =	vmul.f32 v18, v17  }
0x1ce: {  	v12 =	vadd.f32 v7, v19;
	v7 =	vmul.f32 v21, v17;
	v21 =	vmul.f32 v25, v17;
	v25 =	vld [tilespmem:s8+$0x7AF0]  }
0x1cf: {  	v26 =	vld [tilespmem:s8+$0x7680];
	v15 =	vadd.f32 v6, v19;
	v6 =	vadd.f32 v20, v19;
	v20 =	vimm.f32 $0.0e+00  }
0x1d0: {  	s9 =	simm.s32 $0x3;
	v27 =	vld [tilespmem:s8+$0x7690];
	v31, _, _ =	vpop (xrf0);
	v18 =	vadd.f32 v7, v19;
	v7 =	vadd.f32 v21, v19;
	v21 =	vimm.f32 $0.0e+00  }
.LBB2_19:
0x1d1: {  	p0 =	sne.s32 s9, $0x1F;
	v31 =	vbroadcast v31, $0xF;
	v32 =	vld [tilespmem:s8+$0x76A0];
	v19 =	vadd.f32 v28, v19;
	v23 =	vmul.f32 v23, v17  }
0x1d2: {  	v28 =	vld [tilespmem:s8+$0x76B0];
	v22 =	vadd.f32 v29, v22;
	v24 =	vmul.f32 v24, v17  }
0x1d3: {  	v29 =	vld [tilespmem:s8+$0x76C0];
	v25 =	vmul.f32 v25, v31;
	v21 =	vadd.f32 v23, v21;
	v17 =	vmov v31  }
0x1d4: {  	v23 =	vmul.f32 v17, v26;
	v26 =	vld [tilespmem:s8+$0x76D0];
	v20 =	vadd.f32 v24, v20  }
0x1d5: {  	v24 =	vld.idx.msk [tilespmem:v30+s18+$0x0], $0xffff;
	v27 =	vmul.f32 v17, v27;
	v8 =	vadd.f32 v25, v8  }
0x1d6: {  	v13 =	vadd.f32 v23, v13;
	v23 =	vmul.f32 v32, v17;
	v25 =	vld [tilespmem:s8+$0x76E0]  }
0x1d7: {  	v11 =	vadd.f32 v27, v11;
	v27 =	vmul.f32 v28, v17;
	v28 =	vld [tilespmem:s8+$0x76F0]  }
0x1d8: {  	v14 =	vadd.f32 v23, v14;
	v23 =	vmul.f32 v29, v17;
	v29 =	vld [tilespmem:s8+$0x7A80]  }
0x1d9: {  	v9 =	vadd.f32 v27, v9;
	v26 =	vmul.f32 v26, v17;
	v27 =	vld [tilespmem:s8+$0x7A90]  }
0x1da: {  	v10 =	vadd.f32 v23, v10;
	v30 =	vld [tilespmem:s8+$0x7AA0]  }
0x1db: {  	(xrf0) =	vmax.scan.msk.f32 $0xffff, v24;
	v12 =	vadd.f32 v26, v12;
	v23 =	vmul.f32 v25, v17;
	v31 =	vld [tilespmem:s8+$0x7AB0]  }
0x1dc: {  	s6 =	sadd.s32 $0x80, s6;
	s7 =	sadd.s32 $0x100, s7;
	v24 =	vmul.f32 v28, v17;
	v32 =	vld [tilespmem:s8+$0x7AC0]  }
.Ltmp13:
0x1dd: {  	s10 =	sand.u32 $0x1800, s7;
	s11 =	sand.u32 $0x380, s6;
	v15 =	vadd.f32 v23, v15;
	v26 =	vmul.f32 v29, v17;
	v23 =	vld [tilespmem:s8+$0x7AD0];
	(pc) =	sbr.rel @p0 .LBB2_19-.Ltmp13, $4  }
0x1de: {  	v16 =	vadd.f32 v24, v16;
	v27 =	vmul.f32 v27, v17;
	v24 =	vld [tilespmem:s8+$0x7AE0];
	s8 =	sor.u32 s11, s10  }
0x1df: {  	v25 =	vld [tilespmem:s8+$0x7AF0];
	v18 =	vadd.f32 v26, v18;
	v29 =	vmul.f32 v30, v17  }
0x1e0: {  	v26 =	vld [tilespmem:s8+$0x7680];
	v6 =	vadd.f32 v27, v6;
	v28 =	vmul.f32 v31, v17  }
0x1e1: {  	v30 =	vmov s9;
	s9 =	sadd.s32 $0x1, s9;
	v27 =	vld [tilespmem:s8+$0x7690];
	v31, _, _ =	vpop (xrf0);
	v7 =	vadd.f32 v29, v7;
	v29 =	vmul.f32 v32, v17  }
0x1e2: {  	v32 =	vld [tilespmem:s8+$0x76A0]  }
0x1e3: {  	v33 =	vld [tilespmem:s8+$0x76B0]  }
0x1e4: {  	v34 =	vld [tilespmem:s8+$0x76C0]  }
0x1e5: {  	v35 =	vld [tilespmem:s8+$0x76D0]  }
0x1e6: {  	v30 =	vld.idx.msk [tilespmem:v30+s18+$0x0], $0xffff  }
0x1e7: {  	v36 =	vld [tilespmem:s8+$0x76E0]  }
0x1e8: {  	v37 =	vld [tilespmem:s8+$0x76F0]  }
0x1e9: {  	v38 =	vld [tilespmem:s8+$0x7A80]  }
0x1ea: {  	v39 =	vld [tilespmem:s8+$0x7A90]  }
0x1eb: {  	v40 =	vld [tilespmem:s8+$0x7AA0]  }
0x1ec: {  	v41 =	vld [tilespmem:s8+$0x7AB0]  }
0x1ed: {  	v42 =	vld [tilespmem:s8+$0x7AC0];
	s6 =	sadd.s32 $0x80, s6;
	s7 =	sadd.s32 $0x100, s7  }
0x1ee: {  	v43 =	vld [tilespmem:s8+$0x7AD0];
	s7 =	sand.u32 $0x1800, s7;
	s6 =	sand.u32 $0x380, s6  }
0x1ef: {  	v44 =	vld [tilespmem:s8+$0x7AE0];
	s6 =	sor.u32 s6, s7  }
0x1f0: {  	v45 =	vld [tilespmem:s6+$0x7AF0]  }
0x1f1: {  	v46 =	vld [tilespmem:s6+$0x7680]  }
0x1f2: {  	v47 =	vld [tilespmem:s6+$0x7690];
	(xrf0) =	vmax.scan.msk.f32 $0xffff, v30  }
0x1f3: {  	v31 =	vbroadcast v31, $0xF;
	v23 =	vmul.f32 v23, v17;
	v48 =	vld [tilespmem:s6+$0x76B0]  }
0x1f4: {  	v19 =	vadd.f32 v28, v19;
	v22 =	vadd.f32 v29, v22;
	v62 =	vmul.f32 v24, v17;
	v24 =	vld [tilespmem:s6+$0x76C0]  }
0x1f5: {  	v25 =	vmul.f32 v25, v31;
	v21 =	vadd.f32 v23, v21;
	v63 =	vmul.f32 v31, v26;
	v26 =	vld [tilespmem:s6+$0x76D0]  }
0x1f6: {  	v17 =	vadd.f32 v62, v20;
	v28 =	vld [tilespmem:s6+$0x76E0];
	v49 =	vmul.f32 v31, v27;
	v50 =	vmul.f32 v32, v31  }
0x1f7: {  	v29 =	vld [tilespmem:s6+$0x7A80];
	v8 =	vadd.f32 v25, v8;
	v51 =	vmul.f32 v33, v31;
	v52 =	vmul.f32 v34, v31  }
0x1f8: {  	v30 =	vld [tilespmem:s6+$0x76A0];
	v13 =	vadd.f32 v63, v13;
	v54 =	vmul.f32 v35, v31;
	v55 =	vmul.f32 v36, v31;
	v53, _, _ =	vpop (xrf0)  }
0x1f9: {  	v57 =	vld [tilespmem:s6+$0x7AA0];
	v56 =	vmul.f32 v37, v31;
	v11 =	vadd.f32 v49, v11;
	v27 =	vbroadcast v53, $0xF  }
0x1fa: {  	v60 =	vld [tilespmem:s6+$0x7AB0];
	v58 =	vmul.f32 v38, v31;
	v14 =	vadd.f32 v50, v14;
	v9 =	vadd.f32 v51, v9  }
0x1fb: {  	v62 =	vld [tilespmem:s6+$0x7AC0];
	v10 =	vadd.f32 v52, v10;
	v12 =	vadd.f32 v54, v12;
	v59 =	vmul.f32 v27, v46  }
0x1fc: {  	v25 =	vld [tilespmem:s6+$0x76F0];
	v15 =	vadd.f32 v55, v15;
	v16 =	vadd.f32 v56, v16;
	v61 =	vmul.f32 v27, v47  }
0x1fd: {  	s11 =	sshll.u32 s0, $0x9;
	v32 =	vld [tilespmem:s6+$0x7A90];
	v18 =	vadd.f32 v58, v18;
	v63 =	vmul.f32 v30, v27;
	v13 =	vadd.f32 v59, v13  }
0x1fe: {  	s8 =	sand.u32 $0x3FFFFE00, s11;
	v49 =	vld [tilespmem:s6+$0x7AE0];
	v50 =	vmul.f32 v40, v31;
	v48 =	vmul.f32 v48, v27;
	v11 =	vadd.f32 v61, v11  }
0x1ff: {  	v54 =	vmul.f32 v42, v31;
	v46 =	vld [tilespmem:s6+$0x7AD0];
	v51 =	vmul.f32 v24, v27;
	v14 =	vadd.f32 v63, v14;
	[tilespmem:s8+$0x9680] =	vst v13  }
0x200: {  	v7 =	vadd.f32 v50, v7;
	v57 =	vmul.f32 v57, v27;
	v9 =	vadd.f32 v48, v9;
	[tilespmem:s8+$0x9690] =	vst v11  }
0x201: {  	v58 =	vadd.f32 v54, v22;
	v52 =	vmul.f32 v28, v27;
	v10 =	vadd.f32 v51, v10;
	[tilespmem:s8+$0x96A0] =	vst v14  }
0x202: {  	v47 =	vmul.f32 v39, v31;
	v53 =	vmul.f32 v25, v27;
	v7 =	vadd.f32 v57, v7;
	[tilespmem:s8+$0x96B0] =	vst v9  }
0x203: {  	v55 =	vmul.f32 v29, v27;
	v56 =	vmul.f32 v32, v27;
	v13 =	vadd.f32 v52, v15;
	[tilespmem:s8+$0x96C0] =	vst v10  }
0x204: {  	v6 =	vadd.f32 v47, v6;
	v11 =	vmul.f32 v26, v27;
	v10 =	vadd.f32 v53, v16;
	[tilespmem:s8+$0x9720] =	vst v7  }
0x205: {  	v59 =	vmul.f32 v60, v27;
	v9 =	vmul.f32 v41, v31;
	v15 =	vadd.f32 v55, v18;
	[tilespmem:s8+$0x96E0] =	vst v13  }
0x206: {  	v60 =	vmul.f32 v62, v27;
	v63 =	vmul.f32 v45, v27;
	v11 =	vadd.f32 v11, v12;
	[tilespmem:s8+$0x96F0] =	vst v10  }
0x207: {  	v6 =	vadd.f32 v56, v6;
	v9 =	vadd.f32 v9, v19;
	v10 =	vmul.f32 v44, v31;
	[tilespmem:s8+$0x9700] =	vst v15  }
0x208: {  	s1 =	sor.u32 $0x1, s1;
	v62 =	vmul.f32 v49, v27;
	v8 =	vadd.f32 v63, v8;
	[tilespmem:s8+$0x96D0] =	vst v11;
	v11 =	vmul.f32 v43, v31  }
0x209: {  	v7 =	vmov s1;
	[tilespmem:s8+$0x9710] =	vst v6;
	v9 =	vadd.f32 v59, v9;
	v6 =	vadd.f32 v10, v17  }
0x20a: {  	v61 =	vmul.f32 v46, v27;
	[tilespmem:s8+$0x9770] =	vst v8;
	v10 =	vadd.f32 v60, v58;
	v11 =	vadd.f32 v11, v21  }
0x20b: {  	[tilespmem:s8+$0x9730] =	vst v9;
	v6 =	vadd.f32 v62, v6  }
0x20c: {  	[tilespmem:s8+$0x9740] =	vst v10;
	v11 =	vadd.f32 v61, v11  }
0x20d: {  	[tilespmem:s8+$0x9760] =	vst v6  }
0x20e: {  	[tilespmem:s8+$0x9750] =	vst v11  }
0x20f: {  	v8 =	vld.idx.msk [tilespmem:v7+s13+$0x0], $0xffff;
	_ =	sdelay $0x1  }
0x210: {  	s9 =	sor.u32 s5, s1  }
0x211: {  	s6 =	sshll.u32 s9, $0x9  }
0x212: {  	v6 =	vmov s6  }
0x213: {  	s10 =	sshll.u32 s1, $0x9;
	s7 =	simm.s32 $0x0;
	[tilespmem:$0x4080] =	vst v6;
	(xrf0) =	vmax.scan.msk.f32 $0xffff, v8  }
0x214: {  	s11 =	sand.u32 $0x180, s7;
	s6 =	sand.u32 $0x3FFFFE00, s10;
	[tilespmem:$0x4090] =	vst v6  }
0x215: {  	s9 =	sand.u32 $0x70, s7;
	s8 =	sadd.s32 s11, s6;
	[tilespmem:$0x40A0] =	vst v6  }
0x216: {  	[tilespmem:$0x40B0] =	vst v6;
	s8 =	sadd.s32 s9, s8  }
0x217: {  	v9 =	vld [tilespmem:s8+$0x0];
	_ =	sdelay $0x1  }
0x218: {  	v8, _, _ =	vpop (xrf0)  }
0x219: {  	v8 =	vbroadcast v8, $0xF;
	_ =	sdelay $0x1  }
0x21a: {  	vm1 =	vge.f32 v9, v8  }
0x21b: {  	v9 =	vsel vm1, $0x1, v1  }
0x21c: {  	(xrf0) =	vadd.scan.msk.s32 $0xffff, v9;
	_ =	sdelay $0x5  }
0x21d: {  	s9 =	simm.s32 $0x10;
	v9, _, _ =	vpop (xrf0)  }
0x21e: {  	s11 =	sadd.s32 $0x0, s30;
	s10 =	sand.u32 $0x180, s9;
	(v2sf) =	vpush v9, $0xF  }
0x21f: {  	s8 =	sand.u32 $0x70, s9;
	s10 =	sadd.s32 s10, s6;
	v9 =	vor.u32 s11, v0  }
0x220: {  	s8 =	sadd.s32 s8, s10;
	[tilespmem:s7+$0x4080] =	vst.msk vm1, v9  }
0x221: {  	v9 =	vld [tilespmem:s8+$0x0];
	_ =	sdelay $0x4  }
0x222: {  	vm1 =	vge.f32 v9, v8  }
0x223: {  	v9 =	vsel vm1, $0x1, v1  }
0x224: {  	(xrf0) =	vadd.scan.msk.s32 $0xffff, v9;
	_ =	sdelay $0x4  }
0x225: {  	s28 =	sadd.s32 $0x10, s30;
	s10 =	spop (v2sf)  }
0x226: {  	s9 =	simm.s32 $0x30;
	s7 =	simm.s32 $0x20;
	v9, _, _ =	vpop (xrf0);
	s8 =	sadd.s32 $0x0, s10  }
0x227: {  	s11 =	sand.u32 $0x70, s7;
	s10 =	sand.u32 $0x180, s7;
	(v2sf) =	vpush v9, $0xF;
	p1 =	slt.s32 s8, $0x30  }
.LBB2_21:
0x228: {  	p0 =	sne.s32 s9, $0x1F0;
	s10 =	sadd.s32 s10, s6;
	v9 =	vor.u32 s28, v0;
	s8 =	simm.s32 @!p1 $0x30  }
0x229: {  	s28 =	smov.u32 s7;
	s7 =	smov.u32 s9;
	s10 =	sadd.s32 s11, s10;
	[tilespmem:s8+$0x4080] =	vst.msk vm1, v9  }
0x22a: {  	v9 =	vld [tilespmem:s10+$0x0];
	_ =	sdelay $0x4  }
0x22b: {  	vm1 =	vge.f32 v9, v8  }
0x22c: {  	v9 =	vsel vm1, $0x1, v1  }
0x22d: {  	(xrf0) =	vadd.scan.msk.s32 $0xffff, v9;
	_ =	sdelay $0x2  }
.Ltmp14:
0x22e: {  	(pc) =	sbr.rel @p0 .LBB2_21-.Ltmp14, $4  }
0x22f: {  	_ = 	snop  }
0x230: {  	s10 =	spop (v2sf)  }
0x231: {  	s11 =	sand.u32 $0x70, s9;
	s28 =	sadd.s32 s28, s30;
	v9, _, _ =	vpop (xrf0);
	s8 =	sadd.s32 s8, s10  }
0x232: {  	s9 =	sadd.s32 $0x10, s9;
	s10 =	sand.u32 $0x180, s7;
	(v2sf) =	vpush v9, $0xF;
	p1 =	slt.s32 s8, $0x30  }
0x233: {  	s6 =	sadd.s32 s10, s6;
	v9 =	vor.u32 s28, v0;
	s8 =	simm.s32 @!p1 $0x30  }
0x234: {  	s6 =	sadd.s32 s11, s6;
	[tilespmem:s8+$0x4080] =	vst.msk vm1, v9  }
0x235: {  	v9 =	vld [tilespmem:s6+$0x0];
	_ =	sdelay $0x4  }
0x236: {  	vm1 =	vge.f32 v9, v8  }
0x237: {  	v8 =	vsel vm1, $0x1, v1  }
0x238: {  	(xrf0) =	vadd.scan.msk.s32 $0xffff, v8;
	_ =	sdelay $0x5  }
0x239: {  	v8, _, _ =	vpop (xrf0)  }
0x23a: {  	(v2sf) =	vpush v8, $0xF;
	_ =	sdelay $0x6  }
0x23b: {  	s10 =	spop (v2sf)  }
0x23c: {  	s6 =	sadd.s32 s8, s10  }
0x23d: {  	s7 =	sadd.s32 s7, s30;
	p0 =	slt.s32 s6, $0x30  }
0x23e: {  	v8 =	vor.u32 s7, v0;
	s6 =	simm.s32 @!p0 $0x30  }
0x23f: {  	[tilespmem:s6+$0x4080] =	vst.msk vm1, v8  }
0x240: {  	v8 =	vld [tilespmem:$0x4080]  }
0x241: {  	v63 =	vld [tilespmem:$0x4090]  }
0x242: {  	v10 =	vld [tilespmem:$0x40A0]  }
0x243: {  	s11 =	spop (v2sf)  }
0x244: {  	s6 =	sadd.s32 s6, s11  }
0x245: {  	[tilespmem:$0x4180] =	vst v8;
	p0 =	slt.s32 s6, $0x30;
	s8 =	smov.u32 s6  }
0x246: {  	[tilespmem:$0x4190] =	vst v63;
	s8 =	simm.s32 @!p0 $0x30;
	p0 =	slt.s32 s6, $0x1  }
.Ltmp15:
0x247: {  	[tilespmem:$0x41A0] =	vst v10;
	(pc) =	sbr.rel @p0 .LBB2_29-.Ltmp15, $4  }
0x248: {  	[tilespmem:s26], [sflag:$0x1] =	stream.indirect.gather [hbm4b:s4+s14], $0x80, s25, s14, $0xb8;
	[tilespmem:$0xB680] =	vst v63  }
0x249: {  	_ =	swait.ge [sflag:s17], $0x1800  }
0x24a: {  	[sflag:s17] =	ssyncset.done $0x0  }
0x24b: {  	s28 =	simm.s32 $0x0;
	s7 =	simm.s32 $0x0;
	[sflag:s17] =	ssyncadd.s32 $0xFFFFE800  }
0x24c: {  	_ =	sdelay $0x3  }
0x24d: {  	v7 =	vld.idx.msk [tilespmem:v7+s13+$0x0], $0xffff;
	_ =	sdelay $0x4  }
0x24e: {  	(xrf0) =	vmax.scan.msk.f32 $0xffff, v7;
	_ =	sdelay $0x2  }
0x24f: {  	p1 =	sne.s32 s8, $0x1  }
.Ltmp16:
0x250: {  	_ = 	snop;
	(pc) =	sbr.rel @!p1 .LBB2_24-.Ltmp16, $4  }
0x251: {  	_ = 	snop  }
0x252: {  	v7, _, _ =	vpop (xrf0)  }
0x253: {  	s6 =	simm.s32 $0x5A40;
	v7 =	vbroadcast v7, $0xF  }
0x254: {  	s7 =	simm.s32 $0x0;
	s8 =	sadd.s32 $0xFFFFFFFF, s8;
	p0 =	por $0x0, $0x0;
	v8 =	vld [tilespmem:s6+$0xFFFFFFC0]  }
0x255: {  	_ =	sdelay $0x3  }
0x256: {  	vm1 =	vge.f32 v8, v7  }
0x257: {  	v9 =	vor.u32 s7, v0;
	[tilespmem:s7+$0x7200] =	vst.msk vm1, v8;
	v8 =	vsel vm1, $0x1, v1  }
0x258: {  	[tilespmem:s7+$0x7380] =	vst.msk vm1, v9;
	(xrf0) =	vadd.scan.msk.s32 $0xffff, v8  }
0x259: {  	v8 =	vld [tilespmem:s6+$0xFFFFFFD0];
	_ =	sdelay $0x4  }
0x25a: {  	vm1 =	vge.f32 v8, v7;
	v9, _, _ =	vpop (xrf0)  }
0x25b: {  	v10 =	vsel vm1, $0x1, v1;
	(v2sf) =	vpush v9, $0xF  }
0x25c: {  	(xrf0) =	vadd.scan.msk.s32 $0xffff, v10;
	_ =	sdelay $0x5  }
0x25d: {  	v9, _, _ =	vpop (xrf0)  }
0x25e: {  	(v2sf) =	vpush v9, $0xF;
	_ =	sdelay $0x6  }
0x25f: {  	s9 =	spop (v2sf)  }
0x260: {  	s9 =	sadd.s32 $0x0, s9  }
0x261: {  	p0 =	slt.s32 s9, $0x100  }
0x262: {  	s10 =	simm.s32 $0x10;
	s9 =	simm.s32 @!p0 $0x100  }
0x263: {  	v9 =	vor.u32 s10, v0;
	[tilespmem:s9+$0x7200] =	vst.msk vm1, v8  }
0x264: {  	[tilespmem:s9+$0x7380] =	vst.msk vm1, v9  }
0x265: {  	v8 =	vld [tilespmem:s6+$0xFFFFFFE0];
	_ =	sdelay $0x1  }
0x266: {  	s11 =	spop (v2sf)  }
0x267: {  	s9 =	sadd.s32 s9, s11  }
0x268: {  	p0 =	slt.s32 s9, $0x100  }
0x269: {  	s11 =	simm.s32 $0x20;
	s9 =	simm.s32 @!p0 $0x100;
	vm1 =	vge.f32 v8, v7  }
0x26a: {  	v9 =	vor.u32 s11, v0;
	[tilespmem:s9+$0x7200] =	vst.msk vm1, v8;
	v8 =	vsel vm1, $0x1, v1  }
0x26b: {  	[tilespmem:s9+$0x7380] =	vst.msk vm1, v9;
	(xrf0) =	vadd.scan.msk.s32 $0xffff, v8  }
0x26c: {  	v8 =	vld [tilespmem:s6+$0xFFFFFFF0];
	_ =	sdelay $0x4  }
0x26d: {  	vm1 =	vge.f32 v8, v7;
	v9, _, _ =	vpop (xrf0)  }
0x26e: {  	v10 =	vsel vm1, $0x1, v1;
	(v2sf) =	vpush v9, $0xF  }
0x26f: {  	(xrf0) =	vadd.scan.msk.s32 $0xffff, v10;
	_ =	sdelay $0x5  }
0x270: {  	v9, _, _ =	vpop (xrf0)  }
0x271: {  	(v2sf) =	vpush v9, $0xF;
	_ =	sdelay $0x6  }
0x272: {  	s11 =	spop (v2sf)  }
0x273: {  	s9 =	sadd.s32 s9, s11  }
0x274: {  	p0 =	slt.s32 s9, $0x100  }
0x275: {  	s11 =	simm.s32 $0x30;
	s9 =	simm.s32 @!p0 $0x100  }
0x276: {  	v9 =	vor.u32 s11, v0;
	[tilespmem:s9+$0x7200] =	vst.msk vm1, v8  }
0x277: {  	[tilespmem:s9+$0x7380] =	vst.msk vm1, v9  }
0x278: {  	v8 =	vld [tilespmem:s6+$0x0];
	_ =	sdelay $0x1  }
0x279: {  	s11 =	spop (v2sf)  }
0x27a: {  	s9 =	sadd.s32 s9, s11  }
0x27b: {  	p0 =	slt.s32 s9, $0x100  }
0x27c: {  	s11 =	simm.s32 $0x40;
	s9 =	simm.s32 @!p0 $0x100;
	vm1 =	vge.f32 v8, v7  }
0x27d: {  	v9 =	vor.u32 s11, v0;
	[tilespmem:s9+$0x7200] =	vst.msk vm1, v8;
	v8 =	vsel vm1, $0x1, v1  }
0x27e: {  	[tilespmem:s9+$0x7380] =	vst.msk vm1, v9;
	(xrf0) =	vadd.scan.msk.s32 $0xffff, v8  }
0x27f: {  	v8 =	vld [tilespmem:s6+$0x10];
	_ =	sdelay $0x4  }
0x280: {  	vm1 =	vge.f32 v8, v7;
	v9, _, _ =	vpop (xrf0)  }
0x281: {  	v10 =	vsel vm1, $0x1, v1;
	(v2sf) =	vpush v9, $0xF  }
0x282: {  	(xrf0) =	vadd.scan.msk.s32 $0xffff, v10;
	_ =	sdelay $0x5  }
0x283: {  	v9, _, _ =	vpop (xrf0)  }
0x284: {  	(v2sf) =	vpush v9, $0xF;
	_ =	sdelay $0x6  }
0x285: {  	s11 =	spop (v2sf)  }
0x286: {  	s9 =	sadd.s32 s9, s11  }
0x287: {  	p0 =	slt.s32 s9, $0x100  }
0x288: {  	s11 =	simm.s32 $0x50;
	s9 =	simm.s32 @!p0 $0x100  }
0x289: {  	v9 =	vor.u32 s11, v0;
	[tilespmem:s9+$0x7200] =	vst.msk vm1, v8  }
0x28a: {  	[tilespmem:s9+$0x7380] =	vst.msk vm1, v9  }
0x28b: {  	v8 =	vld [tilespmem:s6+$0x20];
	_ =	sdelay $0x1  }
0x28c: {  	s11 =	spop (v2sf)  }
0x28d: {  	s9 =	sadd.s32 s9, s11  }
0x28e: {  	p0 =	slt.s32 s9, $0x100  }
0x28f: {  	s11 =	simm.s32 $0x60;
	s9 =	simm.s32 @!p0 $0x100;
	vm1 =	vge.f32 v8, v7  }
0x290: {  	v9 =	vor.u32 s11, v0;
	[tilespmem:s9+$0x7200] =	vst.msk vm1, v8  }
0x291: {  	[tilespmem:s9+$0x7380] =	vst.msk vm1, v9  }
0x292: {  	v8 =	vld [tilespmem:s6+$0x30];
	_ =	sdelay $0x1  }
0x293: {  	v9 =	vsel vm1, $0x1, v1  }
0x294: {  	(xrf0) =	vadd.scan.msk.s32 $0xffff, v9;
	_ =	sdelay $0x1  }
0x295: {  	vm1 =	vge.f32 v8, v7  }
0x296: {  	v9 =	vsel vm1, $0x1, v1;
	_ =	sdelay $0x2  }
0x297: {  	(xrf0) =	vadd.scan.msk.s32 $0xffff, v9;
	v9, _, _ =	vpop (xrf0)  }
0x298: {  	(v2sf) =	vpush v9, $0xF;
	_ =	sdelay $0x6  }
0x299: {  	v9, _, _ =	vpop (xrf0)  }
0x29a: {  	(v2sf) =	vpush v9, $0xF;
	_ =	sdelay $0x6  }
0x29b: {  	s10 =	spop (v2sf)  }
0x29c: {  	s10 =	sadd.s32 s9, s10  }
0x29d: {  	p0 =	slt.s32 s10, $0x100  }
0x29e: {  	s11 =	simm.s32 $0x70;
	s10 =	simm.s32 @!p0 $0x100  }
0x29f: {  	v9 =	vor.u32 s11, v0;
	[tilespmem:s10+$0x7200] =	vst.msk vm1, v8  }
0x2a0: {  	p1 =	sne.s32 s8, $0x1;
	s6 =	simm.s32 $0x5AC0;
	[tilespmem:s10+$0x7380] =	vst.msk vm1, v9  }
.Ltmp17:
0x2a1: {  	v8 =	vld [tilespmem:s6+$0xFFFFFFC0];
	(pc) =	sbr.rel @!p1 .LBB2_26-.Ltmp17, $4  }
0x2a2: {  	_ = 	snop  }
0x2a3: {  	s11 =	spop (v2sf)  }
0x2a4: {  	s9 =	sadd.s32 $0xFFFFFFFF, s8;
	s11 =	sadd.s32 s10, s11  }
0x2a5: {  	s8 =	simm.s32 $0x0;
	p0 =	por $0x1, $0x1;
	p2 =	slt.s32 s11, $0x100  }
.LBB2_27:
0x2a6: {  	p1 =	sne.s32 s9, $0x1;
	vm1 =	vge.f32 v8, v7;
	s11 =	simm.s32 @!p2 $0x100;
	s8 =	sadd.s32 $0x80, s8  }
0x2a7: {  	s9 =	sadd.s32 $0xFFFFFFFF, s9;
	v9 =	vor.u32 s8, v0;
	[tilespmem:s11+$0x7200] =	vst.msk vm1, v8;
	v8 =	vsel vm1, $0x1, v1  }
0x2a8: {  	[tilespmem:s11+$0x7380] =	vst.msk vm1, v9;
	(xrf0) =	vadd.scan.msk.s32 $0xffff, v8  }
0x2a9: {  	v8 =	vld [tilespmem:s6+$0xFFFFFFD0];
	_ =	sdelay $0x4  }
0x2aa: {  	vm1 =	vge.f32 v8, v7;
	v9, _, _ =	vpop (xrf0)  }
0x2ab: {  	v10 =	vsel vm1, $0x1, v1;
	(v2sf) =	vpush v9, $0xF  }
0x2ac: {  	(xrf0) =	vadd.scan.msk.s32 $0xffff, v10;
	_ =	sdelay $0x5  }
0x2ad: {  	v9, _, _ =	vpop (xrf0)  }
0x2ae: {  	(v2sf) =	vpush v9, $0xF;
	_ =	sdelay $0x6  }
0x2af: {  	s10 =	spop (v2sf)  }
0x2b0: {  	s10 =	sadd.s32 s11, s10  }
0x2b1: {  	p2 =	slt.s32 s10, $0x100  }
0x2b2: {  	s11 =	sadd.s32 $0x10, s8;
	s10 =	simm.s32 @!p2 $0x100  }
0x2b3: {  	v9 =	vor.u32 s11, v0;
	[tilespmem:s10+$0x7200] =	vst.msk vm1, v8  }
0x2b4: {  	[tilespmem:s10+$0x7380] =	vst.msk vm1, v9  }
0x2b5: {  	v8 =	vld [tilespmem:s6+$0xFFFFFFE0];
	_ =	sdelay $0x1  }
0x2b6: {  	s11 =	spop (v2sf)  }
0x2b7: {  	s10 =	sadd.s32 s10, s11  }
0x2b8: {  	p2 =	slt.s32 s10, $0x100  }
0x2b9: {  	s11 =	sadd.s32 $0x20, s8;
	s10 =	simm.s32 @!p2 $0x100;
	vm1 =	vge.f32 v8, v7  }
0x2ba: {  	v9 =	vor.u32 s11, v0;
	[tilespmem:s10+$0x7200] =	vst.msk vm1, v8;
	v8 =	vsel vm1, $0x1, v1  }
0x2bb: {  	[tilespmem:s10+$0x7380] =	vst.msk vm1, v9;
	(xrf0) =	vadd.scan.msk.s32 $0xffff, v8  }
0x2bc: {  	v8 =	vld [tilespmem:s6+$0xFFFFFFF0];
	_ =	sdelay $0x4  }
0x2bd: {  	vm1 =	vge.f32 v8, v7;
	v9, _, _ =	vpop (xrf0)  }
0x2be: {  	v10 =	vsel vm1, $0x1, v1;
	(v2sf) =	vpush v9, $0xF  }
0x2bf: {  	(xrf0) =	vadd.scan.msk.s32 $0xffff, v10;
	_ =	sdelay $0x5  }
0x2c0: {  	v9, _, _ =	vpop (xrf0)  }
0x2c1: {  	(v2sf) =	vpush v9, $0xF;
	_ =	sdelay $0x6  }
0x2c2: {  	s11 =	spop (v2sf)  }
0x2c3: {  	s10 =	sadd.s32 s10, s11  }
0x2c4: {  	p2 =	slt.s32 s10, $0x100  }
0x2c5: {  	s11 =	sadd.s32 $0x30, s8;
	s10 =	simm.s32 @!p2 $0x100  }
0x2c6: {  	v9 =	vor.u32 s11, v0;
	[tilespmem:s10+$0x7200] =	vst.msk vm1, v8  }
0x2c7: {  	[tilespmem:s10+$0x7380] =	vst.msk vm1, v9  }
0x2c8: {  	v8 =	vld [tilespmem:s6+$0x0];
	_ =	sdelay $0x1  }
0x2c9: {  	s11 =	spop (v2sf)  }
0x2ca: {  	s10 =	sadd.s32 s10, s11  }
0x2cb: {  	p2 =	slt.s32 s10, $0x100  }
0x2cc: {  	s11 =	sadd.s32 $0x40, s8;
	s10 =	simm.s32 @!p2 $0x100;
	vm1 =	vge.f32 v8, v7  }
0x2cd: {  	v9 =	vor.u32 s11, v0;
	[tilespmem:s10+$0x7200] =	vst.msk vm1, v8;
	v8 =	vsel vm1, $0x1, v1  }
0x2ce: {  	[tilespmem:s10+$0x7380] =	vst.msk vm1, v9;
	(xrf0) =	vadd.scan.msk.s32 $0xffff, v8  }
0x2cf: {  	v8 =	vld [tilespmem:s6+$0x10];
	_ =	sdelay $0x4  }
0x2d0: {  	vm1 =	vge.f32 v8, v7;
	v9, _, _ =	vpop (xrf0)  }
0x2d1: {  	v10 =	vsel vm1, $0x1, v1;
	(v2sf) =	vpush v9, $0xF  }
0x2d2: {  	(xrf0) =	vadd.scan.msk.s32 $0xffff, v10;
	_ =	sdelay $0x5  }
0x2d3: {  	v9, _, _ =	vpop (xrf0)  }
0x2d4: {  	(v2sf) =	vpush v9, $0xF;
	_ =	sdelay $0x6  }
0x2d5: {  	s11 =	spop (v2sf)  }
0x2d6: {  	s10 =	sadd.s32 s10, s11  }
0x2d7: {  	p2 =	slt.s32 s10, $0x100  }
0x2d8: {  	s11 =	sadd.s32 $0x50, s8;
	s10 =	simm.s32 @!p2 $0x100  }
0x2d9: {  	v9 =	vor.u32 s11, v0;
	[tilespmem:s10+$0x7200] =	vst.msk vm1, v8  }
0x2da: {  	[tilespmem:s10+$0x7380] =	vst.msk vm1, v9  }
0x2db: {  	v8 =	vld [tilespmem:s6+$0x20];
	_ =	sdelay $0x1  }
0x2dc: {  	s11 =	spop (v2sf)  }
0x2dd: {  	s10 =	sadd.s32 s10, s11  }
0x2de: {  	p2 =	slt.s32 s10, $0x100  }
0x2df: {  	s11 =	sadd.s32 $0x60, s8;
	s10 =	simm.s32 @!p2 $0x100;
	vm1 =	vge.f32 v8, v7  }
0x2e0: {  	v9 =	vor.u32 s11, v0;
	[tilespmem:s10+$0x7200] =	vst.msk vm1, v8;
	v8 =	vsel vm1, $0x1, v1  }
0x2e1: {  	[tilespmem:s10+$0x7380] =	vst.msk vm1, v9;
	(xrf0) =	vadd.scan.msk.s32 $0xffff, v8  }
0x2e2: {  	v8 =	vld [tilespmem:s6+$0x30];
	_ =	sdelay $0x4  }
0x2e3: {  	vm1 =	vge.f32 v8, v7;
	v9, _, _ =	vpop (xrf0)  }
0x2e4: {  	v10 =	vsel vm1, $0x1, v1;
	(v2sf) =	vpush v9, $0xF  }
0x2e5: {  	(xrf0) =	vadd.scan.msk.s32 $0xffff, v10;
	_ =	sdelay $0x5  }
0x2e6: {  	v9, _, _ =	vpop (xrf0)  }
0x2e7: {  	(v2sf) =	vpush v9, $0xF;
	_ =	sdelay $0x6  }
0x2e8: {  	s11 =	spop (v2sf)  }
0x2e9: {  	s10 =	sadd.s32 s10, s11  }
0x2ea: {  	p2 =	slt.s32 s10, $0x100  }
0x2eb: {  	s11 =	sadd.s32 $0x70, s8;
	s10 =	simm.s32 @!p2 $0x100  }
0x2ec: {  	v9 =	vor.u32 s11, v0;
	[tilespmem:s10+$0x7200] =	vst.msk vm1, v8  }
0x2ed: {  	s6 =	sadd.s32 $0x80, s6;
	[tilespmem:s10+$0x7380] =	vst.msk vm1, v9  }
.Ltmp18:
0x2ee: {  	v8 =	vld [tilespmem:s6+$0xFFFFFFC0];
	(pc) =	sbr.rel @p1 .LBB2_27-.Ltmp18, $4  }
0x2ef: {  	_ = 	snop  }
0x2f0: {  	s11 =	spop (v2sf)  }
0x2f1: {  	s11 =	sadd.s32 s10, s11  }
0x2f2: {  	p2 =	slt.s32 s11, $0x100  }
.LBB2_28:
0x2f3: {  	p1 =	por !p2, !p0  }
0x2f4: {  	s9 =	sadd.s32 @p0 $0x80, s8;
	s8 =	simm.s32 $0x0;
	s11 =	simm.s32 @p1 $0x100  }
0x2f5: {  	vm1 =	vge.f32 v8, v7;
	s8 =	smov.u32 @p0 s9;
	s7 =	smov.u32 @p0 s11  }
0x2f6: {  	v9 =	vor.u32 s8, v0;
	[tilespmem:s7+$0x7200] =	vst.msk vm1, v8;
	v8 =	vsel vm1, $0x1, v1  }
0x2f7: {  	[tilespmem:s7+$0x7380] =	vst.msk vm1, v9;
	(xrf0) =	vadd.scan.msk.s32 $0xffff, v8  }
0x2f8: {  	v8 =	vld [tilespmem:s6+$0xFFFFFFD0];
	_ =	sdelay $0x4  }
0x2f9: {  	vm1 =	vge.f32 v8, v7;
	v49, _, _ =	vpop (xrf0)  }
0x2fa: {  	v10 =	vsel vm1, $0x1, v1;
	(v2sf) =	vpush v49, $0xF  }
0x2fb: {  	(xrf0) =	vadd.scan.msk.s32 $0xffff, v10;
	_ =	sdelay $0x5  }
0x2fc: {  	v50, _, _ =	vpop (xrf0)  }
0x2fd: {  	(v2sf) =	vpush v50, $0xF;
	_ =	sdelay $0x6  }
0x2fe: {  	s10 =	spop (v2sf)  }
0x2ff: {  	s7 =	sadd.s32 s7, s10  }
0x300: {  	p0 =	slt.s32 s7, $0x100  }
0x301: {  	s11 =	sadd.s32 $0x10, s8;
	s7 =	simm.s32 @!p0 $0x100  }
0x302: {  	v51 =	vor.u32 s11, v0;
	[tilespmem:s7+$0x7200] =	vst.msk vm1, v8  }
0x303: {  	[tilespmem:s7+$0x7380] =	vst.msk vm1, v51  }
0x304: {  	v8 =	vld [tilespmem:s6+$0xFFFFFFE0];
	_ =	sdelay $0x1  }
0x305: {  	s10 =	spop (v2sf)  }
0x306: {  	s7 =	sadd.s32 s7, s10  }
0x307: {  	p0 =	slt.s32 s7, $0x100  }
0x308: {  	s11 =	sadd.s32 $0x20, s8;
	s7 =	simm.s32 @!p0 $0x100;
	vm1 =	vge.f32 v8, v7  }
0x309: {  	v52 =	vor.u32 s11, v0;
	[tilespmem:s7+$0x7200] =	vst.msk vm1, v8;
	v8 =	vsel vm1, $0x1, v1  }
0x30a: {  	[tilespmem:s7+$0x7380] =	vst.msk vm1, v52;
	(xrf0) =	vadd.scan.msk.s32 $0xffff, v8  }
0x30b: {  	v8 =	vld [tilespmem:s6+$0xFFFFFFF0];
	_ =	sdelay $0x4  }
0x30c: {  	vm1 =	vge.f32 v8, v7;
	v53, _, _ =	vpop (xrf0)  }
0x30d: {  	v54 =	vsel vm1, $0x1, v1;
	(v2sf) =	vpush v53, $0xF  }
0x30e: {  	(xrf0) =	vadd.scan.msk.s32 $0xffff, v54;
	_ =	sdelay $0x5  }
0x30f: {  	v55, _, _ =	vpop (xrf0)  }
0x310: {  	(v2sf) =	vpush v55, $0xF;
	_ =	sdelay $0x6  }
0x311: {  	s10 =	spop (v2sf)  }
0x312: {  	s7 =	sadd.s32 s7, s10  }
0x313: {  	p0 =	slt.s32 s7, $0x100  }
0x314: {  	s11 =	sadd.s32 $0x30, s8;
	s7 =	simm.s32 @!p0 $0x100  }
0x315: {  	v56 =	vor.u32 s11, v0;
	[tilespmem:s7+$0x7200] =	vst.msk vm1, v8  }
0x316: {  	[tilespmem:s7+$0x7380] =	vst.msk vm1, v56  }
0x317: {  	v8 =	vld [tilespmem:s6+$0x0];
	_ =	sdelay $0x1  }
0x318: {  	s10 =	spop (v2sf)  }
0x319: {  	s7 =	sadd.s32 s7, s10  }
0x31a: {  	p0 =	slt.s32 s7, $0x100  }
0x31b: {  	s11 =	sadd.s32 $0x40, s8;
	s7 =	simm.s32 @!p0 $0x100;
	vm1 =	vge.f32 v8, v7  }
0x31c: {  	v57 =	vor.u32 s11, v0;
	[tilespmem:s7+$0x7200] =	vst.msk vm1, v8;
	v8 =	vsel vm1, $0x1, v1  }
0x31d: {  	[tilespmem:s7+$0x7380] =	vst.msk vm1, v57;
	(xrf0) =	vadd.scan.msk.s32 $0xffff, v8  }
0x31e: {  	v8 =	vld [tilespmem:s6+$0x10];
	_ =	sdelay $0x4  }
0x31f: {  	vm1 =	vge.f32 v8, v7;
	v58, _, _ =	vpop (xrf0)  }
0x320: {  	v59 =	vsel vm1, $0x1, v1;
	(v2sf) =	vpush v58, $0xF  }
0x321: {  	(xrf0) =	vadd.scan.msk.s32 $0xffff, v59;
	_ =	sdelay $0x5  }
0x322: {  	v60, _, _ =	vpop (xrf0)  }
0x323: {  	(v2sf) =	vpush v60, $0xF;
	_ =	sdelay $0x6  }
0x324: {  	s10 =	spop (v2sf)  }
0x325: {  	s7 =	sadd.s32 s7, s10  }
0x326: {  	p0 =	slt.s32 s7, $0x100  }
0x327: {  	s11 =	sadd.s32 $0x50, s8;
	s7 =	simm.s32 @!p0 $0x100  }
0x328: {  	v61 =	vor.u32 s11, v0;
	[tilespmem:s7+$0x7200] =	vst.msk vm1, v8  }
0x329: {  	[tilespmem:s7+$0x7380] =	vst.msk vm1, v61  }
0x32a: {  	v8 =	vld [tilespmem:s6+$0x20];
	_ =	sdelay $0x1  }
0x32b: {  	s10 =	spop (v2sf)  }
0x32c: {  	s7 =	sadd.s32 s7, s10  }
0x32d: {  	p0 =	slt.s32 s7, $0x100  }
0x32e: {  	s11 =	sadd.s32 $0x60, s8;
	s7 =	simm.s32 @!p0 $0x100;
	vm1 =	vge.f32 v8, v7  }
0x32f: {  	v62 =	vor.u32 s11, v0;
	[tilespmem:s7+$0x7200] =	vst.msk vm1, v8  }
0x330: {  	[tilespmem:s7+$0x7380] =	vst.msk vm1, v62  }
0x331: {  	v8 =	vld [tilespmem:s6+$0x30];
	_ =	sdelay $0x2  }
0x332: {  	v63 =	vsel vm1, $0x1, v1  }
0x333: {  	(xrf0) =	vadd.scan.msk.s32 $0xffff, v63  }
0x334: {  	vm1 =	vge.f32 v8, v7  }
0x335: {  	v7 =	vsel vm1, $0x1, v1  }
0x336: {  	(xrf0) =	vadd.scan.msk.s32 $0xffff, v7;
	_ =	sdelay $0x2  }
0x337: {  	v7, _, _ =	vpop (xrf0)  }
0x338: {  	(v2sf) =	vpush v7, $0xF;
	_ =	sdelay $0x1  }
0x339: {  	v7, _, _ =	vpop (xrf0)  }
0x33a: {  	(v2sf) =	vpush v7, $0xF;
	_ =	sdelay $0xb  }
0x33b: {  	s10 =	spop (v2sf)  }
0x33c: {  	s6 =	sadd.s32 s7, s10  }
0x33d: {  	p0 =	slt.s32 s6, $0x100  }
0x33e: {  	s6 =	simm.s32 @!p0 $0x100;
	s11 =	spop (v2sf)  }
0x33f: {  	s8 =	sadd.s32 $0x70, s8;
	s7 =	sadd.s32 s6, s11  }
0x340: {  	v7 =	vor.u32 s8, v0;
	[tilespmem:s6+$0x7200] =	vst.msk vm1, v8;
	p0 =	slt.s32 s7, $0x100  }
0x341: {  	[tilespmem:s6+$0x7380] =	vst.msk vm1, v7;
	s7 =	simm.s32 @!p0 $0x100  }
.LBB2_29:
.Ltmp19:
0x342: {  	(pc) =	sbr.rel .LBB2_30-.Ltmp19, $4  }
0x343: {  	_ = 	snop  }
0x344: {  	s6 =	sadd.s32 $0xF, s7  }
0x345: {  	[tilespmem:s7+$0x7200] =	vst v2;
	s6 =	sshra.s32 s6, $0x4  }
0x346: {  	[tilespmem:s7+$0x7380] =	vst v1;
	p0 =	slt.s32 s6, $0x1  }
.LBB2_31:
0x347: {  	v8 =	vimm.s32 $0x80000000;
	v9 =	vimm.s32 $0x80000000  }
.LBB2_35:
0x348: {  	(xrf0) =	vmax.scan.msk.f32 $0xffff, v7;
	_ =	sdelay $0x5  }
0x349: {  	v10, _, _ =	vpop (xrf0)  }
0x34a: {  	v10 =	vbroadcast v10, $0xF;
	_ =	sdelay $0x1  }
0x34b: {  	vm1 =	veq.f32 v7, v10  }
0x34c: {  	v7 =	vnsel vm1, $0xC0000000, v8  }
0x34d: {  	(xrf0) =	vmin.scan.msk.u32 $0xffff, v7;
	v7 =	vnsel vm1, $0xC0000000, v9  }
0x34e: {  	(xrf0) =	vmin.scan.msk.u32 $0xffff, v7;
	_ =	sdelay $0x4  }
0x34f: {  	v7, _, _ =	vpop (xrf0)  }
0x350: {  	(v2sf) =	vpush v7, $0xF;
	v7, _, _ =	vpop (xrf0)  }
0x351: {  	(v2sf) =	vpush v7, $0xF;
	_ =	sdelay $0xd  }
0x352: {  	s7 =	spop (v2sf)  }
0x353: {  	v7 =	vmov s28;
	s8 =	spop (v2sf)  }
0x354: {  	s28 =	sadd.s32 $0x1, s28;
	s8 =	sxor.u32 $0x80000000, s8  }
0x355: {  	p1 =	sne.s32 s28, $0x20;
	v8 =	vmov s8  }
.Ltmp20:
0x356: {  	_ = 	snop;
	(pc) =	sbr.rel @!p1 .LBB2_36-.Ltmp20, $4  }
0x357: {  	s7 =	sxor.u32 $0x80000000, s7  }
0x358: {  	[tilespmem:v7+s18+$0x0] =	vst.idx.msk $0x1, v10;
	v63 =	vmov s7  }
0x359: {  	[tilespmem:v7+s19+$0x0] =	vst.idx.msk $0x1, v63  }
0x35a: {  	[tilespmem:v8+s20+$0x0] =	vst.idx.msk $0x1, v2  }
.LBB2_30:
.Ltmp21:
0x35b: {  	(pc) =	sbr.rel @p0 .LBB2_31-.Ltmp21, $2  }
0x35c: {  	_ =	sdelay $0x2  }
0x35d: {  	v7 =	vimm.f32 $-3.000000010e+38  }
0x35e: {  	s7 =	simm.s32 $0x7200  }
0x35f: {  	p1 =	sne.s32 s6, $0x1;
	v8 =	vld [tilespmem:s7+$0x0];
	s7 =	simm.s32 $0x7380  }
.Ltmp22:
0x360: {  	v11 =	vld [tilespmem:s7+$0x0];
	(pc) =	sbr.rel @!p1 .LBB2_34-.Ltmp22, $3  }
0x361: {  	_ =	sdelay $0x1  }
0x362: {  	v9 =	vimm.s32 $0x0;
	s8 =	simm.s32 $0x0  }
0x363: {  	s9 =	sadd.s32 $0xFFFFFFFF, s6;
	s11 =	simm.s32 $0x7210;
	v10 =	vimm.s32 $0x0;
	v12 =	vor.u32 s8, v0;
	vm1 =	vgt.f32 v8, v7  }
.LBB2_33:
0x364: {  	p1 =	sne.s32 s9, $0x1;
	s9 =	sadd.s32 $0xFFFFFFFF, s9;
	v7 =	vsel vm1, v8, v7;
	v8 =	vld [tilespmem:s11+$0x0];
	v9 =	vsel vm1, v11, v9;
	v10 =	vsel vm1, v12, v10;
	s7 =	sadd.s32 $0x10, s7  }
.Ltmp23:
0x365: {  	v11 =	vld [tilespmem:s7+$0x0];
	(pc) =	sbr.rel @p1 .LBB2_33-.Ltmp23, $3  }
0x366: {  	_ =	sdelay $0x1  }
0x367: {  	s8 =	sadd.s32 $0x10, s8  }
0x368: {  	s11 =	sadd.s32 $0x10, s11;
	v12 =	vor.u32 s8, v0;
	vm1 =	vgt.f32 v8, v7  }
.LBB2_34:
.Ltmp24:
0x369: {  	(pc) =	sbr.rel .LBB2_35-.Ltmp24, $3  }
0x36a: {  	_ =	sdelay $0x1  }
0x36b: {  	v9 =	vsel vm1, v11, v9;
	v10 =	vsel vm1, v12, v10  }
0x36c: {  	v7 =	vsel vm1, v8, v7;
	v8 =	vxor.u32 $0x80000000, v9;
	v9 =	vxor.u32 $0x80000000, v10  }
.LBB2_36:
0x36d: {  	v7 =	vld [tilespmem:$0x7500]  }
0x36e: {  	v8 =	vld [tilespmem:$0x7510];
	_ =	sdelay $0x3  }
0x36f: {  	(xrf2) =	vadd.scan.msk.f32 $0xffff, v7  }
0x370: {  	(xrf2) =	vadd.scan.msk.f32 $0xffff, v8;
	_ =	sdelay $0x8  }
0x371: {  	v9, _, _ =	vpop (xrf2)  }
0x372: {  	(v2sf) =	vpush v9, $0xF;
	v9, _, _ =	vpop (xrf2)  }
0x373: {  	(v2sf) =	vpush v9, $0xF;
	_ =	sdelay $0xd  }
0x374: {  	s6 =	spop (v2sf)  }
0x375: {  	s7 =	spop (v2sf)  }
0x376: {  	s6 =	sadd.f32 s7, s6;
	_ =	sdelay $0x1  }
0x377: {  	s6 =	sadd.f32 $9.999999930e-09, s6;
	_ =	sdelay $0x1  }
0x378: {  	v9 =	vmov s6  }
0x379: {  	(erf) = vrcp.f32 v9;
	_ =	sdelay $0x3  }
0x37a: {  	v9 =	vld [tilespmem:$0x7580];
	_ =	sdelay $0x4  }
0x37b: {  	v11 =	vshra.s32 v9, $0x7;
	v10 =	vpop (erf)  }
0x37c: {  	v7 =	vmul.f32 v10, v7  }
0x37d: {  	v8 =	vmul.f32 v10, v8  }
0x37e: {  	[tilespmem:$0x7500] =	vst v7  }
0x37f: {  	[tilespmem:$0x7510] =	vst v8;
	v7 =	vld [tilespmem:$0x7590]  }
0x380: {  	v8 =	vld.idx.msk [tilespmem:v11+s25+$0x0], $0xffff;
	_ =	sdelay $0x3  }
0x381: {  	v10 =	vshra.s32 v7, $0x7  }
0x382: {  	v8 =	vsub.s32 v8, v6  }
0x383: {  	v11 =	vand.u32 $0x7F, v9;
	v8 =	vshll.u32 v8, $0x7  }
0x384: {  	v8 =	vor.u32 v11, v8  }
0x385: {  	v11 =	vshll.u32 v8, $0x1  }
0x386: {  	v9 =	vand.u32 $0x7, v9;
	v10 =	vld.idx.msk [tilespmem:v10+s25+$0x0], $0xffff;
	v11 =	vand.u32 $0xFFFFFFF0, v11  }
0x387: {  	v9 =	vor.u32 v9, v11  }
0x388: {  	v11 =	vperm.xlane v9, v3;
	_ =	sdelay $0x1  }
0x389: {  	v9 =	vperm.xlane v9, v5;
	v11 =	vadd.s32 v4, v11  }
0x38a: {  	v6 =	vsub.s32 v10, v6  }
0x38b: {  	v7 =	vand.u32 $0x7F, v7;
	v9 =	vadd.s32 v4, v9;
	v6 =	vshll.u32 v6, $0x7  }
0x38c: {  	[tilespmem:$0x7600] =	vst v8;
	v6 =	vor.u32 v7, v6  }
0x38d: {  	s9 =	simm.s32 $0x0;
	[tilespmem:$0x7610] =	vst v6  }
0x38e: {  	[tilespmem:s21], [sflag:$0x1] =	stream.indirect_vreg.gather [hbm4b:s2+s9], $0x80, v11, vm0, $0xb8;
	[tilespmem:$0xB680] =	vst v63  }
0x38f: {  	_ = 	snop  }
0x390: {  	[tilespmem:s22], [sflag:$0x1] =	stream.indirect_vreg.gather [hbm4b:s2+s9], $0x80, v9, vm0, $0xb8;
	[tilespmem:$0xB680] =	vst v63  }
0x391: {  	v6 =	vld [tilespmem:$0x7610];
	_ =	sdelay $0x4  }
0x392: {  	v7 =	vshll.u32 v6, $0x1  }
0x393: {  	v6 =	vand.u32 $0x7, v6;
	v7 =	vand.u32 $0xFFFFFFF0, v7  }
0x394: {  	v6 =	vor.u32 v6, v7  }
0x395: {  	v7 =	vperm.xlane v6, v3;
	_ =	sdelay $0x1  }
0x396: {  	v6 =	vperm.xlane v6, v5;
	v7 =	vadd.s32 v4, v7;
	_ =	sdelay $0x1  }
0x397: {  	v6 =	vadd.s32 v4, v6;
	_ =	sdelay $0x2  }
0x398: {  	[tilespmem:s23], [sflag:$0x1] =	stream.indirect_vreg.gather [hbm4b:s2+s9], $0x80, v7, vm0, $0xb8;
	[tilespmem:$0xB680] =	vst v63  }
0x399: {  	v7 =	vmov s9  }
0x39a: {  	[tilespmem:s24], [sflag:$0x1] =	stream.indirect_vreg.gather [hbm4b:s2+s9], $0x80, v6, vm0, $0xb8;
	[tilespmem:$0xB680] =	vst v63  }
0x39b: {  	_ =	swait.ge [sflag:s17], $0x2000  }
0x39c: {  	[sflag:s17] =	ssyncset.done $0x0  }
0x39d: {  	[sflag:s17] =	ssyncadd.s32 $0xFFFFE000  }
0x39e: {  	v6 =	vld.idx.msk [tilespmem:v7+s18+$0x0], $0xffff  }
0x39f: {  	s11 =	simm.s32 $0x1;
	s10 =	sand.u32 $0x1800, s9;
	s6 =	sand.u32 $0x380, s9  }
0x3a0: {  	v8 =	vmov s11;
	s9 =	sor.u32 s6, s10  }
0x3a1: {  	v7 =	vld [tilespmem:s9+$0x7AF0]  }
0x3a2: {  	v9 =	vld [tilespmem:s9+$0x7690]  }
0x3a3: {  	v10 =	vld [tilespmem:s9+$0x76A0];
	(xrf0) =	vmax.scan.msk.f32 $0xffff, v6  }
0x3a4: {  	v11 =	vld [tilespmem:s9+$0x76B0]  }
0x3a5: {  	v8 =	vld.idx.msk [tilespmem:v8+s18+$0x0], $0xffff  }
0x3a6: {  	v17 =	vld [tilespmem:s9+$0x76E0]  }
0x3a7: {  	v21 =	vld [tilespmem:s9+$0x7A90]  }
0x3a8: {  	v6 =	vld [tilespmem:s9+$0x7680]  }
0x3a9: {  	v23 =	vld [tilespmem:s9+$0x7AB0];
	v12, _, _ =	vpop (xrf0)  }
0x3aa: {  	v27 =	vld [tilespmem:s9+$0x7AC0];
	v16 =	vbroadcast v12, $0xF  }
0x3ab: {  	v14 =	vld [tilespmem:s9+$0x76C0]  }
0x3ac: {  	v15 =	vld [tilespmem:s9+$0x76D0];
	v7 =	vmul.f32 v7, v16  }
0x3ad: {  	v18 =	vimm.f32 $0.0e+00;
	s28 =	simm.s32 $0x2;
	v19 =	vld [tilespmem:s9+$0x76F0];
	v12 =	vmul.f32 v16, v6;
	v9 =	vmul.f32 v16, v9  }
0x3ae: {  	v30 =	vmov s28;
	v22 =	vld [tilespmem:s9+$0x7AA0];
	(xrf0) =	vmax.scan.msk.f32 $0xffff, v8;
	v8 =	vmul.f32 v17, v16;
	v21 =	vmul.f32 v21, v16  }
0x3af: {  	v20 =	vld [tilespmem:s9+$0x7A80];
	v28 =	vmul.f32 v23, v16;
	v29 =	vmul.f32 v27, v16;
	v23 =	vimm.f32 $0.0e+00  }
0x3b0: {  	v6 =	vadd.f32 v7, v18;
	v7 =	vmul.f32 v10, v16;
	v10 =	vmul.f32 v11, v16  }
0x3b1: {  	s7 =	simm.s32 $0x100;
	s6 =	simm.s32 $0x80;
	v12 =	vadd.f32 v12, v18;
	v13 =	vadd.f32 v9, v18;
	v11 =	vmul.f32 v14, v16  }
0x3b2: {  	s8 =	sand.u32 $0x1800, s7;
	s10 =	sand.u32 $0x380, s6;
	v24 =	vld [tilespmem:s9+$0x7AD0];
	v17 =	vadd.f32 v8, v18;
	v14 =	vadd.f32 v7, v18;
	v7 =	vmul.f32 v15, v16  }
0x3b3: {  	s8 =	sor.u32 s10, s8;
	v25 =	vld [tilespmem:s9+$0x7AE0];
	v8 =	vmul.f32 v22, v16;
	v9 =	vadd.f32 v10, v18;
	v15 =	vmul.f32 v19, v16  }
0x3b4: {  	v10 =	vadd.f32 v11, v18;
	v11 =	vadd.f32 v7, v18;
	v7 =	vmul.f32 v20, v16;
	v20 =	vld [tilespmem:s8+$0x7AF0]  }
0x3b5: {  	v26 =	vld [tilespmem:s8+$0x7680];
	v22 =	vimm.f32 $0.0e+00;
	v8 =	vadd.f32 v8, v18;
	v15 =	vadd.f32 v15, v18  }
0x3b6: {  	s9 =	simm.s32 $0x3;
	v27 =	vld [tilespmem:s8+$0x7690];
	v31, _, _ =	vpop (xrf0);
	v19 =	vadd.f32 v7, v18;
	v7 =	vadd.f32 v21, v18;
	v21 =	vimm.f32 $0.0e+00  }
.LBB2_37:
0x3b7: {  	p0 =	sne.s32 s9, $0x1F;
	v31 =	vbroadcast v31, $0xF;
	v32 =	vld [tilespmem:s8+$0x76A0];
	v18 =	vadd.f32 v28, v18;
	v24 =	vmul.f32 v24, v16  }
0x3b8: {  	v28 =	vld [tilespmem:s8+$0x76B0];
	v23 =	vadd.f32 v29, v23;
	v25 =	vmul.f32 v25, v16  }
0x3b9: {  	v29 =	vld [tilespmem:s8+$0x76C0];
	v20 =	vmul.f32 v20, v31;
	v21 =	vadd.f32 v24, v21;
	v16 =	vmov v31  }
0x3ba: {  	v24 =	vmul.f32 v16, v26;
	v26 =	vld [tilespmem:s8+$0x76D0];
	v22 =	vadd.f32 v25, v22  }
0x3bb: {  	v25 =	vld.idx.msk [tilespmem:v30+s18+$0x0], $0xffff;
	v27 =	vmul.f32 v16, v27;
	v6 =	vadd.f32 v20, v6  }
0x3bc: {  	v12 =	vadd.f32 v24, v12;
	v20 =	vmul.f32 v32, v16;
	v24 =	vld [tilespmem:s8+$0x76E0]  }
0x3bd: {  	v13 =	vadd.f32 v27, v13;
	v27 =	vmul.f32 v28, v16;
	v28 =	vld [tilespmem:s8+$0x76F0]  }
0x3be: {  	v14 =	vadd.f32 v20, v14;
	v20 =	vmul.f32 v29, v16;
	v29 =	vld [tilespmem:s8+$0x7A80]  }
0x3bf: {  	v9 =	vadd.f32 v27, v9;
	v26 =	vmul.f32 v26, v16;
	v27 =	vld [tilespmem:s8+$0x7A90]  }
0x3c0: {  	v10 =	vadd.f32 v20, v10;
	v30 =	vld [tilespmem:s8+$0x7AA0]  }
0x3c1: {  	(xrf0) =	vmax.scan.msk.f32 $0xffff, v25;
	v11 =	vadd.f32 v26, v11;
	v20 =	vmul.f32 v24, v16;
	v31 =	vld [tilespmem:s8+$0x7AB0]  }
0x3c2: {  	s6 =	sadd.s32 $0x80, s6;
	s7 =	sadd.s32 $0x100, s7;
	v25 =	vmul.f32 v28, v16;
	v32 =	vld [tilespmem:s8+$0x7AC0]  }
.Ltmp25:
0x3c3: {  	s10 =	sand.u32 $0x1800, s7;
	s11 =	sand.u32 $0x380, s6;
	v17 =	vadd.f32 v20, v17;
	v26 =	vmul.f32 v29, v16;
	v24 =	vld [tilespmem:s8+$0x7AD0];
	(pc) =	sbr.rel @p0 .LBB2_37-.Ltmp25, $4  }
0x3c4: {  	v15 =	vadd.f32 v25, v15;
	v27 =	vmul.f32 v27, v16;
	v25 =	vld [tilespmem:s8+$0x7AE0];
	s8 =	sor.u32 s11, s10  }
0x3c5: {  	v20 =	vld [tilespmem:s8+$0x7AF0];
	v19 =	vadd.f32 v26, v19;
	v29 =	vmul.f32 v30, v16  }
0x3c6: {  	v26 =	vld [tilespmem:s8+$0x7680];
	v7 =	vadd.f32 v27, v7;
	v28 =	vmul.f32 v31, v16  }
0x3c7: {  	v30 =	vmov s9;
	s9 =	sadd.s32 $0x1, s9;
	v27 =	vld [tilespmem:s8+$0x7690];
	v31, _, _ =	vpop (xrf0);
	v8 =	vadd.f32 v29, v8;
	v29 =	vmul.f32 v32, v16  }
0x3c8: {  	v32 =	vld [tilespmem:s8+$0x76A0]  }
0x3c9: {  	v33 =	vld [tilespmem:s8+$0x76B0]  }
0x3ca: {  	v34 =	vld [tilespmem:s8+$0x76C0]  }
0x3cb: {  	v35 =	vld [tilespmem:s8+$0x76D0]  }
0x3cc: {  	v30 =	vld.idx.msk [tilespmem:v30+s18+$0x0], $0xffff  }
0x3cd: {  	v36 =	vld [tilespmem:s8+$0x76E0]  }
0x3ce: {  	v37 =	vld [tilespmem:s8+$0x76F0]  }
0x3cf: {  	v38 =	vld [tilespmem:s8+$0x7A80]  }
0x3d0: {  	v39 =	vld [tilespmem:s8+$0x7A90]  }
0x3d1: {  	v40 =	vld [tilespmem:s8+$0x7AA0]  }
0x3d2: {  	v41 =	vld [tilespmem:s8+$0x7AB0]  }
0x3d3: {  	v42 =	vld [tilespmem:s8+$0x7AC0];
	s6 =	sadd.s32 $0x80, s6;
	s7 =	sadd.s32 $0x100, s7  }
0x3d4: {  	v43 =	vld [tilespmem:s8+$0x7AD0];
	s7 =	sand.u32 $0x1800, s7;
	s6 =	sand.u32 $0x380, s6  }
0x3d5: {  	v44 =	vld [tilespmem:s8+$0x7AE0];
	s6 =	sor.u32 s6, s7  }
0x3d6: {  	v45 =	vld [tilespmem:s6+$0x7AF0]  }
0x3d7: {  	v46 =	vld [tilespmem:s6+$0x7680]  }
0x3d8: {  	v47 =	vld [tilespmem:s6+$0x7690];
	(xrf0) =	vmax.scan.msk.f32 $0xffff, v30  }
0x3d9: {  	v31 =	vbroadcast v31, $0xF;
	v62 =	vld [tilespmem:s6+$0x76A0]  }
0x3da: {  	v18 =	vadd.f32 v28, v18;
	v24 =	vmul.f32 v24, v16;
	v63 =	vmul.f32 v25, v16;
	v48 =	vld [tilespmem:s6+$0x76B0]  }
0x3db: {  	v23 =	vadd.f32 v29, v23;
	v25 =	vld [tilespmem:s6+$0x76C0];
	v26 =	vmul.f32 v31, v26;
	v27 =	vmul.f32 v31, v27  }
0x3dc: {  	v21 =	vadd.f32 v24, v21;
	v28 =	vld [tilespmem:s6+$0x76D0];
	v49 =	vmul.f32 v32, v31;
	v50 =	vmul.f32 v33, v31  }
0x3dd: {  	v16 =	vadd.f32 v63, v22;
	v24 =	vld [tilespmem:s6+$0x76E0];
	v51 =	vmul.f32 v34, v31;
	v52 =	vmul.f32 v35, v31  }
0x3de: {  	v29 =	vld [tilespmem:s6+$0x7AB0];
	v12 =	vadd.f32 v26, v12;
	v54 =	vmul.f32 v36, v31;
	v55 =	vmul.f32 v37, v31;
	v53, _, _ =	vpop (xrf0)  }
0x3df: {  	v61 =	vld [tilespmem:s6+$0x7AD0];
	v56 =	vmul.f32 v38, v31;
	v13 =	vadd.f32 v27, v13;
	v32 =	vbroadcast v53, $0xF  }
0x3e0: {  	v33 =	vld [tilespmem:s6+$0x7A80];
	v59 =	vmul.f32 v39, v31;
	v14 =	vadd.f32 v49, v14;
	v9 =	vadd.f32 v50, v9  }
0x3e1: {  	v34 =	vld [tilespmem:s6+$0x7A90];
	v10 =	vadd.f32 v51, v10;
	v11 =	vadd.f32 v52, v11;
	v57 =	vmul.f32 v32, v46  }
0x3e2: {  	v36 =	vld [tilespmem:s6+$0x7AA0];
	v17 =	vadd.f32 v54, v17;
	v15 =	vadd.f32 v55, v15;
	v58 =	vmul.f32 v32, v47  }
0x3e3: {  	s1 =	sshll.u32 s1, $0x8;
	v35 =	vld [tilespmem:s6+$0x7AC0];
	v19 =	vadd.f32 v56, v19;
	v60 =	vmul.f32 v62, v32;
	v12 =	vadd.f32 v57, v12  }
0x3e4: {  	s1 =	sand.u32 $0x3FFFFF00, s1;
	v27 =	vld [tilespmem:s6+$0x76F0];
	v7 =	vadd.f32 v59, v7;
	v63 =	vmul.f32 v48, v32;
	v13 =	vadd.f32 v58, v13  }
0x3e5: {  	v49 =	vmul.f32 v20, v31;
	v46 =	vld [tilespmem:s6+$0x7AE0];
	v47 =	vmul.f32 v25, v32;
	v14 =	vadd.f32 v60, v14;
	[tilespmem:s1+$0x9680] =	vst v12  }
0x3e6: {  	v51 =	vmul.f32 v41, v31;
	v48 =	vmul.f32 v28, v32;
	v9 =	vadd.f32 v63, v9;
	[tilespmem:s1+$0x9690] =	vst v13  }
0x3e7: {  	v56 =	vmul.f32 v43, v31;
	v55 =	vmul.f32 v34, v32;
	v10 =	vadd.f32 v47, v10;
	[tilespmem:s1+$0x96A0] =	vst v14  }
0x3e8: {  	v59 =	vmul.f32 v44, v31;
	v50 =	vmul.f32 v24, v32;
	v11 =	vadd.f32 v48, v11;
	[tilespmem:s1+$0x96B0] =	vst v9  }
0x3e9: {  	v62 =	vmul.f32 v40, v31;
	v52 =	vmul.f32 v27, v32;
	v7 =	vadd.f32 v55, v7;
	[tilespmem:s1+$0x96C0] =	vst v10  }
0x3ea: {  	v6 =	vadd.f32 v49, v6;
	v54 =	vmul.f32 v33, v32;
	v14 =	vadd.f32 v50, v17;
	[tilespmem:s1+$0x96D0] =	vst v11  }
0x3eb: {  	v8 =	vadd.f32 v62, v8;
	v57 =	vmul.f32 v36, v32;
	v13 =	vadd.f32 v52, v15;
	[tilespmem:s1+$0x9710] =	vst v7  }
0x3ec: {  	v53 =	vmul.f32 v42, v31;
	v63 =	vmul.f32 v45, v32;
	v17 =	vadd.f32 v54, v19;
	[tilespmem:s1+$0x96E0] =	vst v14  }
0x3ed: {  	v58 =	vmul.f32 v29, v32;
	v9 =	vadd.f32 v51, v18;
	v8 =	vadd.f32 v57, v8;
	[tilespmem:s1+$0x96F0] =	vst v13  }
0x3ee: {  	s0 =	sadd.s32 $0x1, s0;
	v60 =	vmul.f32 v35, v32;
	v10 =	vadd.f32 v53, v23;
	v6 =	vadd.f32 v63, v6;
	[tilespmem:s1+$0x9700] =	vst v17  }
0x3ef: {  	p0 =	sne.s32 s0, $0x10;
	v61 =	vmul.f32 v61, v32;
	v11 =	vadd.f32 v56, v21;
	v9 =	vadd.f32 v58, v9;
	[tilespmem:s1+$0x9720] =	vst v8  }
.Ltmp26:
0x3f0: {  	v7 =	vadd.f32 v59, v16;
	v62 =	vmul.f32 v46, v32;
	v10 =	vadd.f32 v60, v10;
	[tilespmem:s1+$0x9770] =	vst v6;
	(pc) =	sbr.rel @p0 .LBB2_2-.Ltmp26, $4  }
.Ltmp27:
0x3f1: {  	v11 =	vadd.f32 v61, v11;
	[tilespmem:s1+$0x9730] =	vst v9;
	(pc) =	sbr.rel @!p0 .LBB2_39-.Ltmp27, $4  }
0x3f2: {  	v7 =	vadd.f32 v62, v7;
	[tilespmem:s1+$0x9740] =	vst v10  }
0x3f3: {  	[tilespmem:s1+$0x9750] =	vst v11  }
0x3f4: {  	s31 =	sadd.s32 $0x400, s31;
	s30 =	sadd.s32 $0x400, s30;
	[tilespmem:s1+$0x9760] =	vst v7  }
0x3f5: {  	_ = 	snop  }
.LBB2_6:
.Ltmp28:
0x3f6: {  	(pc) =	sbr.rel .LBB2_10-.Ltmp28, $2  }
0x3f7: {  	_ =	sdelay $0x2  }
0x3f8: {  	s8 =	simm.s32 $0x0  }
.LBB2_24:
.Ltmp29:
0x3f9: {  	(pc) =	sbr.rel .LBB2_28-.Ltmp29, $2  }
0x3fa: {  	_ =	sdelay $0x2  }
0x3fb: {  	s8 =	simm.s32 $0x0  }
.LBB2_8:
.Ltmp30:
0x3fc: {  	(pc) =	sbr.rel .LBB2_10-.Ltmp30, $2  }
0x3fd: {  	_ =	sdelay $0x2  }
0x3fe: {  	s8 =	simm.s32 $0x0  }
.LBB2_26:
.Ltmp31:
0x3ff: {  	(pc) =	sbr.rel .LBB2_28-.Ltmp31, $2  }
0x400: {  	_ =	sdelay $0x2  }
0x401: {  	s8 =	simm.s32 $0x0  }
.LBB2_40:
0x402: {  	_ =	sfence.sel $0x180000  }
0x403: {  	[bflag:$0x0] =	sbarrier.arrive $0xFFFF  }
0x404: {  	_ =	strace $0x90000047  }
0x405: {  	s0 =	stileid.u32;
	[bflag:$0x2] =	sbarrier.arrive $0xFFFF  }
0x406: {  	p0 =	sne.s32 s0, $0x0;
	s0 =	rddreg [dreg:$0x3]  }
0x407: {  	s0 =	sadd.s32 @!p0 $0x100000, s0  }
0x408: {  	[sflag:s0] =	ssyncadd.tile.s32 @!p0 $0x1;
	_ =	shalt  }
.Lfunc_end2:
_tile_overlayer_lowered:
.L_overlay_start_2:
0x409: {  	(tag) =	ssettag $0x2  }
0x40a: {  	s0 =	rddreg [dreg:$0x0];
	s2 =	stileid.u32  }
0x40b: {  	s1 =	rddreg [dreg:$0x1];
	p0 =	sne.s32 s2, $0x0  }
0x40c: {  	s3 =	rddreg [dreg:$0x2];
	[bflag:$0x3] =	sbarrier.arrive $0xFFFF;
	s2 =	simm.s32 @!p0 $0x1C02  }
0x40d: {  	[timem:s3], [sflag:s2] =	dma.local @!p0 [hbm:s0], s1  }
0x40e: {  	s0 =	simm.s32 @!p0 $0x2  }
0x40f: {  	_ =	swait.ge @!p0 [sflag:s0], s1  }
0x410: {  	s1 =	ssub.s32 @!p0 $0x0, s1;
	[sflag:s0] =	ssyncset.done @!p0 $0x0  }
0x411: {  	[sflag:s0] =	ssyncadd.s32 @!p0 s1  }
0x412: {  	[bflag:$0x3] =	sbarrier.arrive $0xFFFF  }
0x413: {  	_ =	shalt  }

</sc_bundles>
